<compile_context>
chip_gen: v7x
topology: tpu7x:2x2x1
jax: 0.10.2.dev20260603
libtpu: 0.0.44.dev20260713+nightly
codegen_flags: <defaults>
</compile_context>

<pallas_src>
import functools

import jax
import jax.numpy as jnp
from jax import lax
from jax.experimental import pallas as pl
from jax.experimental.pallas import tpu as pltpu
from jax.experimental.pallas import tpu_sc as plsc

D_MODEL = 64
NUM_CORES = 2
NUM_SUBCORES = 16
NUM_WORKERS = NUM_CORES * NUM_SUBCORES

B_TOK = 4096
S_TOK = 200
SB = S_TOK // 8
BB = B_TOK // 128
KP = 4

TASKS = S_TOK * (BB // KP)
TASKS_PER_W = TASKS // NUM_WORKERS

mesh = plsc.VectorSubcoreMesh(core_axis_name="c", subcore_axis_name="s")


@functools.partial(
    pl.kernel,
    mesh=mesh,
    out_type=jax.ShapeDtypeStruct((B_TOK, S_TOK, D_MODEL), jnp.float32),
    scratch_types=[
        pltpu.VMEM((2, KP, 128), jnp.int32),
        pltpu.VMEM((2, KP * 128, D_MODEL), jnp.float32),
        pltpu.SemaphoreType.DMA((2,)),
        pltpu.SemaphoreType.DMA((2,)),
    ],
    compiler_params=pltpu.CompilerParams(use_tc_tiling_on_sc=False),
)
def _lookup(ids_hbm, table_hbm, out_hbm, idx_v, rows_v, gsem, wsem):
    wid = lax.axis_index("s") * NUM_CORES + lax.axis_index("c")
    t0 = wid * TASKS_PER_W

    def coords(t):
        s = t // (BB // KP)
        p = t % (BB // KP)
        return s // 8, s % 8, p

    def stage_ids(t, b):
        s8, ss, p = coords(t)
        pltpu.sync_copy(ids_hbm.at[s8, pl.ds(KP * p, KP), ss, :], idx_v.at[b])

    def gather_desc(b, k):
        return pltpu.make_async_copy(
            table_hbm.at[idx_v.at[b, k]],
            rows_v.at[b, pl.ds(k * 128, 128)],
            gsem.at[b],
        )

    def write_desc(t, b, k):
        s8, ss, p = coords(t)
        return pltpu.make_async_copy(
            rows_v.at[b, pl.ds(k * 128, 128)],
            out_hbm.at[pl.ds((KP * p + k) * 128, 128), s8 * 8 + ss, :],
            wsem.at[b],
        )

    for b in range(2):
        stage_ids(t0 + b, b)
        for k in range(KP):
            gather_desc(b, k).start()

    def body(j, carry):
        for b in range(2):
            t = t0 + 2 * j + b
            for k in range(KP):
                gather_desc(b, k).wait()
            for k in range(KP):
                write_desc(t, b, k).start()
        for b in range(2):
            t = t0 + 2 * j + b
            for k in range(KP):
                write_desc(t, b, k).wait()

            @pl.when(2 * j + b + 2 < TASKS_PER_W)
            def _():
                stage_ids(t + 2, b)
                for k in range(KP):
                    gather_desc(b, k).start()

        return carry

    lax.fori_loop(0, TASKS_PER_W // 2, body, 0)


@jax.jit
def kernel(token_ids, embedding_weight):
    ids_view = (
        token_ids.astype(jnp.int32)
        .T.reshape(SB, 8, BB, 128)
        .transpose(0, 2, 1, 3)
    )
    out = _lookup(ids_view, embedding_weight)
    return out

# --- scband reference (transcript-rebuilt; emitter-appended) ---
"""Pipeline reference for scband-token-embedding-80436147519978 (READ-ONLY COPY).

The authoritative reference and input builder live on the scoring server;
editing this copy changes nothing except your own understanding.
"""

import jax, jax.numpy as jnp
import numpy as np

VOCAB = 1000000
D_MODEL = 64

def setup_inputs(seed: int = 0) -> dict:
    key = jax.random.key(seed)
    k1, k2 = jax.random.split(key)
    token_ids = jax.random.randint(k1, (4096, 200), 0, VOCAB, dtype=jnp.int64 if jax.config.jax_enable_x64 else jnp.int32)
    embedding_weight = jax.random.normal(k2, (VOCAB, D_MODEL), dtype=jnp.float32)
    return {"token_ids": token_ids, "embedding_weight": embedding_weight}

def reference(token_ids, embedding_weight):
    # nn.Embedding forward: gather rows of the table by token id
    return jnp.take(embedding_weight, token_ids, axis=0)

if __name__ == "__main__":
    import jax
    _d = setup_inputs()
    print(jax.jit(kernel)(*tuple(_d.values())))

</pallas_src>

<mosaic_0001>
#map = affine_map<(d0, d1) -> (0, 0, 0, 0)>
#map1 = affine_map<(d0, d1) -> (0, 0)>
#map2 = affine_map<(d0, d1) -> (0, 0, 0)>
module attributes {stable_mosaic.version = 14 : i64} {
  func.func @_lookup(%arg0: i32, %arg1: i32, %arg2: memref<25x32x8x128xi32, #tpu.memory_space<hbm>>, %arg3: memref<1000000x64xf32, #tpu.memory_space<hbm>>, %arg4: memref<4096x200x64xf32, #tpu.memory_space<hbm>>, %arg5: memref<2x4x128xi32, #tpu.memory_space<vmem>>, %arg6: memref<2x512x64xf32, #tpu.memory_space<vmem>>, %arg7: memref<2x!tpu.dma_semaphore, #tpu.memory_space<semaphore_mem>>, %arg8: memref<2x!tpu.dma_semaphore, #tpu.memory_space<semaphore_mem>>) attributes {dimension_semantics = [#tpu.dimension_semantics<core_parallel>, #tpu.dimension_semantics<subcore_parallel>], iteration_bounds = array<i64: 2, 16>, scalar_prefetch = 0 : i64, scratch_operands = 4 : i64, tpu.core_type = #tpu.core_type<sc_vector_subcore>, window_params = [{transform_indices = #map}, {transform_indices = #map1}, {transform_indices = #map2}]} {
    %mul3A = arith.constant 2 : i32
    %mul3A_0 = arith.muli %arg1, %mul3A : i32
    %add3A = arith.addi %mul3A_0, %arg0 : i32
    %mul3A_1 = arith.constant 50 : i32
    %mul3A_2 = arith.muli %add3A, %mul3A_1 : i32
    %add3A_3 = arith.constant 0 : i32
    %add3A_4 = arith.addi %mul3A_2, %add3A_3 : i32
    %jit3A = arith.constant 8 : i32
    %div3A = arith.divsi %add3A_4, %jit3A : i32
    %sign3A = arith.constant 0 : i32
    %sign3A_5 = arith.cmpi sgt, %add3A_4, %sign3A : i32
    %sign3A_6 = arith.extui %sign3A_5 : i1 to i32
    %sign3A_7 = arith.constant 0 : i32
    %sign3A_8 = arith.cmpi slt, %add3A_4, %sign3A_7 : i32
    %sign3A_9 = arith.extui %sign3A_8 : i1 to i32
    %sign3A_10 = arith.subi %sign3A_6, %sign3A_9 : i32
    %sign3A_11 = arith.constant 0 : i32
    %sign3A_12 = arith.cmpi sgt, %jit3A, %sign3A_11 : i32
    %sign3A_13 = arith.extui %sign3A_12 : i1 to i32
    %sign3A_14 = arith.constant 0 : i32
    %sign3A_15 = arith.cmpi slt, %jit3A, %sign3A_14 : i32
    %sign3A_16 = arith.extui %sign3A_15 : i1 to i32
    %sign3A_17 = arith.subi %sign3A_13, %sign3A_16 : i32
    %ne3A = arith.cmpi ne, %sign3A_10, %sign3A_17 : i32
    %rem3A = arith.remsi %add3A_4, %jit3A : i32
    %ne3A_18 = arith.constant 0 : i32
    %ne3A_19 = arith.cmpi ne, %rem3A, %ne3A_18 : i32
    %and3A = arith.andi %ne3A, %ne3A_19 : i1
    %sub3A = arith.constant 1 : i32
    %sub3A_20 = arith.subi %div3A, %sub3A : i32
    %select_n3A = arith.select %and3A, %sub3A_20, %div3A : i32
    %jit3A_21 = arith.constant 8 : i32
    %eq3A = arith.constant 0 : i32
    %eq3A_22 = arith.cmpi eq, %jit3A_21, %eq3A : i32
    %jit3A_23 = arith.constant 1 : i32
    %select_n3A_24 = arith.select %eq3A_22, %jit3A_23, %jit3A_21 : i32
    %rem3A_25 = arith.remsi %add3A_4, %select_n3A_24 : i32
    %ne3A_26 = arith.constant 0 : i32
    %ne3A_27 = arith.cmpi ne, %rem3A_25, %ne3A_26 : i32
    %lt3A = arith.constant 0 : i32
    %lt3A_28 = arith.cmpi slt, %rem3A_25, %lt3A : i32
    %lt3A_29 = arith.constant 0 : i32
    %lt3A_30 = arith.cmpi slt, %select_n3A_24, %lt3A_29 : i32
    %ne3A_31 = arith.xori %lt3A_28, %lt3A_30 : i1
    %and3A_32 = arith.andi %ne3A_31, %ne3A_27 : i1
    %add3A_33 = arith.addi %rem3A_25, %select_n3A_24 : i32
    %select_n3A_34 = arith.select %and3A_32, %add3A_33, %rem3A_25 : i32
    %jit3A_35 = arith.constant 8 : i32
    %div3A_36 = arith.divsi %select_n3A, %jit3A_35 : i32
    %sign3A_37 = arith.constant 0 : i32
    %sign3A_38 = arith.cmpi sgt, %select_n3A, %sign3A_37 : i32
    %sign3A_39 = arith.extui %sign3A_38 : i1 to i32
    %sign3A_40 = arith.constant 0 : i32
    %sign3A_41 = arith.cmpi slt, %select_n3A, %sign3A_40 : i32
    %sign3A_42 = arith.extui %sign3A_41 : i1 to i32
    %sign3A_43 = arith.subi %sign3A_39, %sign3A_42 : i32
    %sign3A_44 = arith.constant 0 : i32
    %sign3A_45 = arith.cmpi sgt, %jit3A_35, %sign3A_44 : i32
    %sign3A_46 = arith.extui %sign3A_45 : i1 to i32
    %sign3A_47 = arith.constant 0 : i32
    %sign3A_48 = arith.cmpi slt, %jit3A_35, %sign3A_47 : i32
    %sign3A_49 = arith.extui %sign3A_48 : i1 to i32
    %sign3A_50 = arith.subi %sign3A_46, %sign3A_49 : i32
    %ne3A_51 = arith.cmpi ne, %sign3A_43, %sign3A_50 : i32
    %rem3A_52 = arith.remsi %select_n3A, %jit3A_35 : i32
    %ne3A_53 = arith.constant 0 : i32
    %ne3A_54 = arith.cmpi ne, %rem3A_52, %ne3A_53 : i32
    %and3A_55 = arith.andi %ne3A_51, %ne3A_54 : i1
    %sub3A_56 = arith.constant 1 : i32
    %sub3A_57 = arith.subi %div3A_36, %sub3A_56 : i32
    %select_n3A_58 = arith.select %and3A_55, %sub3A_57, %div3A_36 : i32
    %jit3A_59 = arith.constant 8 : i32
    %eq3A_60 = arith.constant 0 : i32
    %eq3A_61 = arith.cmpi eq, %jit3A_59, %eq3A_60 : i32
    %jit3A_62 = arith.constant 1 : i32
    %select_n3A_63 = arith.select %eq3A_61, %jit3A_62, %jit3A_59 : i32
    %rem3A_64 = arith.remsi %select_n3A, %select_n3A_63 : i32
    %ne3A_65 = arith.constant 0 : i32
    %ne3A_66 = arith.cmpi ne, %rem3A_64, %ne3A_65 : i32
    %lt3A_67 = arith.constant 0 : i32
    %lt3A_68 = arith.cmpi slt, %rem3A_64, %lt3A_67 : i32
    %lt3A_69 = arith.constant 0 : i32
    %lt3A_70 = arith.cmpi slt, %select_n3A_63, %lt3A_69 : i32
    %ne3A_71 = arith.xori %lt3A_68, %lt3A_70 : i1
    %and3A_72 = arith.andi %ne3A_71, %ne3A_66 : i1
    %add3A_73 = arith.addi %rem3A_64, %select_n3A_63 : i32
    %select_n3A_74 = arith.select %and3A_72, %add3A_73, %rem3A_64 : i32
    %mul3A_75 = arith.constant 4 : i32
    %mul3A_76 = arith.muli %mul3A_75, %select_n3A_34 : i32
    %run_scoped3A = arith.constant 0 : i32
    "tpu.region"() ({
      %run_scoped3A_294 = tpu.sem_alloc : memref<!tpu.dma_semaphore, #tpu.memory_space<semaphore_mem>>
      %dma_start3A_295 = arith.constant 0 : i32
      %dma_start3A_296 = arith.constant 0 : i32
      %dma_start3A_297 = tpu.memref_slice %arg5[%run_scoped3A, %dma_start3A_295, %dma_start3A_296] : memref<2x4x128xi32, #tpu.memory_space<vmem>> -> memref<1x4x128xi32, #tpu.memory_space<vmem>>
      %dma_start3A_298 = tpu.memref_squeeze %dma_start3A_297 : memref<1x4x128xi32, #tpu.memory_space<vmem>> -> memref<4x128xi32, #tpu.memory_space<vmem>>
      %dma_start3A_299 = arith.constant 0 : i32
      %dma_start3A_300 = tpu.memref_slice %arg2[%select_n3A_58, %mul3A_76, %select_n3A_74, %dma_start3A_299] : memref<25x32x8x128xi32, #tpu.memory_space<hbm>> -> memref<1x4x1x128xi32, #tpu.memory_space<hbm>>
      %dma_start3A_301 = tpu.memref_squeeze %dma_start3A_300 : memref<1x4x1x128xi32, #tpu.memory_space<hbm>> -> memref<4x128xi32, #tpu.memory_space<hbm>>
      %dma_start3A_302 = arith.constant 0 : i32
      %dma_start3A_303 = arith.constant 0 : i32
      %dma_start3A_304 = tpu.memref_slice %arg5[%run_scoped3A, %dma_start3A_302, %dma_start3A_303] : memref<2x4x128xi32, #tpu.memory_space<vmem>> -> memref<1x4x128xi32, #tpu.memory_space<vmem>>
      %dma_start3A_305 = tpu.memref_squeeze %dma_start3A_304 : memref<1x4x128xi32, #tpu.memory_space<vmem>> -> memref<4x128xi32, #tpu.memory_space<vmem>>
      %dma_start3A_306 = arith.constant 0 : i32
      %dma_start3A_307 = tpu.memref_slice %arg2[%select_n3A_58, %mul3A_76, %select_n3A_74, %dma_start3A_306] : memref<25x32x8x128xi32, #tpu.memory_space<hbm>> -> memref<1x4x1x128xi32, #tpu.memory_space<hbm>>
      %dma_start3A_308 = tpu.memref_squeeze %dma_start3A_307 : memref<1x4x1x128xi32, #tpu.memory_space<hbm>> -> memref<4x128xi32, #tpu.memory_space<hbm>>
      tpu.enqueue_dma source(%dma_start3A_308 : memref<4x128xi32, #tpu.memory_space<hbm>>) target(%dma_start3A_305 : memref<4x128xi32, #tpu.memory_space<vmem>>) target_semaphore(%run_scoped3A_294 : memref<!tpu.dma_semaphore, #tpu.memory_space<semaphore_mem>>)
      %dma_wait3A = arith.constant 0 : i32
      %dma_wait3A_309 = arith.constant 0 : i32
      %dma_wait3A_310 = tpu.memref_slice %arg5[%run_scoped3A, %dma_wait3A, %dma_wait3A_309] : memref<2x4x128xi32, #tpu.memory_space<vmem>> -> memref<1x4x128xi32, #tpu.memory_space<vmem>>
      %dma_wait3A_311 = tpu.memref_squeeze %dma_wait3A_310 : memref<1x4x128xi32, #tpu.memory_space<vmem>> -> memref<4x128xi32, #tpu.memory_space<vmem>>
      %dma_wait3A_312 = arith.constant 0 : i32
      %dma_wait3A_313 = tpu.memref_slice %arg2[%select_n3A_58, %mul3A_76, %select_n3A_74, %dma_wait3A_312] : memref<25x32x8x128xi32, #tpu.memory_space<hbm>> -> memref<1x4x1x128xi32, #tpu.memory_space<hbm>>
      %dma_wait3A_314 = tpu.memref_squeeze %dma_wait3A_313 : memref<1x4x1x128xi32, #tpu.memory_space<hbm>> -> memref<4x128xi32, #tpu.memory_space<hbm>>
      %dma_wait3A_315 = arith.constant 0 : i32
      %dma_wait3A_316 = arith.constant 0 : i32
      %dma_wait3A_317 = tpu.memref_slice %arg5[%run_scoped3A, %dma_wait3A_315, %dma_wait3A_316] : memref<2x4x128xi32, #tpu.memory_space<vmem>> -> memref<1x4x128xi32, #tpu.memory_space<vmem>>
      %dma_wait3A_318 = tpu.memref_squeeze %dma_wait3A_317 : memref<1x4x128xi32, #tpu.memory_space<vmem>> -> memref<4x128xi32, #tpu.memory_space<vmem>>
      %dma_wait3A_319 = arith.constant 0 : i32
      %dma_wait3A_320 = tpu.memref_slice %arg2[%select_n3A_58, %mul3A_76, %select_n3A_74, %dma_wait3A_319] : memref<25x32x8x128xi32, #tpu.memory_space<hbm>> -> memref<1x4x1x128xi32, #tpu.memory_space<hbm>>
      %dma_wait3A_321 = tpu.memref_squeeze %dma_wait3A_320 : memref<1x4x1x128xi32, #tpu.memory_space<hbm>> -> memref<4x128xi32, #tpu.memory_space<hbm>>
      tpu.wait_dma2 semaphore(%run_scoped3A_294 : memref<!tpu.dma_semaphore, #tpu.memory_space<semaphore_mem>>) src(%dma_wait3A_321 : memref<4x128xi32, #tpu.memory_space<hbm>>) dst(%dma_wait3A_318 : memref<4x128xi32, #tpu.memory_space<vmem>>)
      tpu.yield
    }) : () -> ()
    %dma_start3A = arith.constant 0 : i32
    %dma_start3A_77 = arith.constant 0 : i32
    %dma_start3A_78 = arith.constant 0 : i32
    %dma_start3A_79 = arith.constant 0 : i32
    %dma_start3A_80 = arith.constant 0 : i32
    %dma_start3A_81 = arith.constant 0 : i32
    %dma_start3A_82 = tpu.memref_slice %arg6[%dma_start3A_78, %dma_start3A_80, %dma_start3A_81] : memref<2x512x64xf32, #tpu.memory_space<vmem>> -> memref<1x128x64xf32, #tpu.memory_space<vmem>>
    %dma_start3A_83 = tpu.memref_squeeze %dma_start3A_82 : memref<1x128x64xf32, #tpu.memory_space<vmem>> -> memref<128x64xf32, #tpu.memory_space<vmem>>
    %dma_start3A_84 = arith.constant 0 : i32
    %dma_start3A_85 = tpu.memref_slice %arg5[%dma_start3A, %dma_start3A_77, %dma_start3A_84] : memref<2x4x128xi32, #tpu.memory_space<vmem>> -> memref<1x1x128xi32, #tpu.memory_space<vmem>>
    %dma_start3A_86 = tpu.memref_squeeze %dma_start3A_85 : memref<1x1x128xi32, #tpu.memory_space<vmem>> -> memref<128xi32, #tpu.memory_space<vmem>>
    %dma_start3A_87 = arith.constant 0 : i32
    %dma_start3A_88 = arith.constant 0 : i32
    %dma_start3A_89 = tpu.memref_slice %arg3[%dma_start3A_87, %dma_start3A_88] : memref<1000000x64xf32, #tpu.memory_space<hbm>> -> memref<1000000x64xf32, #tpu.memory_space<hbm>>
    %dma_start3A_90 = tpu.memref_slice %arg7[%dma_start3A_79] : memref<2x!tpu.dma_semaphore, #tpu.memory_space<semaphore_mem>> -> memref<1x!tpu.dma_semaphore, #tpu.memory_space<semaphore_mem>>
    %dma_start3A_91 = tpu.memref_squeeze %dma_start3A_90 : memref<1x!tpu.dma_semaphore, #tpu.memory_space<semaphore_mem>> -> memref<!tpu.dma_semaphore, #tpu.memory_space<semaphore_mem>>
    tpu.enqueue_indirect_dma source(%dma_start3A_89 : memref<1000000x64xf32, #tpu.memory_space<hbm>>) target(%dma_start3A_83 : memref<128x64xf32, #tpu.memory_space<vmem>>) offsets(%dma_start3A_86 : memref<128xi32, #tpu.memory_space<vmem>>) semaphore(%dma_start3A_91 : memref<!tpu.dma_semaphore, #tpu.memory_space<semaphore_mem>>)
    %dma_start3A_92 = arith.constant 0 : i32
    %dma_start3A_93 = arith.constant 1 : i32
    %dma_start3A_94 = arith.constant 0 : i32
    %dma_start3A_95 = arith.constant 0 : i32
    %dma_start3A_96 = arith.constant 128 : i32
    %dma_start3A_97 = arith.constant 0 : i32
    %dma_start3A_98 = tpu.memref_slice %arg6[%dma_start3A_94, %dma_start3A_96, %dma_start3A_97] : memref<2x512x64xf32, #tpu.memory_space<vmem>> -> memref<1x128x64xf32, #tpu.memory_space<vmem>>
    %dma_start3A_99 = tpu.memref_squeeze %dma_start3A_98 : memref<1x128x64xf32, #tpu.memory_space<vmem>> -> memref<128x64xf32, #tpu.memory_space<vmem>>
    %dma_start3A_100 = arith.constant 0 : i32
    %dma_start3A_101 = tpu.memref_slice %arg5[%dma_start3A_92, %dma_start3A_93, %dma_start3A_100] : memref<2x4x128xi32, #tpu.memory_space<vmem>> -> memref<1x1x128xi32, #tpu.memory_space<vmem>>
    %dma_start3A_102 = tpu.memref_squeeze %dma_start3A_101 : memref<1x1x128xi32, #tpu.memory_space<vmem>> -> memref<128xi32, #tpu.memory_space<vmem>>
    %dma_start3A_103 = arith.constant 0 : i32
    %dma_start3A_104 = arith.constant 0 : i32
    %dma_start3A_105 = tpu.memref_slice %arg3[%dma_start3A_103, %dma_start3A_104] : memref<1000000x64xf32, #tpu.memory_space<hbm>> -> memref<1000000x64xf32, #tpu.memory_space<hbm>>
    %dma_start3A_106 = tpu.memref_slice %arg7[%dma_start3A_95] : memref<2x!tpu.dma_semaphore, #tpu.memory_space<semaphore_mem>> -> memref<1x!tpu.dma_semaphore, #tpu.memory_space<semaphore_mem>>
    %dma_start3A_107 = tpu.memref_squeeze %dma_start3A_106 : memref<1x!tpu.dma_semaphore, #tpu.memory_space<semaphore_mem>> -> memref<!tpu.dma_semaphore, #tpu.memory_space<semaphore_mem>>
    tpu.enqueue_indirect_dma source(%dma_start3A_105 : memref<1000000x64xf32, #tpu.memory_space<hbm>>) target(%dma_start3A_99 : memref<128x64xf32, #tpu.memory_space<vmem>>) offsets(%dma_start3A_102 : memref<128xi32, #tpu.memory_space<vmem>>) semaphore(%dma_start3A_107 : memref<!tpu.dma_semaphore, #tpu.memory_space<semaphore_mem>>)
    %dma_start3A_108 = arith.constant 0 : i32
    %dma_start3A_109 = arith.constant 2 : i32
    %dma_start3A_110 = arith.constant 0 : i32
    %dma_start3A_111 = arith.constant 0 : i32
    %dma_start3A_112 = arith.constant 256 : i32
    %dma_start3A_113 = arith.constant 0 : i32
    %dma_start3A_114 = tpu.memref_slice %arg6[%dma_start3A_110, %dma_start3A_112, %dma_start3A_113] : memref<2x512x64xf32, #tpu.memory_space<vmem>> -> memref<1x128x64xf32, #tpu.memory_space<vmem>>
    %dma_start3A_115 = tpu.memref_squeeze %dma_start3A_114 : memref<1x128x64xf32, #tpu.memory_space<vmem>> -> memref<128x64xf32, #tpu.memory_space<vmem>>
    %dma_start3A_116 = arith.constant 0 : i32
    %dma_start3A_117 = tpu.memref_slice %arg5[%dma_start3A_108, %dma_start3A_109, %dma_start3A_116] : memref<2x4x128xi32, #tpu.memory_space<vmem>> -> memref<1x1x128xi32, #tpu.memory_space<vmem>>
    %dma_start3A_118 = tpu.memref_squeeze %dma_start3A_117 : memref<1x1x128xi32, #tpu.memory_space<vmem>> -> memref<128xi32, #tpu.memory_space<vmem>>
    %dma_start3A_119 = arith.constant 0 : i32
    %dma_start3A_120 = arith.constant 0 : i32
    %dma_start3A_121 = tpu.memref_slice %arg3[%dma_start3A_119, %dma_start3A_120] : memref<1000000x64xf32, #tpu.memory_space<hbm>> -> memref<1000000x64xf32, #tpu.memory_space<hbm>>
    %dma_start3A_122 = tpu.memref_slice %arg7[%dma_start3A_111] : memref<2x!tpu.dma_semaphore, #tpu.memory_space<semaphore_mem>> -> memref<1x!tpu.dma_semaphore, #tpu.memory_space<semaphore_mem>>
    %dma_start3A_123 = tpu.memref_squeeze %dma_start3A_122 : memref<1x!tpu.dma_semaphore, #tpu.memory_space<semaphore_mem>> -> memref<!tpu.dma_semaphore, #tpu.memory_space<semaphore_mem>>
    tpu.enqueue_indirect_dma source(%dma_start3A_121 : memref<1000000x64xf32, #tpu.memory_space<hbm>>) target(%dma_start3A_115 : memref<128x64xf32, #tpu.memory_space<vmem>>) offsets(%dma_start3A_118 : memref<128xi32, #tpu.memory_space<vmem>>) semaphore(%dma_start3A_123 : memref<!tpu.dma_semaphore, #tpu.memory_space<semaphore_mem>>)
    %dma_start3A_124 = arith.constant 0 : i32
    %dma_start3A_125 = arith.constant 3 : i32
    %dma_start3A_126 = arith.constant 0 : i32
    %dma_start3A_127 = arith.constant 0 : i32
    %dma_start3A_128 = arith.constant 384 : i32
    %dma_start3A_129 = arith.constant 0 : i32
    %dma_start3A_130 = tpu.memref_slice %arg6[%dma_start3A_126, %dma_start3A_128, %dma_start3A_129] : memref<2x512x64xf32, #tpu.memory_space<vmem>> -> memref<1x128x64xf32, #tpu.memory_space<vmem>>
    %dma_start3A_131 = tpu.memref_squeeze %dma_start3A_130 : memref<1x128x64xf32, #tpu.memory_space<vmem>> -> memref<128x64xf32, #tpu.memory_space<vmem>>
    %dma_start3A_132 = arith.constant 0 : i32
    %dma_start3A_133 = tpu.memref_slice %arg5[%dma_start3A_124, %dma_start3A_125, %dma_start3A_132] : memref<2x4x128xi32, #tpu.memory_space<vmem>> -> memref<1x1x128xi32, #tpu.memory_space<vmem>>
    %dma_start3A_134 = tpu.memref_squeeze %dma_start3A_133 : memref<1x1x128xi32, #tpu.memory_space<vmem>> -> memref<128xi32, #tpu.memory_space<vmem>>
    %dma_start3A_135 = arith.constant 0 : i32
    %dma_start3A_136 = arith.constant 0 : i32
    %dma_start3A_137 = tpu.memref_slice %arg3[%dma_start3A_135, %dma_start3A_136] : memref<1000000x64xf32, #tpu.memory_space<hbm>> -> memref<1000000x64xf32, #tpu.memory_space<hbm>>
    %dma_start3A_138 = tpu.memref_slice %arg7[%dma_start3A_127] : memref<2x!tpu.dma_semaphore, #tpu.memory_space<semaphore_mem>> -> memref<1x!tpu.dma_semaphore, #tpu.memory_space<semaphore_mem>>
    %dma_start3A_139 = tpu.memref_squeeze %dma_start3A_138 : memref<1x!tpu.dma_semaphore, #tpu.memory_space<semaphore_mem>> -> memref<!tpu.dma_semaphore, #tpu.memory_space<semaphore_mem>>
    tpu.enqueue_indirect_dma source(%dma_start3A_137 : memref<1000000x64xf32, #tpu.memory_space<hbm>>) target(%dma_start3A_131 : memref<128x64xf32, #tpu.memory_space<vmem>>) offsets(%dma_start3A_134 : memref<128xi32, #tpu.memory_space<vmem>>) semaphore(%dma_start3A_139 : memref<!tpu.dma_semaphore, #tpu.memory_space<semaphore_mem>>)
    %add3A_140 = arith.constant 1 : i32
    %add3A_141 = arith.addi %mul3A_2, %add3A_140 : i32
    %jit3A_142 = arith.constant 8 : i32
    %div3A_143 = arith.divsi %add3A_141, %jit3A_142 : i32
    %sign3A_144 = arith.constant 0 : i32
    %sign3A_145 = arith.cmpi sgt, %add3A_141, %sign3A_144 : i32
    %sign3A_146 = arith.extui %sign3A_145 : i1 to i32
    %sign3A_147 = arith.constant 0 : i32
    %sign3A_148 = arith.cmpi slt, %add3A_141, %sign3A_147 : i32
    %sign3A_149 = arith.extui %sign3A_148 : i1 to i32
    %sign3A_150 = arith.subi %sign3A_146, %sign3A_149 : i32
    %sign3A_151 = arith.constant 0 : i32
    %sign3A_152 = arith.cmpi sgt, %jit3A_142, %sign3A_151 : i32
    %sign3A_153 = arith.extui %sign3A_152 : i1 to i32
    %sign3A_154 = arith.constant 0 : i32
    %sign3A_155 = arith.cmpi slt, %jit3A_142, %sign3A_154 : i32
    %sign3A_156 = arith.extui %sign3A_155 : i1 to i32
    %sign3A_157 = arith.subi %sign3A_153, %sign3A_156 : i32
    %ne3A_158 = arith.cmpi ne, %sign3A_150, %sign3A_157 : i32
    %rem3A_159 = arith.remsi %add3A_141, %jit3A_142 : i32
    %ne3A_160 = arith.constant 0 : i32
    %ne3A_161 = arith.cmpi ne, %rem3A_159, %ne3A_160 : i32
    %and3A_162 = arith.andi %ne3A_158, %ne3A_161 : i1
    %sub3A_163 = arith.constant 1 : i32
    %sub3A_164 = arith.subi %div3A_143, %sub3A_163 : i32
    %select_n3A_165 = arith.select %and3A_162, %sub3A_164, %div3A_143 : i32
    %jit3A_166 = arith.constant 8 : i32
    %eq3A_167 = arith.constant 0 : i32
    %eq3A_168 = arith.cmpi eq, %jit3A_166, %eq3A_167 : i32
    %jit3A_169 = arith.constant 1 : i32
    %select_n3A_170 = arith.select %eq3A_168, %jit3A_169, %jit3A_166 : i32
    %rem3A_171 = arith.remsi %add3A_141, %select_n3A_170 : i32
    %ne3A_172 = arith.constant 0 : i32
    %ne3A_173 = arith.cmpi ne, %rem3A_171, %ne3A_172 : i32
    %lt3A_174 = arith.constant 0 : i32
    %lt3A_175 = arith.cmpi slt, %rem3A_171, %lt3A_174 : i32
    %lt3A_176 = arith.constant 0 : i32
    %lt3A_177 = arith.cmpi slt, %select_n3A_170, %lt3A_176 : i32
    %ne3A_178 = arith.xori %lt3A_175, %lt3A_177 : i1
    %and3A_179 = arith.andi %ne3A_178, %ne3A_173 : i1
    %add3A_180 = arith.addi %rem3A_171, %select_n3A_170 : i32
    %select_n3A_181 = arith.select %and3A_179, %add3A_180, %rem3A_171 : i32
    %jit3A_182 = arith.constant 8 : i32
    %div3A_183 = arith.divsi %select_n3A_165, %jit3A_182 : i32
    %sign3A_184 = arith.constant 0 : i32
    %sign3A_185 = arith.cmpi sgt, %select_n3A_165, %sign3A_184 : i32
    %sign3A_186 = arith.extui %sign3A_185 : i1 to i32
    %sign3A_187 = arith.constant 0 : i32
    %sign3A_188 = arith.cmpi slt, %select_n3A_165, %sign3A_187 : i32
    %sign3A_189 = arith.extui %sign3A_188 : i1 to i32
    %sign3A_190 = arith.subi %sign3A_186, %sign3A_189 : i32
    %sign3A_191 = arith.constant 0 : i32
    %sign3A_192 = arith.cmpi sgt, %jit3A_182, %sign3A_191 : i32
    %sign3A_193 = arith.extui %sign3A_192 : i1 to i32
    %sign3A_194 = arith.constant 0 : i32
    %sign3A_195 = arith.cmpi slt, %jit3A_182, %sign3A_194 : i32
    %sign3A_196 = arith.extui %sign3A_195 : i1 to i32
    %sign3A_197 = arith.subi %sign3A_193, %sign3A_196 : i32
    %ne3A_198 = arith.cmpi ne, %sign3A_190, %sign3A_197 : i32
    %rem3A_199 = arith.remsi %select_n3A_165, %jit3A_182 : i32
    %ne3A_200 = arith.constant 0 : i32
    %ne3A_201 = arith.cmpi ne, %rem3A_199, %ne3A_200 : i32
    %and3A_202 = arith.andi %ne3A_198, %ne3A_201 : i1
    %sub3A_203 = arith.constant 1 : i32
    %sub3A_204 = arith.subi %div3A_183, %sub3A_203 : i32
    %select_n3A_205 = arith.select %and3A_202, %sub3A_204, %div3A_183 : i32
    %jit3A_206 = arith.constant 8 : i32
    %eq3A_207 = arith.constant 0 : i32
    %eq3A_208 = arith.cmpi eq, %jit3A_206, %eq3A_207 : i32
    %jit3A_209 = arith.constant 1 : i32
    %select_n3A_210 = arith.select %eq3A_208, %jit3A_209, %jit3A_206 : i32
    %rem3A_211 = arith.remsi %select_n3A_165, %select_n3A_210 : i32
    %ne3A_212 = arith.constant 0 : i32
    %ne3A_213 = arith.cmpi ne, %rem3A_211, %ne3A_212 : i32
    %lt3A_214 = arith.constant 0 : i32
    %lt3A_215 = arith.cmpi slt, %rem3A_211, %lt3A_214 : i32
    %lt3A_216 = arith.constant 0 : i32
    %lt3A_217 = arith.cmpi slt, %select_n3A_210, %lt3A_216 : i32
    %ne3A_218 = arith.xori %lt3A_215, %lt3A_217 : i1
    %and3A_219 = arith.andi %ne3A_218, %ne3A_213 : i1
    %add3A_220 = arith.addi %rem3A_211, %select_n3A_210 : i32
    %select_n3A_221 = arith.select %and3A_219, %add3A_220, %rem3A_211 : i32
    %mul3A_222 = arith.constant 4 : i32
    %mul3A_223 = arith.muli %mul3A_222, %select_n3A_181 : i32
    %run_scoped3A_224 = arith.constant 1 : i32
    "tpu.region"() ({
      %run_scoped3A_294 = tpu.sem_alloc : memref<!tpu.dma_semaphore, #tpu.memory_space<semaphore_mem>>
      %dma_start3A_295 = arith.constant 0 : i32
      %dma_start3A_296 = arith.constant 0 : i32
      %dma_start3A_297 = tpu.memref_slice %arg5[%run_scoped3A_224, %dma_start3A_295, %dma_start3A_296] : memref<2x4x128xi32, #tpu.memory_space<vmem>> -> memref<1x4x128xi32, #tpu.memory_space<vmem>>
      %dma_start3A_298 = tpu.memref_squeeze %dma_start3A_297 : memref<1x4x128xi32, #tpu.memory_space<vmem>> -> memref<4x128xi32, #tpu.memory_space<vmem>>
      %dma_start3A_299 = arith.constant 0 : i32
      %dma_start3A_300 = tpu.memref_slice %arg2[%select_n3A_205, %mul3A_223, %select_n3A_221, %dma_start3A_299] : memref<25x32x8x128xi32, #tpu.memory_space<hbm>> -> memref<1x4x1x128xi32, #tpu.memory_space<hbm>>
      %dma_start3A_301 = tpu.memref_squeeze %dma_start3A_300 : memref<1x4x1x128xi32, #tpu.memory_space<hbm>> -> memref<4x128xi32, #tpu.memory_space<hbm>>
      %dma_start3A_302 = arith.constant 0 : i32
      %dma_start3A_303 = arith.constant 0 : i32
      %dma_start3A_304 = tpu.memref_slice %arg5[%run_scoped3A_224, %dma_start3A_302, %dma_start3A_303] : memref<2x4x128xi32, #tpu.memory_space<vmem>> -> memref<1x4x128xi32, #tpu.memory_space<vmem>>
      %dma_start3A_305 = tpu.memref_squeeze %dma_start3A_304 : memref<1x4x128xi32, #tpu.memory_space<vmem>> -> memref<4x128xi32, #tpu.memory_space<vmem>>
      %dma_start3A_306 = arith.constant 0 : i32
      %dma_start3A_307 = tpu.memref_slice %arg2[%select_n3A_205, %mul3A_223, %select_n3A_221, %dma_start3A_306] : memref<25x32x8x128xi32, #tpu.memory_space<hbm>> -> memref<1x4x1x128xi32, #tpu.memory_space<hbm>>
      %dma_start3A_308 = tpu.memref_squeeze %dma_start3A_307 : memref<1x4x1x128xi32, #tpu.memory_space<hbm>> -> memref<4x128xi32, #tpu.memory_space<hbm>>
      tpu.enqueue_dma source(%dma_start3A_308 : memref<4x128xi32, #tpu.memory_space<hbm>>) target(%dma_start3A_305 : memref<4x128xi32, #tpu.memory_space<vmem>>) target_semaphore(%run_scoped3A_294 : memref<!tpu.dma_semaphore, #tpu.memory_space<semaphore_mem>>)
      %dma_wait3A = arith.constant 0 : i32
      %dma_wait3A_309 = arith.constant 0 : i32
      %dma_wait3A_310 = tpu.memref_slice %arg5[%run_scoped3A_224, %dma_wait3A, %dma_wait3A_309] : memref<2x4x128xi32, #tpu.memory_space<vmem>> -> memref<1x4x128xi32, #tpu.memory_space<vmem>>
      %dma_wait3A_311 = tpu.memref_squeeze %dma_wait3A_310 : memref<1x4x128xi32, #tpu.memory_space<vmem>> -> memref<4x128xi32, #tpu.memory_space<vmem>>
      %dma_wait3A_312 = arith.constant 0 : i32
      %dma_wait3A_313 = tpu.memref_slice %arg2[%select_n3A_205, %mul3A_223, %select_n3A_221, %dma_wait3A_312] : memref<25x32x8x128xi32, #tpu.memory_space<hbm>> -> memref<1x4x1x128xi32, #tpu.memory_space<hbm>>
      %dma_wait3A_314 = tpu.memref_squeeze %dma_wait3A_313 : memref<1x4x1x128xi32, #tpu.memory_space<hbm>> -> memref<4x128xi32, #tpu.memory_space<hbm>>
      %dma_wait3A_315 = arith.constant 0 : i32
      %dma_wait3A_316 = arith.constant 0 : i32
      %dma_wait3A_317 = tpu.memref_slice %arg5[%run_scoped3A_224, %dma_wait3A_315, %dma_wait3A_316] : memref<2x4x128xi32, #tpu.memory_space<vmem>> -> memref<1x4x128xi32, #tpu.memory_space<vmem>>
      %dma_wait3A_318 = tpu.memref_squeeze %dma_wait3A_317 : memref<1x4x128xi32, #tpu.memory_space<vmem>> -> memref<4x128xi32, #tpu.memory_space<vmem>>
      %dma_wait3A_319 = arith.constant 0 : i32
      %dma_wait3A_320 = tpu.memref_slice %arg2[%select_n3A_205, %mul3A_223, %select_n3A_221, %dma_wait3A_319] : memref<25x32x8x128xi32, #tpu.memory_space<hbm>> -> memref<1x4x1x128xi32, #tpu.memory_space<hbm>>
      %dma_wait3A_321 = tpu.memref_squeeze %dma_wait3A_320 : memref<1x4x1x128xi32, #tpu.memory_space<hbm>> -> memref<4x128xi32, #tpu.memory_space<hbm>>
      tpu.wait_dma2 semaphore(%run_scoped3A_294 : memref<!tpu.dma_semaphore, #tpu.memory_space<semaphore_mem>>) src(%dma_wait3A_321 : memref<4x128xi32, #tpu.memory_space<hbm>>) dst(%dma_wait3A_318 : memref<4x128xi32, #tpu.memory_space<vmem>>)
      tpu.yield
    }) : () -> ()
    %dma_start3A_225 = arith.constant 1 : i32
    %dma_start3A_226 = arith.constant 0 : i32
    %dma_start3A_227 = arith.constant 1 : i32
    %dma_start3A_228 = arith.constant 1 : i32
    %dma_start3A_229 = arith.constant 0 : i32
    %dma_start3A_230 = arith.constant 0 : i32
    %dma_start3A_231 = tpu.memref_slice %arg6[%dma_start3A_227, %dma_start3A_229, %dma_start3A_230] : memref<2x512x64xf32, #tpu.memory_space<vmem>> -> memref<1x128x64xf32, #tpu.memory_space<vmem>>
    %dma_start3A_232 = tpu.memref_squeeze %dma_start3A_231 : memref<1x128x64xf32, #tpu.memory_space<vmem>> -> memref<128x64xf32, #tpu.memory_space<vmem>>
    %dma_start3A_233 = arith.constant 0 : i32
    %dma_start3A_234 = tpu.memref_slice %arg5[%dma_start3A_225, %dma_start3A_226, %dma_start3A_233] : memref<2x4x128xi32, #tpu.memory_space<vmem>> -> memref<1x1x128xi32, #tpu.memory_space<vmem>>
    %dma_start3A_235 = tpu.memref_squeeze %dma_start3A_234 : memref<1x1x128xi32, #tpu.memory_space<vmem>> -> memref<128xi32, #tpu.memory_space<vmem>>
    %dma_start3A_236 = arith.constant 0 : i32
    %dma_start3A_237 = arith.constant 0 : i32
    %dma_start3A_238 = tpu.memref_slice %arg3[%dma_start3A_236, %dma_start3A_237] : memref<1000000x64xf32, #tpu.memory_space<hbm>> -> memref<1000000x64xf32, #tpu.memory_space<hbm>>
    %dma_start3A_239 = tpu.memref_slice %arg7[%dma_start3A_228] : memref<2x!tpu.dma_semaphore, #tpu.memory_space<semaphore_mem>> -> memref<1x!tpu.dma_semaphore, #tpu.memory_space<semaphore_mem>>
    %dma_start3A_240 = tpu.memref_squeeze %dma_start3A_239 : memref<1x!tpu.dma_semaphore, #tpu.memory_space<semaphore_mem>> -> memref<!tpu.dma_semaphore, #tpu.memory_space<semaphore_mem>>
    tpu.enqueue_indirect_dma source(%dma_start3A_238 : memref<1000000x64xf32, #tpu.memory_space<hbm>>) target(%dma_start3A_232 : memref<128x64xf32, #tpu.memory_space<vmem>>) offsets(%dma_start3A_235 : memref<128xi32, #tpu.memory_space<vmem>>) semaphore(%dma_start3A_240 : memref<!tpu.dma_semaphore, #tpu.memory_space<semaphore_mem>>)
    %dma_start3A_241 = arith.constant 1 : i32
    %dma_start3A_242 = arith.constant 1 : i32
    %dma_start3A_243 = arith.constant 1 : i32
    %dma_start3A_244 = arith.constant 1 : i32
    %dma_start3A_245 = arith.constant 128 : i32
    %dma_start3A_246 = arith.constant 0 : i32
    %dma_start3A_247 = tpu.memref_slice %arg6[%dma_start3A_243, %dma_start3A_245, %dma_start3A_246] : memref<2x512x64xf32, #tpu.memory_space<vmem>> -> memref<1x128x64xf32, #tpu.memory_space<vmem>>
    %dma_start3A_248 = tpu.memref_squeeze %dma_start3A_247 : memref<1x128x64xf32, #tpu.memory_space<vmem>> -> memref<128x64xf32, #tpu.memory_space<vmem>>
    %dma_start3A_249 = arith.constant 0 : i32
    %dma_start3A_250 = tpu.memref_slice %arg5[%dma_start3A_241, %dma_start3A_242, %dma_start3A_249] : memref<2x4x128xi32, #tpu.memory_space<vmem>> -> memref<1x1x128xi32, #tpu.memory_space<vmem>>
    %dma_start3A_251 = tpu.memref_squeeze %dma_start3A_250 : memref<1x1x128xi32, #tpu.memory_space<vmem>> -> memref<128xi32, #tpu.memory_space<vmem>>
    %dma_start3A_252 = arith.constant 0 : i32
    %dma_start3A_253 = arith.constant 0 : i32
    %dma_start3A_254 = tpu.memref_slice %arg3[%dma_start3A_252, %dma_start3A_253] : memref<1000000x64xf32, #tpu.memory_space<hbm>> -> memref<1000000x64xf32, #tpu.memory_space<hbm>>
    %dma_start3A_255 = tpu.memref_slice %arg7[%dma_start3A_244] : memref<2x!tpu.dma_semaphore, #tpu.memory_space<semaphore_mem>> -> memref<1x!tpu.dma_semaphore, #tpu.memory_space<semaphore_mem>>
    %dma_start3A_256 = tpu.memref_squeeze %dma_start3A_255 : memref<1x!tpu.dma_semaphore, #tpu.memory_space<semaphore_mem>> -> memref<!tpu.dma_semaphore, #tpu.memory_space<semaphore_mem>>
    tpu.enqueue_indirect_dma source(%dma_start3A_254 : memref<1000000x64xf32, #tpu.memory_space<hbm>>) target(%dma_start3A_248 : memref<128x64xf32, #tpu.memory_space<vmem>>) offsets(%dma_start3A_251 : memref<128xi32, #tpu.memory_space<vmem>>) semaphore(%dma_start3A_256 : memref<!tpu.dma_semaphore, #tpu.memory_space<semaphore_mem>>)
    %dma_start3A_257 = arith.constant 1 : i32
    %dma_start3A_258 = arith.constant 2 : i32
    %dma_start3A_259 = arith.constant 1 : i32
    %dma_start3A_260 = arith.constant 1 : i32
    %dma_start3A_261 = arith.constant 256 : i32
    %dma_start3A_262 = arith.constant 0 : i32
    %dma_start3A_263 = tpu.memref_slice %arg6[%dma_start3A_259, %dma_start3A_261, %dma_start3A_262] : memref<2x512x64xf32, #tpu.memory_space<vmem>> -> memref<1x128x64xf32, #tpu.memory_space<vmem>>
    %dma_start3A_264 = tpu.memref_squeeze %dma_start3A_263 : memref<1x128x64xf32, #tpu.memory_space<vmem>> -> memref<128x64xf32, #tpu.memory_space<vmem>>
    %dma_start3A_265 = arith.constant 0 : i32
    %dma_start3A_266 = tpu.memref_slice %arg5[%dma_start3A_257, %dma_start3A_258, %dma_start3A_265] : memref<2x4x128xi32, #tpu.memory_space<vmem>> -> memref<1x1x128xi32, #tpu.memory_space<vmem>>
    %dma_start3A_267 = tpu.memref_squeeze %dma_start3A_266 : memref<1x1x128xi32, #tpu.memory_space<vmem>> -> memref<128xi32, #tpu.memory_space<vmem>>
    %dma_start3A_268 = arith.constant 0 : i32
    %dma_start3A_269 = arith.constant 0 : i32
    %dma_start3A_270 = tpu.memref_slice %arg3[%dma_start3A_268, %dma_start3A_269] : memref<1000000x64xf32, #tpu.memory_space<hbm>> -> memref<1000000x64xf32, #tpu.memory_space<hbm>>
    %dma_start3A_271 = tpu.memref_slice %arg7[%dma_start3A_260] : memref<2x!tpu.dma_semaphore, #tpu.memory_space<semaphore_mem>> -> memref<1x!tpu.dma_semaphore, #tpu.memory_space<semaphore_mem>>
    %dma_start3A_272 = tpu.memref_squeeze %dma_start3A_271 : memref<1x!tpu.dma_semaphore, #tpu.memory_space<semaphore_mem>> -> memref<!tpu.dma_semaphore, #tpu.memory_space<semaphore_mem>>
    tpu.enqueue_indirect_dma source(%dma_start3A_270 : memref<1000000x64xf32, #tpu.memory_space<hbm>>) target(%dma_start3A_264 : memref<128x64xf32, #tpu.memory_space<vmem>>) offsets(%dma_start3A_267 : memref<128xi32, #tpu.memory_space<vmem>>) semaphore(%dma_start3A_272 : memref<!tpu.dma_semaphore, #tpu.memory_space<semaphore_mem>>)
    %dma_start3A_273 = arith.constant 1 : i32
    %dma_start3A_274 = arith.constant 3 : i32
    %dma_start3A_275 = arith.constant 1 : i32
    %dma_start3A_276 = arith.constant 1 : i32
    %dma_start3A_277 = arith.constant 384 : i32
    %dma_start3A_278 = arith.constant 0 : i32
    %dma_start3A_279 = tpu.memref_slice %arg6[%dma_start3A_275, %dma_start3A_277, %dma_start3A_278] : memref<2x512x64xf32, #tpu.memory_space<vmem>> -> memref<1x128x64xf32, #tpu.memory_space<vmem>>
    %dma_start3A_280 = tpu.memref_squeeze %dma_start3A_279 : memref<1x128x64xf32, #tpu.memory_space<vmem>> -> memref<128x64xf32, #tpu.memory_space<vmem>>
    %dma_start3A_281 = arith.constant 0 : i32
    %dma_start3A_282 = tpu.memref_slice %arg5[%dma_start3A_273, %dma_start3A_274, %dma_start3A_281] : memref<2x4x128xi32, #tpu.memory_space<vmem>> -> memref<1x1x128xi32, #tpu.memory_space<vmem>>
    %dma_start3A_283 = tpu.memref_squeeze %dma_start3A_282 : memref<1x1x128xi32, #tpu.memory_space<vmem>> -> memref<128xi32, #tpu.memory_space<vmem>>
    %dma_start3A_284 = arith.constant 0 : i32
    %dma_start3A_285 = arith.constant 0 : i32
    %dma_start3A_286 = tpu.memref_slice %arg3[%dma_start3A_284, %dma_start3A_285] : memref<1000000x64xf32, #tpu.memory_space<hbm>> -> memref<1000000x64xf32, #tpu.memory_space<hbm>>
    %dma_start3A_287 = tpu.memref_slice %arg7[%dma_start3A_276] : memref<2x!tpu.dma_semaphore, #tpu.memory_space<semaphore_mem>> -> memref<1x!tpu.dma_semaphore, #tpu.memory_space<semaphore_mem>>
    %dma_start3A_288 = tpu.memref_squeeze %dma_start3A_287 : memref<1x!tpu.dma_semaphore, #tpu.memory_space<semaphore_mem>> -> memref<!tpu.dma_semaphore, #tpu.memory_space<semaphore_mem>>
    tpu.enqueue_indirect_dma source(%dma_start3A_286 : memref<1000000x64xf32, #tpu.memory_space<hbm>>) target(%dma_start3A_280 : memref<128x64xf32, #tpu.memory_space<vmem>>) offsets(%dma_start3A_283 : memref<128xi32, #tpu.memory_space<vmem>>) semaphore(%dma_start3A_288 : memref<!tpu.dma_semaphore, #tpu.memory_space<semaphore_mem>>)
    %scan3A = arith.constant 0 : i32
    %scan3A_289 = arith.constant 0 : i32
    %scan3A_290 = arith.constant 25 : i32
    %scan3A_291 = arith.addi %scan3A_289, %scan3A_290 : i32
    %scan3A_292 = arith.constant 1 : i32
    scf.for %scan3A_294 = %scan3A_289 to %scan3A_291 step %scan3A_292  : i32 {
      %mul3A_295 = arith.constant 2 : i32
      %mul3A_296 = arith.muli %mul3A_295, %scan3A_294 : i32
      %add3A_297 = arith.addi %mul3A_2, %mul3A_296 : i32
      %add3A_298 = arith.constant 0 : i32
      %add3A_299 = arith.addi %add3A_297, %add3A_298 : i32
      %dma_wait3A = arith.constant 0 : i32
      %dma_wait3A_300 = arith.constant 0 : i32
      %dma_wait3A_301 = arith.constant 0 : i32
      %dma_wait3A_302 = arith.constant 0 : i32
      %dma_wait3A_303 = arith.constant 0 : i32
      %dma_wait3A_304 = arith.constant 0 : i32
      %dma_wait3A_305 = tpu.memref_slice %arg6[%dma_wait3A_301, %dma_wait3A_303, %dma_wait3A_304] : memref<2x512x64xf32, #tpu.memory_space<vmem>> -> memref<1x128x64xf32, #tpu.memory_space<vmem>>
      %dma_wait3A_306 = tpu.memref_squeeze %dma_wait3A_305 : memref<1x128x64xf32, #tpu.memory_space<vmem>> -> memref<128x64xf32, #tpu.memory_space<vmem>>
      %dma_wait3A_307 = arith.constant 0 : i32
      %dma_wait3A_308 = tpu.memref_slice %arg5[%dma_wait3A, %dma_wait3A_300, %dma_wait3A_307] : memref<2x4x128xi32, #tpu.memory_space<vmem>> -> memref<1x1x128xi32, #tpu.memory_space<vmem>>
      %dma_wait3A_309 = tpu.memref_squeeze %dma_wait3A_308 : memref<1x1x128xi32, #tpu.memory_space<vmem>> -> memref<128xi32, #tpu.memory_space<vmem>>
      %dma_wait3A_310 = arith.constant 0 : i32
      %dma_wait3A_311 = arith.constant 0 : i32
      %dma_wait3A_312 = tpu.memref_slice %arg3[%dma_wait3A_310, %dma_wait3A_311] : memref<1000000x64xf32, #tpu.memory_space<hbm>> -> memref<1000000x64xf32, #tpu.memory_space<hbm>>
      %dma_wait3A_313 = tpu.memref_slice %arg7[%dma_wait3A_302] : memref<2x!tpu.dma_semaphore, #tpu.memory_space<semaphore_mem>> -> memref<1x!tpu.dma_semaphore, #tpu.memory_space<semaphore_mem>>
      %dma_wait3A_314 = tpu.memref_squeeze %dma_wait3A_313 : memref<1x!tpu.dma_semaphore, #tpu.memory_space<semaphore_mem>> -> memref<!tpu.dma_semaphore, #tpu.memory_space<semaphore_mem>>
      tpu.wait_indirect_dma semaphore(%dma_wait3A_314 : memref<!tpu.dma_semaphore, #tpu.memory_space<semaphore_mem>>) src(%dma_wait3A_312 : memref<1000000x64xf32, #tpu.memory_space<hbm>>) dst(%dma_wait3A_306 : memref<128x64xf32, #tpu.memory_space<vmem>>)
      %dma_wait3A_315 = arith.constant 0 : i32
      %dma_wait3A_316 = arith.constant 1 : i32
      %dma_wait3A_317 = arith.constant 0 : i32
      %dma_wait3A_318 = arith.constant 0 : i32
      %dma_wait3A_319 = arith.constant 128 : i32
      %dma_wait3A_320 = arith.constant 0 : i32
      %dma_wait3A_321 = tpu.memref_slice %arg6[%dma_wait3A_317, %dma_wait3A_319, %dma_wait3A_320] : memref<2x512x64xf32, #tpu.memory_space<vmem>> -> memref<1x128x64xf32, #tpu.memory_space<vmem>>
      %dma_wait3A_322 = tpu.memref_squeeze %dma_wait3A_321 : memref<1x128x64xf32, #tpu.memory_space<vmem>> -> memref<128x64xf32, #tpu.memory_space<vmem>>
      %dma_wait3A_323 = arith.constant 0 : i32
      %dma_wait3A_324 = tpu.memref_slice %arg5[%dma_wait3A_315, %dma_wait3A_316, %dma_wait3A_323] : memref<2x4x128xi32, #tpu.memory_space<vmem>> -> memref<1x1x128xi32, #tpu.memory_space<vmem>>
      %dma_wait3A_325 = tpu.memref_squeeze %dma_wait3A_324 : memref<1x1x128xi32, #tpu.memory_space<vmem>> -> memref<128xi32, #tpu.memory_space<vmem>>
      %dma_wait3A_326 = arith.constant 0 : i32
      %dma_wait3A_327 = arith.constant 0 : i32
      %dma_wait3A_328 = tpu.memref_slice %arg3[%dma_wait3A_326, %dma_wait3A_327] : memref<1000000x64xf32, #tpu.memory_space<hbm>> -> memref<1000000x64xf32, #tpu.memory_space<hbm>>
      %dma_wait3A_329 = tpu.memref_slice %arg7[%dma_wait3A_318] : memref<2x!tpu.dma_semaphore, #tpu.memory_space<semaphore_mem>> -> memref<1x!tpu.dma_semaphore, #tpu.memory_space<semaphore_mem>>
      %dma_wait3A_330 = tpu.memref_squeeze %dma_wait3A_329 : memref<1x!tpu.dma_semaphore, #tpu.memory_space<semaphore_mem>> -> memref<!tpu.dma_semaphore, #tpu.memory_space<semaphore_mem>>
      tpu.wait_indirect_dma semaphore(%dma_wait3A_330 : memref<!tpu.dma_semaphore, #tpu.memory_space<semaphore_mem>>) src(%dma_wait3A_328 : memref<1000000x64xf32, #tpu.memory_space<hbm>>) dst(%dma_wait3A_322 : memref<128x64xf32, #tpu.memory_space<vmem>>)
      %dma_wait3A_331 = arith.constant 0 : i32
      %dma_wait3A_332 = arith.constant 2 : i32
      %dma_wait3A_333 = arith.constant 0 : i32
      %dma_wait3A_334 = arith.constant 0 : i32
      %dma_wait3A_335 = arith.constant 256 : i32
      %dma_wait3A_336 = arith.constant 0 : i32
      %dma_wait3A_337 = tpu.memref_slice %arg6[%dma_wait3A_333, %dma_wait3A_335, %dma_wait3A_336] : memref<2x512x64xf32, #tpu.memory_space<vmem>> -> memref<1x128x64xf32, #tpu.memory_space<vmem>>
      %dma_wait3A_338 = tpu.memref_squeeze %dma_wait3A_337 : memref<1x128x64xf32, #tpu.memory_space<vmem>> -> memref<128x64xf32, #tpu.memory_space<vmem>>
      %dma_wait3A_339 = arith.constant 0 : i32
      %dma_wait3A_340 = tpu.memref_slice %arg5[%dma_wait3A_331, %dma_wait3A_332, %dma_wait3A_339] : memref<2x4x128xi32, #tpu.memory_space<vmem>> -> memref<1x1x128xi32, #tpu.memory_space<vmem>>
      %dma_wait3A_341 = tpu.memref_squeeze %dma_wait3A_340 : memref<1x1x128xi32, #tpu.memory_space<vmem>> -> memref<128xi32, #tpu.memory_space<vmem>>
      %dma_wait3A_342 = arith.constant 0 : i32
      %dma_wait3A_343 = arith.constant 0 : i32
      %dma_wait3A_344 = tpu.memref_slice %arg3[%dma_wait3A_342, %dma_wait3A_343] : memref<1000000x64xf32, #tpu.memory_space<hbm>> -> memref<1000000x64xf32, #tpu.memory_space<hbm>>
      %dma_wait3A_345 = tpu.memref_slice %arg7[%dma_wait3A_334] : memref<2x!tpu.dma_semaphore, #tpu.memory_space<semaphore_mem>> -> memref<1x!tpu.dma_semaphore, #tpu.memory_space<semaphore_mem>>
      %dma_wait3A_346 = tpu.memref_squeeze %dma_wait3A_345 : memref<1x!tpu.dma_semaphore, #tpu.memory_space<semaphore_mem>> -> memref<!tpu.dma_semaphore, #tpu.memory_space<semaphore_mem>>
      tpu.wait_indirect_dma semaphore(%dma_wait3A_346 : memref<!tpu.dma_semaphore, #tpu.memory_space<semaphore_mem>>) src(%dma_wait3A_344 : memref<1000000x64xf32, #tpu.memory_space<hbm>>) dst(%dma_wait3A_338 : memref<128x64xf32, #tpu.memory_space<vmem>>)
      %dma_wait3A_347 = arith.constant 0 : i32
      %dma_wait3A_348 = arith.constant 3 : i32
      %dma_wait3A_349 = arith.constant 0 : i32
      %dma_wait3A_350 = arith.constant 0 : i32
      %dma_wait3A_351 = arith.constant 384 : i32
      %dma_wait3A_352 = arith.constant 0 : i32
      %dma_wait3A_353 = tpu.memref_slice %arg6[%dma_wait3A_349, %dma_wait3A_351, %dma_wait3A_352] : memref<2x512x64xf32, #tpu.memory_space<vmem>> -> memref<1x128x64xf32, #tpu.memory_space<vmem>>
      %dma_wait3A_354 = tpu.memref_squeeze %dma_wait3A_353 : memref<1x128x64xf32, #tpu.memory_space<vmem>> -> memref<128x64xf32, #tpu.memory_space<vmem>>
      %dma_wait3A_355 = arith.constant 0 : i32
      %dma_wait3A_356 = tpu.memref_slice %arg5[%dma_wait3A_347, %dma_wait3A_348, %dma_wait3A_355] : memref<2x4x128xi32, #tpu.memory_space<vmem>> -> memref<1x1x128xi32, #tpu.memory_space<vmem>>
      %dma_wait3A_357 = tpu.memref_squeeze %dma_wait3A_356 : memref<1x1x128xi32, #tpu.memory_space<vmem>> -> memref<128xi32, #tpu.memory_space<vmem>>
      %dma_wait3A_358 = arith.constant 0 : i32
      %dma_wait3A_359 = arith.constant 0 : i32
      %dma_wait3A_360 = tpu.memref_slice %arg3[%dma_wait3A_358, %dma_wait3A_359] : memref<1000000x64xf32, #tpu.memory_space<hbm>> -> memref<1000000x64xf32, #tpu.memory_space<hbm>>
      %dma_wait3A_361 = tpu.memref_slice %arg7[%dma_wait3A_350] : memref<2x!tpu.dma_semaphore, #tpu.memory_space<semaphore_mem>> -> memref<1x!tpu.dma_semaphore, #tpu.memory_space<semaphore_mem>>
      %dma_wait3A_362 = tpu.memref_squeeze %dma_wait3A_361 : memref<1x!tpu.dma_semaphore, #tpu.memory_space<semaphore_mem>> -> memref<!tpu.dma_semaphore, #tpu.memory_space<semaphore_mem>>
      tpu.wait_indirect_dma semaphore(%dma_wait3A_362 : memref<!tpu.dma_semaphore, #tpu.memory_space<semaphore_mem>>) src(%dma_wait3A_360 : memref<1000000x64xf32, #tpu.memory_space<hbm>>) dst(%dma_wait3A_354 : memref<128x64xf32, #tpu.memory_space<vmem>>)
      %jit3A_363 = arith.constant 8 : i32
      %div3A_364 = arith.divsi %add3A_299, %jit3A_363 : i32
      %sign3A_365 = arith.constant 0 : i32
      %sign3A_366 = arith.cmpi sgt, %add3A_299, %sign3A_365 : i32
      %sign3A_367 = arith.extui %sign3A_366 : i1 to i32
      %sign3A_368 = arith.constant 0 : i32
      %sign3A_369 = arith.cmpi slt, %add3A_299, %sign3A_368 : i32
      %sign3A_370 = arith.extui %sign3A_369 : i1 to i32
      %sign3A_371 = arith.subi %sign3A_367, %sign3A_370 : i32
      %sign3A_372 = arith.constant 0 : i32
      %sign3A_373 = arith.cmpi sgt, %jit3A_363, %sign3A_372 : i32
      %sign3A_374 = arith.extui %sign3A_373 : i1 to i32
      %sign3A_375 = arith.constant 0 : i32
      %sign3A_376 = arith.cmpi slt, %jit3A_363, %sign3A_375 : i32
      %sign3A_377 = arith.extui %sign3A_376 : i1 to i32
      %sign3A_378 = arith.subi %sign3A_374, %sign3A_377 : i32
      %ne3A_379 = arith.cmpi ne, %sign3A_371, %sign3A_378 : i32
      %rem3A_380 = arith.remsi %add3A_299, %jit3A_363 : i32
      %ne3A_381 = arith.constant 0 : i32
      %ne3A_382 = arith.cmpi ne, %rem3A_380, %ne3A_381 : i32
      %and3A_383 = arith.andi %ne3A_379, %ne3A_382 : i1
      %sub3A_384 = arith.constant 1 : i32
      %sub3A_385 = arith.subi %div3A_364, %sub3A_384 : i32
      %select_n3A_386 = arith.select %and3A_383, %sub3A_385, %div3A_364 : i32
      %jit3A_387 = arith.constant 8 : i32
      %eq3A_388 = arith.constant 0 : i32
      %eq3A_389 = arith.cmpi eq, %jit3A_387, %eq3A_388 : i32
      %jit3A_390 = arith.constant 1 : i32
      %select_n3A_391 = arith.select %eq3A_389, %jit3A_390, %jit3A_387 : i32
      %rem3A_392 = arith.remsi %add3A_299, %select_n3A_391 : i32
      %ne3A_393 = arith.constant 0 : i32
      %ne3A_394 = arith.cmpi ne, %rem3A_392, %ne3A_393 : i32
      %lt3A_395 = arith.constant 0 : i32
      %lt3A_396 = arith.cmpi slt, %rem3A_392, %lt3A_395 : i32
      %lt3A_397 = arith.constant 0 : i32
      %lt3A_398 = arith.cmpi slt, %select_n3A_391, %lt3A_397 : i32
      %ne3A_399 = arith.xori %lt3A_396, %lt3A_398 : i1
      %and3A_400 = arith.andi %ne3A_399, %ne3A_394 : i1
      %add3A_401 = arith.addi %rem3A_392, %select_n3A_391 : i32
      %select_n3A_402 = arith.select %and3A_400, %add3A_401, %rem3A_392 : i32
      %jit3A_403 = arith.constant 8 : i32
      %div3A_404 = arith.divsi %select_n3A_386, %jit3A_403 : i32
      %sign3A_405 = arith.constant 0 : i32
      %sign3A_406 = arith.cmpi sgt, %select_n3A_386, %sign3A_405 : i32
      %sign3A_407 = arith.extui %sign3A_406 : i1 to i32
      %sign3A_408 = arith.constant 0 : i32
      %sign3A_409 = arith.cmpi slt, %select_n3A_386, %sign3A_408 : i32
      %sign3A_410 = arith.extui %sign3A_409 : i1 to i32
      %sign3A_411 = arith.subi %sign3A_407, %sign3A_410 : i32
      %sign3A_412 = arith.constant 0 : i32
      %sign3A_413 = arith.cmpi sgt, %jit3A_403, %sign3A_412 : i32
      %sign3A_414 = arith.extui %sign3A_413 : i1 to i32
      %sign3A_415 = arith.constant 0 : i32
      %sign3A_416 = arith.cmpi slt, %jit3A_403, %sign3A_415 : i32
      %sign3A_417 = arith.extui %sign3A_416 : i1 to i32
      %sign3A_418 = arith.subi %sign3A_414, %sign3A_417 : i32
      %ne3A_419 = arith.cmpi ne, %sign3A_411, %sign3A_418 : i32
      %rem3A_420 = arith.remsi %select_n3A_386, %jit3A_403 : i32
      %ne3A_421 = arith.constant 0 : i32
      %ne3A_422 = arith.cmpi ne, %rem3A_420, %ne3A_421 : i32
      %and3A_423 = arith.andi %ne3A_419, %ne3A_422 : i1
      %sub3A_424 = arith.constant 1 : i32
      %sub3A_425 = arith.subi %div3A_404, %sub3A_424 : i32
      %select_n3A_426 = arith.select %and3A_423, %sub3A_425, %div3A_404 : i32
      %jit3A_427 = arith.constant 8 : i32
      %eq3A_428 = arith.constant 0 : i32
      %eq3A_429 = arith.cmpi eq, %jit3A_427, %eq3A_428 : i32
      %jit3A_430 = arith.constant 1 : i32
      %select_n3A_431 = arith.select %eq3A_429, %jit3A_430, %jit3A_427 : i32
      %rem3A_432 = arith.remsi %select_n3A_386, %select_n3A_431 : i32
      %ne3A_433 = arith.constant 0 : i32
      %ne3A_434 = arith.cmpi ne, %rem3A_432, %ne3A_433 : i32
      %lt3A_435 = arith.constant 0 : i32
      %lt3A_436 = arith.cmpi slt, %rem3A_432, %lt3A_435 : i32
      %lt3A_437 = arith.constant 0 : i32
      %lt3A_438 = arith.cmpi slt, %select_n3A_431, %lt3A_437 : i32
      %ne3A_439 = arith.xori %lt3A_436, %lt3A_438 : i1
      %and3A_440 = arith.andi %ne3A_439, %ne3A_434 : i1
      %add3A_441 = arith.addi %rem3A_432, %select_n3A_431 : i32
      %select_n3A_442 = arith.select %and3A_440, %add3A_441, %rem3A_432 : i32
      %mul3A_443 = arith.constant 4 : i32
      %mul3A_444 = arith.muli %mul3A_443, %select_n3A_402 : i32
      %add3A_445 = arith.constant 0 : i32
      %add3A_446 = arith.addi %mul3A_444, %add3A_445 : i32
      %mul3A_447 = arith.constant 128 : i32
      %mul3A_448 = arith.muli %add3A_446, %mul3A_447 : i32
      %mul3A_449 = arith.constant 8 : i32
      %mul3A_450 = arith.muli %select_n3A_426, %mul3A_449 : i32
      %add3A_451 = arith.addi %mul3A_450, %select_n3A_442 : i32
      %dma_start3A_452 = arith.constant 0 : i32
      %dma_start3A_453 = arith.constant 0 : i32
      %dma_start3A_454 = arith.constant 0 : i32
      %dma_start3A_455 = arith.constant 0 : i32
      %dma_start3A_456 = tpu.memref_slice %arg6[%dma_start3A_452, %dma_start3A_454, %dma_start3A_455] : memref<2x512x64xf32, #tpu.memory_space<vmem>> -> memref<1x128x64xf32, #tpu.memory_space<vmem>>
      %dma_start3A_457 = tpu.memref_squeeze %dma_start3A_456 : memref<1x128x64xf32, #tpu.memory_space<vmem>> -> memref<128x64xf32, #tpu.memory_space<vmem>>
      %dma_start3A_458 = arith.constant 0 : i32
      %dma_start3A_459 = tpu.memref_slice %arg4[%mul3A_448, %add3A_451, %dma_start3A_458] : memref<4096x200x64xf32, #tpu.memory_space<hbm>> -> memref<128x1x64xf32, #tpu.memory_space<hbm>>
      %dma_start3A_460 = tpu.memref_squeeze %dma_start3A_459 : memref<128x1x64xf32, #tpu.memory_space<hbm>> -> memref<128x64xf32, #tpu.memory_space<hbm>>
      %dma_start3A_461 = tpu.memref_slice %arg8[%dma_start3A_453] : memref<2x!tpu.dma_semaphore, #tpu.memory_space<semaphore_mem>> -> memref<1x!tpu.dma_semaphore, #tpu.memory_space<semaphore_mem>>
      %dma_start3A_462 = tpu.memref_squeeze %dma_start3A_461 : memref<1x!tpu.dma_semaphore, #tpu.memory_space<semaphore_mem>> -> memref<!tpu.dma_semaphore, #tpu.memory_space<semaphore_mem>>
      %dma_start3A_463 = arith.constant 0 : i32
      %dma_start3A_464 = tpu.memref_slice %arg4[%mul3A_448, %add3A_451, %dma_start3A_463] : memref<4096x200x64xf32, #tpu.memory_space<hbm>> -> memref<128x1x64xf32, #tpu.memory_space<hbm>>
      %dma_start3A_465 = tpu.memref_squeeze %dma_start3A_464 : memref<128x1x64xf32, #tpu.memory_space<hbm>> -> memref<128x64xf32, #tpu.memory_space<hbm>>
      %dma_start3A_466 = arith.constant 0 : i32
      %dma_start3A_467 = arith.constant 0 : i32
      %dma_start3A_468 = tpu.memref_slice %arg6[%dma_start3A_452, %dma_start3A_466, %dma_start3A_467] : memref<2x512x64xf32, #tpu.memory_space<vmem>> -> memref<1x128x64xf32, #tpu.memory_space<vmem>>
      %dma_start3A_469 = tpu.memref_squeeze %dma_start3A_468 : memref<1x128x64xf32, #tpu.memory_space<vmem>> -> memref<128x64xf32, #tpu.memory_space<vmem>>
      tpu.enqueue_dma source(%dma_start3A_469 : memref<128x64xf32, #tpu.memory_space<vmem>>) target(%dma_start3A_465 : memref<128x64xf32, #tpu.memory_space<hbm>>) target_semaphore(%dma_start3A_462 : memref<!tpu.dma_semaphore, #tpu.memory_space<semaphore_mem>>)
      %jit3A_470 = arith.constant 8 : i32
      %div3A_471 = arith.divsi %add3A_299, %jit3A_470 : i32
      %sign3A_472 = arith.constant 0 : i32
      %sign3A_473 = arith.cmpi sgt, %add3A_299, %sign3A_472 : i32
      %sign3A_474 = arith.extui %sign3A_473 : i1 to i32
      %sign3A_475 = arith.constant 0 : i32
      %sign3A_476 = arith.cmpi slt, %add3A_299, %sign3A_475 : i32
      %sign3A_477 = arith.extui %sign3A_476 : i1 to i32
      %sign3A_478 = arith.subi %sign3A_474, %sign3A_477 : i32
      %sign3A_479 = arith.constant 0 : i32
      %sign3A_480 = arith.cmpi sgt, %jit3A_470, %sign3A_479 : i32
      %sign3A_481 = arith.extui %sign3A_480 : i1 to i32
      %sign3A_482 = arith.constant 0 : i32
      %sign3A_483 = arith.cmpi slt, %jit3A_470, %sign3A_482 : i32
      %sign3A_484 = arith.extui %sign3A_483 : i1 to i32
      %sign3A_485 = arith.subi %sign3A_481, %sign3A_484 : i32
      %ne3A_486 = arith.cmpi ne, %sign3A_478, %sign3A_485 : i32
      %rem3A_487 = arith.remsi %add3A_299, %jit3A_470 : i32
      %ne3A_488 = arith.constant 0 : i32
      %ne3A_489 = arith.cmpi ne, %rem3A_487, %ne3A_488 : i32
      %and3A_490 = arith.andi %ne3A_486, %ne3A_489 : i1
      %sub3A_491 = arith.constant 1 : i32
      %sub3A_492 = arith.subi %div3A_471, %sub3A_491 : i32
      %select_n3A_493 = arith.select %and3A_490, %sub3A_492, %div3A_471 : i32
      %jit3A_494 = arith.constant 8 : i32
      %eq3A_495 = arith.constant 0 : i32
      %eq3A_496 = arith.cmpi eq, %jit3A_494, %eq3A_495 : i32
      %jit3A_497 = arith.constant 1 : i32
      %select_n3A_498 = arith.select %eq3A_496, %jit3A_497, %jit3A_494 : i32
      %rem3A_499 = arith.remsi %add3A_299, %select_n3A_498 : i32
      %ne3A_500 = arith.constant 0 : i32
      %ne3A_501 = arith.cmpi ne, %rem3A_499, %ne3A_500 : i32
      %lt3A_502 = arith.constant 0 : i32
      %lt3A_503 = arith.cmpi slt, %rem3A_499, %lt3A_502 : i32
      %lt3A_504 = arith.constant 0 : i32
      %lt3A_505 = arith.cmpi slt, %select_n3A_498, %lt3A_504 : i32
      %ne3A_506 = arith.xori %lt3A_503, %lt3A_505 : i1
      %and3A_507 = arith.andi %ne3A_506, %ne3A_501 : i1
      %add3A_508 = arith.addi %rem3A_499, %select_n3A_498 : i32
      %select_n3A_509 = arith.select %and3A_507, %add3A_508, %rem3A_499 : i32
      %jit3A_510 = arith.constant 8 : i32
      %div3A_511 = arith.divsi %select_n3A_493, %jit3A_510 : i32
      %sign3A_512 = arith.constant 0 : i32
      %sign3A_513 = arith.cmpi sgt, %select_n3A_493, %sign3A_512 : i32
      %sign3A_514 = arith.extui %sign3A_513 : i1 to i32
      %sign3A_515 = arith.constant 0 : i32
      %sign3A_516 = arith.cmpi slt, %select_n3A_493, %sign3A_515 : i32
      %sign3A_517 = arith.extui %sign3A_516 : i1 to i32
      %sign3A_518 = arith.subi %sign3A_514, %sign3A_517 : i32
      %sign3A_519 = arith.constant 0 : i32
      %sign3A_520 = arith.cmpi sgt, %jit3A_510, %sign3A_519 : i32
      %sign3A_521 = arith.extui %sign3A_520 : i1 to i32
      %sign3A_522 = arith.constant 0 : i32
      %sign3A_523 = arith.cmpi slt, %jit3A_510, %sign3A_522 : i32
      %sign3A_524 = arith.extui %sign3A_523 : i1 to i32
      %sign3A_525 = arith.subi %sign3A_521, %sign3A_524 : i32
      %ne3A_526 = arith.cmpi ne, %sign3A_518, %sign3A_525 : i32
      %rem3A_527 = arith.remsi %select_n3A_493, %jit3A_510 : i32
      %ne3A_528 = arith.constant 0 : i32
      %ne3A_529 = arith.cmpi ne, %rem3A_527, %ne3A_528 : i32
      %and3A_530 = arith.andi %ne3A_526, %ne3A_529 : i1
      %sub3A_531 = arith.constant 1 : i32
      %sub3A_532 = arith.subi %div3A_511, %sub3A_531 : i32
      %select_n3A_533 = arith.select %and3A_530, %sub3A_532, %div3A_511 : i32
      %jit3A_534 = arith.constant 8 : i32
      %eq3A_535 = arith.constant 0 : i32
      %eq3A_536 = arith.cmpi eq, %jit3A_534, %eq3A_535 : i32
      %jit3A_537 = arith.constant 1 : i32
      %select_n3A_538 = arith.select %eq3A_536, %jit3A_537, %jit3A_534 : i32
      %rem3A_539 = arith.remsi %select_n3A_493, %select_n3A_538 : i32
      %ne3A_540 = arith.constant 0 : i32
      %ne3A_541 = arith.cmpi ne, %rem3A_539, %ne3A_540 : i32
      %lt3A_542 = arith.constant 0 : i32
      %lt3A_543 = arith.cmpi slt, %rem3A_539, %lt3A_542 : i32
      %lt3A_544 = arith.constant 0 : i32
      %lt3A_545 = arith.cmpi slt, %select_n3A_538, %lt3A_544 : i32
      %ne3A_546 = arith.xori %lt3A_543, %lt3A_545 : i1
      %and3A_547 = arith.andi %ne3A_546, %ne3A_541 : i1
      %add3A_548 = arith.addi %rem3A_539, %select_n3A_538 : i32
      %select_n3A_549 = arith.select %and3A_547, %add3A_548, %rem3A_539 : i32
      %mul3A_550 = arith.constant 4 : i32
      %mul3A_551 = arith.muli %mul3A_550, %select_n3A_509 : i32
      %add3A_552 = arith.constant 1 : i32
      %add3A_553 = arith.addi %mul3A_551, %add3A_552 : i32
      %mul3A_554 = arith.constant 128 : i32
      %mul3A_555 = arith.muli %add3A_553, %mul3A_554 : i32
      %mul3A_556 = arith.constant 8 : i32
      %mul3A_557 = arith.muli %select_n3A_533, %mul3A_556 : i32
      %add3A_558 = arith.addi %mul3A_557, %select_n3A_549 : i32
      %dma_start3A_559 = arith.constant 0 : i32
      %dma_start3A_560 = arith.constant 0 : i32
      %dma_start3A_561 = arith.constant 128 : i32
      %dma_start3A_562 = arith.constant 0 : i32
      %dma_start3A_563 = tpu.memref_slice %arg6[%dma_start3A_559, %dma_start3A_561, %dma_start3A_562] : memref<2x512x64xf32, #tpu.memory_space<vmem>> -> memref<1x128x64xf32, #tpu.memory_space<vmem>>
      %dma_start3A_564 = tpu.memref_squeeze %dma_start3A_563 : memref<1x128x64xf32, #tpu.memory_space<vmem>> -> memref<128x64xf32, #tpu.memory_space<vmem>>
      %dma_start3A_565 = arith.constant 0 : i32
      %dma_start3A_566 = tpu.memref_slice %arg4[%mul3A_555, %add3A_558, %dma_start3A_565] : memref<4096x200x64xf32, #tpu.memory_space<hbm>> -> memref<128x1x64xf32, #tpu.memory_space<hbm>>
      %dma_start3A_567 = tpu.memref_squeeze %dma_start3A_566 : memref<128x1x64xf32, #tpu.memory_space<hbm>> -> memref<128x64xf32, #tpu.memory_space<hbm>>
      %dma_start3A_568 = tpu.memref_slice %arg8[%dma_start3A_560] : memref<2x!tpu.dma_semaphore, #tpu.memory_space<semaphore_mem>> -> memref<1x!tpu.dma_semaphore, #tpu.memory_space<semaphore_mem>>
      %dma_start3A_569 = tpu.memref_squeeze %dma_start3A_568 : memref<1x!tpu.dma_semaphore, #tpu.memory_space<semaphore_mem>> -> memref<!tpu.dma_semaphore, #tpu.memory_space<semaphore_mem>>
      %dma_start3A_570 = arith.constant 0 : i32
      %dma_start3A_571 = tpu.memref_slice %arg4[%mul3A_555, %add3A_558, %dma_start3A_570] : memref<4096x200x64xf32, #tpu.memory_space<hbm>> -> memref<128x1x64xf32, #tpu.memory_space<hbm>>
      %dma_start3A_572 = tpu.memref_squeeze %dma_start3A_571 : memref<128x1x64xf32, #tpu.memory_space<hbm>> -> memref<128x64xf32, #tpu.memory_space<hbm>>
      %dma_start3A_573 = arith.constant 128 : i32
      %dma_start3A_574 = arith.constant 0 : i32
      %dma_start3A_575 = tpu.memref_slice %arg6[%dma_start3A_559, %dma_start3A_573, %dma_start3A_574] : memref<2x512x64xf32, #tpu.memory_space<vmem>> -> memref<1x128x64xf32, #tpu.memory_space<vmem>>
      %dma_start3A_576 = tpu.memref_squeeze %dma_start3A_575 : memref<1x128x64xf32, #tpu.memory_space<vmem>> -> memref<128x64xf32, #tpu.memory_space<vmem>>
      tpu.enqueue_dma source(%dma_start3A_576 : memref<128x64xf32, #tpu.memory_space<vmem>>) target(%dma_start3A_572 : memref<128x64xf32, #tpu.memory_space<hbm>>) target_semaphore(%dma_start3A_569 : memref<!tpu.dma_semaphore, #tpu.memory_space<semaphore_mem>>)
      %jit3A_577 = arith.constant 8 : i32
      %div3A_578 = arith.divsi %add3A_299, %jit3A_577 : i32
      %sign3A_579 = arith.constant 0 : i32
      %sign3A_580 = arith.cmpi sgt, %add3A_299, %sign3A_579 : i32
      %sign3A_581 = arith.extui %sign3A_580 : i1 to i32
      %sign3A_582 = arith.constant 0 : i32
      %sign3A_583 = arith.cmpi slt, %add3A_299, %sign3A_582 : i32
      %sign3A_584 = arith.extui %sign3A_583 : i1 to i32
      %sign3A_585 = arith.subi %sign3A_581, %sign3A_584 : i32
      %sign3A_586 = arith.constant 0 : i32
      %sign3A_587 = arith.cmpi sgt, %jit3A_577, %sign3A_586 : i32
      %sign3A_588 = arith.extui %sign3A_587 : i1 to i32
      %sign3A_589 = arith.constant 0 : i32
      %sign3A_590 = arith.cmpi slt, %jit3A_577, %sign3A_589 : i32
      %sign3A_591 = arith.extui %sign3A_590 : i1 to i32
      %sign3A_592 = arith.subi %sign3A_588, %sign3A_591 : i32
      %ne3A_593 = arith.cmpi ne, %sign3A_585, %sign3A_592 : i32
      %rem3A_594 = arith.remsi %add3A_299, %jit3A_577 : i32
      %ne3A_595 = arith.constant 0 : i32
      %ne3A_596 = arith.cmpi ne, %rem3A_594, %ne3A_595 : i32
      %and3A_597 = arith.andi %ne3A_593, %ne3A_596 : i1
      %sub3A_598 = arith.constant 1 : i32
      %sub3A_599 = arith.subi %div3A_578, %sub3A_598 : i32
      %select_n3A_600 = arith.select %and3A_597, %sub3A_599, %div3A_578 : i32
      %jit3A_601 = arith.constant 8 : i32
      %eq3A_602 = arith.constant 0 : i32
      %eq3A_603 = arith.cmpi eq, %jit3A_601, %eq3A_602 : i32
      %jit3A_604 = arith.constant 1 : i32
      %select_n3A_605 = arith.select %eq3A_603, %jit3A_604, %jit3A_601 : i32
      %rem3A_606 = arith.remsi %add3A_299, %select_n3A_605 : i32
      %ne3A_607 = arith.constant 0 : i32
      %ne3A_608 = arith.cmpi ne, %rem3A_606, %ne3A_607 : i32
      %lt3A_609 = arith.constant 0 : i32
      %lt3A_610 = arith.cmpi slt, %rem3A_606, %lt3A_609 : i32
      %lt3A_611 = arith.constant 0 : i32
      %lt3A_612 = arith.cmpi slt, %select_n3A_605, %lt3A_611 : i32
      %ne3A_613 = arith.xori %lt3A_610, %lt3A_612 : i1
      %and3A_614 = arith.andi %ne3A_613, %ne3A_608 : i1
      %add3A_615 = arith.addi %rem3A_606, %select_n3A_605 : i32
      %select_n3A_616 = arith.select %and3A_614, %add3A_615, %rem3A_606 : i32
      %jit3A_617 = arith.constant 8 : i32
      %div3A_618 = arith.divsi %select_n3A_600, %jit3A_617 : i32
      %sign3A_619 = arith.constant 0 : i32
      %sign3A_620 = arith.cmpi sgt, %select_n3A_600, %sign3A_619 : i32
      %sign3A_621 = arith.extui %sign3A_620 : i1 to i32
      %sign3A_622 = arith.constant 0 : i32
      %sign3A_623 = arith.cmpi slt, %select_n3A_600, %sign3A_622 : i32
      %sign3A_624 = arith.extui %sign3A_623 : i1 to i32
      %sign3A_625 = arith.subi %sign3A_621, %sign3A_624 : i32
      %sign3A_626 = arith.constant 0 : i32
      %sign3A_627 = arith.cmpi sgt, %jit3A_617, %sign3A_626 : i32
      %sign3A_628 = arith.extui %sign3A_627 : i1 to i32
      %sign3A_629 = arith.constant 0 : i32
      %sign3A_630 = arith.cmpi slt, %jit3A_617, %sign3A_629 : i32
      %sign3A_631 = arith.extui %sign3A_630 : i1 to i32
      %sign3A_632 = arith.subi %sign3A_628, %sign3A_631 : i32
      %ne3A_633 = arith.cmpi ne, %sign3A_625, %sign3A_632 : i32
      %rem3A_634 = arith.remsi %select_n3A_600, %jit3A_617 : i32
      %ne3A_635 = arith.constant 0 : i32
      %ne3A_636 = arith.cmpi ne, %rem3A_634, %ne3A_635 : i32
      %and3A_637 = arith.andi %ne3A_633, %ne3A_636 : i1
      %sub3A_638 = arith.constant 1 : i32
      %sub3A_639 = arith.subi %div3A_618, %sub3A_638 : i32
      %select_n3A_640 = arith.select %and3A_637, %sub3A_639, %div3A_618 : i32
      %jit3A_641 = arith.constant 8 : i32
      %eq3A_642 = arith.constant 0 : i32
      %eq3A_643 = arith.cmpi eq, %jit3A_641, %eq3A_642 : i32
      %jit3A_644 = arith.constant 1 : i32
      %select_n3A_645 = arith.select %eq3A_643, %jit3A_644, %jit3A_641 : i32
      %rem3A_646 = arith.remsi %select_n3A_600, %select_n3A_645 : i32
      %ne3A_647 = arith.constant 0 : i32
      %ne3A_648 = arith.cmpi ne, %rem3A_646, %ne3A_647 : i32
      %lt3A_649 = arith.constant 0 : i32
      %lt3A_650 = arith.cmpi slt, %rem3A_646, %lt3A_649 : i32
      %lt3A_651 = arith.constant 0 : i32
      %lt3A_652 = arith.cmpi slt, %select_n3A_645, %lt3A_651 : i32
      %ne3A_653 = arith.xori %lt3A_650, %lt3A_652 : i1
      %and3A_654 = arith.andi %ne3A_653, %ne3A_648 : i1
      %add3A_655 = arith.addi %rem3A_646, %select_n3A_645 : i32
      %select_n3A_656 = arith.select %and3A_654, %add3A_655, %rem3A_646 : i32
      %mul3A_657 = arith.constant 4 : i32
      %mul3A_658 = arith.muli %mul3A_657, %select_n3A_616 : i32
      %add3A_659 = arith.constant 2 : i32
      %add3A_660 = arith.addi %mul3A_658, %add3A_659 : i32
      %mul3A_661 = arith.constant 128 : i32
      %mul3A_662 = arith.muli %add3A_660, %mul3A_661 : i32
      %mul3A_663 = arith.constant 8 : i32
      %mul3A_664 = arith.muli %select_n3A_640, %mul3A_663 : i32
      %add3A_665 = arith.addi %mul3A_664, %select_n3A_656 : i32
      %dma_start3A_666 = arith.constant 0 : i32
      %dma_start3A_667 = arith.constant 0 : i32
      %dma_start3A_668 = arith.constant 256 : i32
      %dma_start3A_669 = arith.constant 0 : i32
      %dma_start3A_670 = tpu.memref_slice %arg6[%dma_start3A_666, %dma_start3A_668, %dma_start3A_669] : memref<2x512x64xf32, #tpu.memory_space<vmem>> -> memref<1x128x64xf32, #tpu.memory_space<vmem>>
      %dma_start3A_671 = tpu.memref_squeeze %dma_start3A_670 : memref<1x128x64xf32, #tpu.memory_space<vmem>> -> memref<128x64xf32, #tpu.memory_space<vmem>>
      %dma_start3A_672 = arith.constant 0 : i32
      %dma_start3A_673 = tpu.memref_slice %arg4[%mul3A_662, %add3A_665, %dma_start3A_672] : memref<4096x200x64xf32, #tpu.memory_space<hbm>> -> memref<128x1x64xf32, #tpu.memory_space<hbm>>
      %dma_start3A_674 = tpu.memref_squeeze %dma_start3A_673 : memref<128x1x64xf32, #tpu.memory_space<hbm>> -> memref<128x64xf32, #tpu.memory_space<hbm>>
      %dma_start3A_675 = tpu.memref_slice %arg8[%dma_start3A_667] : memref<2x!tpu.dma_semaphore, #tpu.memory_space<semaphore_mem>> -> memref<1x!tpu.dma_semaphore, #tpu.memory_space<semaphore_mem>>
      %dma_start3A_676 = tpu.memref_squeeze %dma_start3A_675 : memref<1x!tpu.dma_semaphore, #tpu.memory_space<semaphore_mem>> -> memref<!tpu.dma_semaphore, #tpu.memory_space<semaphore_mem>>
      %dma_start3A_677 = arith.constant 0 : i32
      %dma_start3A_678 = tpu.memref_slice %arg4[%mul3A_662, %add3A_665, %dma_start3A_677] : memref<4096x200x64xf32, #tpu.memory_space<hbm>> -> memref<128x1x64xf32, #tpu.memory_space<hbm>>
      %dma_start3A_679 = tpu.memref_squeeze %dma_start3A_678 : memref<128x1x64xf32, #tpu.memory_space<hbm>> -> memref<128x64xf32, #tpu.memory_space<hbm>>
      %dma_start3A_680 = arith.constant 256 : i32
      %dma_start3A_681 = arith.constant 0 : i32
      %dma_start3A_682 = tpu.memref_slice %arg6[%dma_start3A_666, %dma_start3A_680, %dma_start3A_681] : memref<2x512x64xf32, #tpu.memory_space<vmem>> -> memref<1x128x64xf32, #tpu.memory_space<vmem>>
      %dma_start3A_683 = tpu.memref_squeeze %dma_start3A_682 : memref<1x128x64xf32, #tpu.memory_space<vmem>> -> memref<128x64xf32, #tpu.memory_space<vmem>>
      tpu.enqueue_dma source(%dma_start3A_683 : memref<128x64xf32, #tpu.memory_space<vmem>>) target(%dma_start3A_679 : memref<128x64xf32, #tpu.memory_space<hbm>>) target_semaphore(%dma_start3A_676 : memref<!tpu.dma_semaphore, #tpu.memory_space<semaphore_mem>>)
      %jit3A_684 = arith.constant 8 : i32
      %div3A_685 = arith.divsi %add3A_299, %jit3A_684 : i32
      %sign3A_686 = arith.constant 0 : i32
      %sign3A_687 = arith.cmpi sgt, %add3A_299, %sign3A_686 : i32
      %sign3A_688 = arith.extui %sign3A_687 : i1 to i32
      %sign3A_689 = arith.constant 0 : i32
      %sign3A_690 = arith.cmpi slt, %add3A_299, %sign3A_689 : i32
      %sign3A_691 = arith.extui %sign3A_690 : i1 to i32
      %sign3A_692 = arith.subi %sign3A_688, %sign3A_691 : i32
      %sign3A_693 = arith.constant 0 : i32
      %sign3A_694 = arith.cmpi sgt, %jit3A_684, %sign3A_693 : i32
      %sign3A_695 = arith.extui %sign3A_694 : i1 to i32
      %sign3A_696 = arith.constant 0 : i32
      %sign3A_697 = arith.cmpi slt, %jit3A_684, %sign3A_696 : i32
      %sign3A_698 = arith.extui %sign3A_697 : i1 to i32
      %sign3A_699 = arith.subi %sign3A_695, %sign3A_698 : i32
      %ne3A_700 = arith.cmpi ne, %sign3A_692, %sign3A_699 : i32
      %rem3A_701 = arith.remsi %add3A_299, %jit3A_684 : i32
      %ne3A_702 = arith.constant 0 : i32
      %ne3A_703 = arith.cmpi ne, %rem3A_701, %ne3A_702 : i32
      %and3A_704 = arith.andi %ne3A_700, %ne3A_703 : i1
      %sub3A_705 = arith.constant 1 : i32
      %sub3A_706 = arith.subi %div3A_685, %sub3A_705 : i32
      %select_n3A_707 = arith.select %and3A_704, %sub3A_706, %div3A_685 : i32
      %jit3A_708 = arith.constant 8 : i32
      %eq3A_709 = arith.constant 0 : i32
      %eq3A_710 = arith.cmpi eq, %jit3A_708, %eq3A_709 : i32
      %jit3A_711 = arith.constant 1 : i32
      %select_n3A_712 = arith.select %eq3A_710, %jit3A_711, %jit3A_708 : i32
      %rem3A_713 = arith.remsi %add3A_299, %select_n3A_712 : i32
      %ne3A_714 = arith.constant 0 : i32
      %ne3A_715 = arith.cmpi ne, %rem3A_713, %ne3A_714 : i32
      %lt3A_716 = arith.constant 0 : i32
      %lt3A_717 = arith.cmpi slt, %rem3A_713, %lt3A_716 : i32
      %lt3A_718 = arith.constant 0 : i32
      %lt3A_719 = arith.cmpi slt, %select_n3A_712, %lt3A_718 : i32
      %ne3A_720 = arith.xori %lt3A_717, %lt3A_719 : i1
      %and3A_721 = arith.andi %ne3A_720, %ne3A_715 : i1
      %add3A_722 = arith.addi %rem3A_713, %select_n3A_712 : i32
      %select_n3A_723 = arith.select %and3A_721, %add3A_722, %rem3A_713 : i32
      %jit3A_724 = arith.constant 8 : i32
      %div3A_725 = arith.divsi %select_n3A_707, %jit3A_724 : i32
      %sign3A_726 = arith.constant 0 : i32
      %sign3A_727 = arith.cmpi sgt, %select_n3A_707, %sign3A_726 : i32
      %sign3A_728 = arith.extui %sign3A_727 : i1 to i32
      %sign3A_729 = arith.constant 0 : i32
      %sign3A_730 = arith.cmpi slt, %select_n3A_707, %sign3A_729 : i32
      %sign3A_731 = arith.extui %sign3A_730 : i1 to i32
      %sign3A_732 = arith.subi %sign3A_728, %sign3A_731 : i32
      %sign3A_733 = arith.constant 0 : i32
      %sign3A_734 = arith.cmpi sgt, %jit3A_724, %sign3A_733 : i32
      %sign3A_735 = arith.extui %sign3A_734 : i1 to i32
      %sign3A_736 = arith.constant 0 : i32
      %sign3A_737 = arith.cmpi slt, %jit3A_724, %sign3A_736 : i32
      %sign3A_738 = arith.extui %sign3A_737 : i1 to i32
      %sign3A_739 = arith.subi %sign3A_735, %sign3A_738 : i32
      %ne3A_740 = arith.cmpi ne, %sign3A_732, %sign3A_739 : i32
      %rem3A_741 = arith.remsi %select_n3A_707, %jit3A_724 : i32
      %ne3A_742 = arith.constant 0 : i32
      %ne3A_743 = arith.cmpi ne, %rem3A_741, %ne3A_742 : i32
      %and3A_744 = arith.andi %ne3A_740, %ne3A_743 : i1
      %sub3A_745 = arith.constant 1 : i32
      %sub3A_746 = arith.subi %div3A_725, %sub3A_745 : i32
      %select_n3A_747 = arith.select %and3A_744, %sub3A_746, %div3A_725 : i32
      %jit3A_748 = arith.constant 8 : i32
      %eq3A_749 = arith.constant 0 : i32
      %eq3A_750 = arith.cmpi eq, %jit3A_748, %eq3A_749 : i32
      %jit3A_751 = arith.constant 1 : i32
      %select_n3A_752 = arith.select %eq3A_750, %jit3A_751, %jit3A_748 : i32
      %rem3A_753 = arith.remsi %select_n3A_707, %select_n3A_752 : i32
      %ne3A_754 = arith.constant 0 : i32
      %ne3A_755 = arith.cmpi ne, %rem3A_753, %ne3A_754 : i32
      %lt3A_756 = arith.constant 0 : i32
      %lt3A_757 = arith.cmpi slt, %rem3A_753, %lt3A_756 : i32
      %lt3A_758 = arith.constant 0 : i32
      %lt3A_759 = arith.cmpi slt, %select_n3A_752, %lt3A_758 : i32
      %ne3A_760 = arith.xori %lt3A_757, %lt3A_759 : i1
      %and3A_761 = arith.andi %ne3A_760, %ne3A_755 : i1
      %add3A_762 = arith.addi %rem3A_753, %select_n3A_752 : i32
      %select_n3A_763 = arith.select %and3A_761, %add3A_762, %rem3A_753 : i32
      %mul3A_764 = arith.constant 4 : i32
      %mul3A_765 = arith.muli %mul3A_764, %select_n3A_723 : i32
      %add3A_766 = arith.constant 3 : i32
      %add3A_767 = arith.addi %mul3A_765, %add3A_766 : i32
      %mul3A_768 = arith.constant 128 : i32
      %mul3A_769 = arith.muli %add3A_767, %mul3A_768 : i32
      %mul3A_770 = arith.constant 8 : i32
      %mul3A_771 = arith.muli %select_n3A_747, %mul3A_770 : i32
      %add3A_772 = arith.addi %mul3A_771, %select_n3A_763 : i32
      %dma_start3A_773 = arith.constant 0 : i32
      %dma_start3A_774 = arith.constant 0 : i32
      %dma_start3A_775 = arith.constant 384 : i32
      %dma_start3A_776 = arith.constant 0 : i32
      %dma_start3A_777 = tpu.memref_slice %arg6[%dma_start3A_773, %dma_start3A_775, %dma_start3A_776] : memref<2x512x64xf32, #tpu.memory_space<vmem>> -> memref<1x128x64xf32, #tpu.memory_space<vmem>>
      %dma_start3A_778 = tpu.memref_squeeze %dma_start3A_777 : memref<1x128x64xf32, #tpu.memory_space<vmem>> -> memref<128x64xf32, #tpu.memory_space<vmem>>
      %dma_start3A_779 = arith.constant 0 : i32
      %dma_start3A_780 = tpu.memref_slice %arg4[%mul3A_769, %add3A_772, %dma_start3A_779] : memref<4096x200x64xf32, #tpu.memory_space<hbm>> -> memref<128x1x64xf32, #tpu.memory_space<hbm>>
      %dma_start3A_781 = tpu.memref_squeeze %dma_start3A_780 : memref<128x1x64xf32, #tpu.memory_space<hbm>> -> memref<128x64xf32, #tpu.memory_space<hbm>>
      %dma_start3A_782 = tpu.memref_slice %arg8[%dma_start3A_774] : memref<2x!tpu.dma_semaphore, #tpu.memory_space<semaphore_mem>> -> memref<1x!tpu.dma_semaphore, #tpu.memory_space<semaphore_mem>>
      %dma_start3A_783 = tpu.memref_squeeze %dma_start3A_782 : memref<1x!tpu.dma_semaphore, #tpu.memory_space<semaphore_mem>> -> memref<!tpu.dma_semaphore, #tpu.memory_space<semaphore_mem>>
      %dma_start3A_784 = arith.constant 0 : i32
      %dma_start3A_785 = tpu.memref_slice %arg4[%mul3A_769, %add3A_772, %dma_start3A_784] : memref<4096x200x64xf32, #tpu.memory_space<hbm>> -> memref<128x1x64xf32, #tpu.memory_space<hbm>>
      %dma_start3A_786 = tpu.memref_squeeze %dma_start3A_785 : memref<128x1x64xf32, #tpu.memory_space<hbm>> -> memref<128x64xf32, #tpu.memory_space<hbm>>
      %dma_start3A_787 = arith.constant 384 : i32
      %dma_start3A_788 = arith.constant 0 : i32
      %dma_start3A_789 = tpu.memref_slice %arg6[%dma_start3A_773, %dma_start3A_787, %dma_start3A_788] : memref<2x512x64xf32, #tpu.memory_space<vmem>> -> memref<1x128x64xf32, #tpu.memory_space<vmem>>
      %dma_start3A_790 = tpu.memref_squeeze %dma_start3A_789 : memref<1x128x64xf32, #tpu.memory_space<vmem>> -> memref<128x64xf32, #tpu.memory_space<vmem>>
      tpu.enqueue_dma source(%dma_start3A_790 : memref<128x64xf32, #tpu.memory_space<vmem>>) target(%dma_start3A_786 : memref<128x64xf32, #tpu.memory_space<hbm>>) target_semaphore(%dma_start3A_783 : memref<!tpu.dma_semaphore, #tpu.memory_space<semaphore_mem>>)
      %mul3A_791 = arith.constant 2 : i32
      %mul3A_792 = arith.muli %mul3A_791, %scan3A_294 : i32
      %add3A_793 = arith.addi %mul3A_2, %mul3A_792 : i32
      %add3A_794 = arith.constant 1 : i32
      %add3A_795 = arith.addi %add3A_793, %add3A_794 : i32
      %dma_wait3A_796 = arith.constant 1 : i32
      %dma_wait3A_797 = arith.constant 0 : i32
      %dma_wait3A_798 = arith.constant 1 : i32
      %dma_wait3A_799 = arith.constant 1 : i32
      %dma_wait3A_800 = arith.constant 0 : i32
      %dma_wait3A_801 = arith.constant 0 : i32
      %dma_wait3A_802 = tpu.memref_slice %arg6[%dma_wait3A_798, %dma_wait3A_800, %dma_wait3A_801] : memref<2x512x64xf32, #tpu.memory_space<vmem>> -> memref<1x128x64xf32, #tpu.memory_space<vmem>>
      %dma_wait3A_803 = tpu.memref_squeeze %dma_wait3A_802 : memref<1x128x64xf32, #tpu.memory_space<vmem>> -> memref<128x64xf32, #tpu.memory_space<vmem>>
      %dma_wait3A_804 = arith.constant 0 : i32
      %dma_wait3A_805 = tpu.memref_slice %arg5[%dma_wait3A_796, %dma_wait3A_797, %dma_wait3A_804] : memref<2x4x128xi32, #tpu.memory_space<vmem>> -> memref<1x1x128xi32, #tpu.memory_space<vmem>>
      %dma_wait3A_806 = tpu.memref_squeeze %dma_wait3A_805 : memref<1x1x128xi32, #tpu.memory_space<vmem>> -> memref<128xi32, #tpu.memory_space<vmem>>
      %dma_wait3A_807 = arith.constant 0 : i32
      %dma_wait3A_808 = arith.constant 0 : i32
      %dma_wait3A_809 = tpu.memref_slice %arg3[%dma_wait3A_807, %dma_wait3A_808] : memref<1000000x64xf32, #tpu.memory_space<hbm>> -> memref<1000000x64xf32, #tpu.memory_space<hbm>>
      %dma_wait3A_810 = tpu.memref_slice %arg7[%dma_wait3A_799] : memref<2x!tpu.dma_semaphore, #tpu.memory_space<semaphore_mem>> -> memref<1x!tpu.dma_semaphore, #tpu.memory_space<semaphore_mem>>
      %dma_wait3A_811 = tpu.memref_squeeze %dma_wait3A_810 : memref<1x!tpu.dma_semaphore, #tpu.memory_space<semaphore_mem>> -> memref<!tpu.dma_semaphore, #tpu.memory_space<semaphore_mem>>
      tpu.wait_indirect_dma semaphore(%dma_wait3A_811 : memref<!tpu.dma_semaphore, #tpu.memory_space<semaphore_mem>>) src(%dma_wait3A_809 : memref<1000000x64xf32, #tpu.memory_space<hbm>>) dst(%dma_wait3A_803 : memref<128x64xf32, #tpu.memory_space<vmem>>)
      %dma_wait3A_812 = arith.constant 1 : i32
      %dma_wait3A_813 = arith.constant 1 : i32
      %dma_wait3A_814 = arith.constant 1 : i32
      %dma_wait3A_815 = arith.constant 1 : i32
      %dma_wait3A_816 = arith.constant 128 : i32
      %dma_wait3A_817 = arith.constant 0 : i32
      %dma_wait3A_818 = tpu.memref_slice %arg6[%dma_wait3A_814, %dma_wait3A_816, %dma_wait3A_817] : memref<2x512x64xf32, #tpu.memory_space<vmem>> -> memref<1x128x64xf32, #tpu.memory_space<vmem>>
      %dma_wait3A_819 = tpu.memref_squeeze %dma_wait3A_818 : memref<1x128x64xf32, #tpu.memory_space<vmem>> -> memref<128x64xf32, #tpu.memory_space<vmem>>
      %dma_wait3A_820 = arith.constant 0 : i32
      %dma_wait3A_821 = tpu.memref_slice %arg5[%dma_wait3A_812, %dma_wait3A_813, %dma_wait3A_820] : memref<2x4x128xi32, #tpu.memory_space<vmem>> -> memref<1x1x128xi32, #tpu.memory_space<vmem>>
      %dma_wait3A_822 = tpu.memref_squeeze %dma_wait3A_821 : memref<1x1x128xi32, #tpu.memory_space<vmem>> -> memref<128xi32, #tpu.memory_space<vmem>>
      %dma_wait3A_823 = arith.constant 0 : i32
      %dma_wait3A_824 = arith.constant 0 : i32
      %dma_wait3A_825 = tpu.memref_slice %arg3[%dma_wait3A_823, %dma_wait3A_824] : memref<1000000x64xf32, #tpu.memory_space<hbm>> -> memref<1000000x64xf32, #tpu.memory_space<hbm>>
      %dma_wait3A_826 = tpu.memref_slice %arg7[%dma_wait3A_815] : memref<2x!tpu.dma_semaphore, #tpu.memory_space<semaphore_mem>> -> memref<1x!tpu.dma_semaphore, #tpu.memory_space<semaphore_mem>>
      %dma_wait3A_827 = tpu.memref_squeeze %dma_wait3A_826 : memref<1x!tpu.dma_semaphore, #tpu.memory_space<semaphore_mem>> -> memref<!tpu.dma_semaphore, #tpu.memory_space<semaphore_mem>>
      tpu.wait_indirect_dma semaphore(%dma_wait3A_827 : memref<!tpu.dma_semaphore, #tpu.memory_space<semaphore_mem>>) src(%dma_wait3A_825 : memref<1000000x64xf32, #tpu.memory_space<hbm>>) dst(%dma_wait3A_819 : memref<128x64xf32, #tpu.memory_space<vmem>>)
      %dma_wait3A_828 = arith.constant 1 : i32
      %dma_wait3A_829 = arith.constant 2 : i32
      %dma_wait3A_830 = arith.constant 1 : i32
      %dma_wait3A_831 = arith.constant 1 : i32
      %dma_wait3A_832 = arith.constant 256 : i32
      %dma_wait3A_833 = arith.constant 0 : i32
      %dma_wait3A_834 = tpu.memref_slice %arg6[%dma_wait3A_830, %dma_wait3A_832, %dma_wait3A_833] : memref<2x512x64xf32, #tpu.memory_space<vmem>> -> memref<1x128x64xf32, #tpu.memory_space<vmem>>
      %dma_wait3A_835 = tpu.memref_squeeze %dma_wait3A_834 : memref<1x128x64xf32, #tpu.memory_space<vmem>> -> memref<128x64xf32, #tpu.memory_space<vmem>>
      %dma_wait3A_836 = arith.constant 0 : i32
      %dma_wait3A_837 = tpu.memref_slice %arg5[%dma_wait3A_828, %dma_wait3A_829, %dma_wait3A_836] : memref<2x4x128xi32, #tpu.memory_space<vmem>> -> memref<1x1x128xi32, #tpu.memory_space<vmem>>
      %dma_wait3A_838 = tpu.memref_squeeze %dma_wait3A_837 : memref<1x1x128xi32, #tpu.memory_space<vmem>> -> memref<128xi32, #tpu.memory_space<vmem>>
      %dma_wait3A_839 = arith.constant 0 : i32
      %dma_wait3A_840 = arith.constant 0 : i32
      %dma_wait3A_841 = tpu.memref_slice %arg3[%dma_wait3A_839, %dma_wait3A_840] : memref<1000000x64xf32, #tpu.memory_space<hbm>> -> memref<1000000x64xf32, #tpu.memory_space<hbm>>
      %dma_wait3A_842 = tpu.memref_slice %arg7[%dma_wait3A_831] : memref<2x!tpu.dma_semaphore, #tpu.memory_space<semaphore_mem>> -> memref<1x!tpu.dma_semaphore, #tpu.memory_space<semaphore_mem>>
      %dma_wait3A_843 = tpu.memref_squeeze %dma_wait3A_842 : memref<1x!tpu.dma_semaphore, #tpu.memory_space<semaphore_mem>> -> memref<!tpu.dma_semaphore, #tpu.memory_space<semaphore_mem>>
      tpu.wait_indirect_dma semaphore(%dma_wait3A_843 : memref<!tpu.dma_semaphore, #tpu.memory_space<semaphore_mem>>) src(%dma_wait3A_841 : memref<1000000x64xf32, #tpu.memory_space<hbm>>) dst(%dma_wait3A_835 : memref<128x64xf32, #tpu.memory_space<vmem>>)
      %dma_wait3A_844 = arith.constant 1 : i32
      %dma_wait3A_845 = arith.constant 3 : i32
      %dma_wait3A_846 = arith.constant 1 : i32
      %dma_wait3A_847 = arith.constant 1 : i32
      %dma_wait3A_848 = arith.constant 384 : i32
      %dma_wait3A_849 = arith.constant 0 : i32
      %dma_wait3A_850 = tpu.memref_slice %arg6[%dma_wait3A_846, %dma_wait3A_848, %dma_wait3A_849] : memref<2x512x64xf32, #tpu.memory_space<vmem>> -> memref<1x128x64xf32, #tpu.memory_space<vmem>>
      %dma_wait3A_851 = tpu.memref_squeeze %dma_wait3A_850 : memref<1x128x64xf32, #tpu.memory_space<vmem>> -> memref<128x64xf32, #tpu.memory_space<vmem>>
      %dma_wait3A_852 = arith.constant 0 : i32
      %dma_wait3A_853 = tpu.memref_slice %arg5[%dma_wait3A_844, %dma_wait3A_845, %dma_wait3A_852] : memref<2x4x128xi32, #tpu.memory_space<vmem>> -> memref<1x1x128xi32, #tpu.memory_space<vmem>>
      %dma_wait3A_854 = tpu.memref_squeeze %dma_wait3A_853 : memref<1x1x128xi32, #tpu.memory_space<vmem>> -> memref<128xi32, #tpu.memory_space<vmem>>
      %dma_wait3A_855 = arith.constant 0 : i32
      %dma_wait3A_856 = arith.constant 0 : i32
      %dma_wait3A_857 = tpu.memref_slice %arg3[%dma_wait3A_855, %dma_wait3A_856] : memref<1000000x64xf32, #tpu.memory_space<hbm>> -> memref<1000000x64xf32, #tpu.memory_space<hbm>>
      %dma_wait3A_858 = tpu.memref_slice %arg7[%dma_wait3A_847] : memref<2x!tpu.dma_semaphore, #tpu.memory_space<semaphore_mem>> -> memref<1x!tpu.dma_semaphore, #tpu.memory_space<semaphore_mem>>
      %dma_wait3A_859 = tpu.memref_squeeze %dma_wait3A_858 : memref<1x!tpu.dma_semaphore, #tpu.memory_space<semaphore_mem>> -> memref<!tpu.dma_semaphore, #tpu.memory_space<semaphore_mem>>
      tpu.wait_indirect_dma semaphore(%dma_wait3A_859 : memref<!tpu.dma_semaphore, #tpu.memory_space<semaphore_mem>>) src(%dma_wait3A_857 : memref<1000000x64xf32, #tpu.memory_space<hbm>>) dst(%dma_wait3A_851 : memref<128x64xf32, #tpu.memory_space<vmem>>)
      %jit3A_860 = arith.constant 8 : i32
      %div3A_861 = arith.divsi %add3A_795, %jit3A_860 : i32
      %sign3A_862 = arith.constant 0 : i32
      %sign3A_863 = arith.cmpi sgt, %add3A_795, %sign3A_862 : i32
      %sign3A_864 = arith.extui %sign3A_863 : i1 to i32
      %sign3A_865 = arith.constant 0 : i32
      %sign3A_866 = arith.cmpi slt, %add3A_795, %sign3A_865 : i32
      %sign3A_867 = arith.extui %sign3A_866 : i1 to i32
      %sign3A_868 = arith.subi %sign3A_864, %sign3A_867 : i32
      %sign3A_869 = arith.constant 0 : i32
      %sign3A_870 = arith.cmpi sgt, %jit3A_860, %sign3A_869 : i32
      %sign3A_871 = arith.extui %sign3A_870 : i1 to i32
      %sign3A_872 = arith.constant 0 : i32
      %sign3A_873 = arith.cmpi slt, %jit3A_860, %sign3A_872 : i32
      %sign3A_874 = arith.extui %sign3A_873 : i1 to i32
      %sign3A_875 = arith.subi %sign3A_871, %sign3A_874 : i32
      %ne3A_876 = arith.cmpi ne, %sign3A_868, %sign3A_875 : i32
      %rem3A_877 = arith.remsi %add3A_795, %jit3A_860 : i32
      %ne3A_878 = arith.constant 0 : i32
      %ne3A_879 = arith.cmpi ne, %rem3A_877, %ne3A_878 : i32
      %and3A_880 = arith.andi %ne3A_876, %ne3A_879 : i1
      %sub3A_881 = arith.constant 1 : i32
      %sub3A_882 = arith.subi %div3A_861, %sub3A_881 : i32
      %select_n3A_883 = arith.select %and3A_880, %sub3A_882, %div3A_861 : i32
      %jit3A_884 = arith.constant 8 : i32
      %eq3A_885 = arith.constant 0 : i32
      %eq3A_886 = arith.cmpi eq, %jit3A_884, %eq3A_885 : i32
      %jit3A_887 = arith.constant 1 : i32
      %select_n3A_888 = arith.select %eq3A_886, %jit3A_887, %jit3A_884 : i32
      %rem3A_889 = arith.remsi %add3A_795, %select_n3A_888 : i32
      %ne3A_890 = arith.constant 0 : i32
      %ne3A_891 = arith.cmpi ne, %rem3A_889, %ne3A_890 : i32
      %lt3A_892 = arith.constant 0 : i32
      %lt3A_893 = arith.cmpi slt, %rem3A_889, %lt3A_892 : i32
      %lt3A_894 = arith.constant 0 : i32
      %lt3A_895 = arith.cmpi slt, %select_n3A_888, %lt3A_894 : i32
      %ne3A_896 = arith.xori %lt3A_893, %lt3A_895 : i1
      %and3A_897 = arith.andi %ne3A_896, %ne3A_891 : i1
      %add3A_898 = arith.addi %rem3A_889, %select_n3A_888 : i32
      %select_n3A_899 = arith.select %and3A_897, %add3A_898, %rem3A_889 : i32
      %jit3A_900 = arith.constant 8 : i32
      %div3A_901 = arith.divsi %select_n3A_883, %jit3A_900 : i32
      %sign3A_902 = arith.constant 0 : i32
      %sign3A_903 = arith.cmpi sgt, %select_n3A_883, %sign3A_902 : i32
      %sign3A_904 = arith.extui %sign3A_903 : i1 to i32
      %sign3A_905 = arith.constant 0 : i32
      %sign3A_906 = arith.cmpi slt, %select_n3A_883, %sign3A_905 : i32
      %sign3A_907 = arith.extui %sign3A_906 : i1 to i32
      %sign3A_908 = arith.subi %sign3A_904, %sign3A_907 : i32
      %sign3A_909 = arith.constant 0 : i32
      %sign3A_910 = arith.cmpi sgt, %jit3A_900, %sign3A_909 : i32
      %sign3A_911 = arith.extui %sign3A_910 : i1 to i32
      %sign3A_912 = arith.constant 0 : i32
      %sign3A_913 = arith.cmpi slt, %jit3A_900, %sign3A_912 : i32
      %sign3A_914 = arith.extui %sign3A_913 : i1 to i32
      %sign3A_915 = arith.subi %sign3A_911, %sign3A_914 : i32
      %ne3A_916 = arith.cmpi ne, %sign3A_908, %sign3A_915 : i32
      %rem3A_917 = arith.remsi %select_n3A_883, %jit3A_900 : i32
      %ne3A_918 = arith.constant 0 : i32
      %ne3A_919 = arith.cmpi ne, %rem3A_917, %ne3A_918 : i32
      %and3A_920 = arith.andi %ne3A_916, %ne3A_919 : i1
      %sub3A_921 = arith.constant 1 : i32
      %sub3A_922 = arith.subi %div3A_901, %sub3A_921 : i32
      %select_n3A_923 = arith.select %and3A_920, %sub3A_922, %div3A_901 : i32
      %jit3A_924 = arith.constant 8 : i32
      %eq3A_925 = arith.constant 0 : i32
      %eq3A_926 = arith.cmpi eq, %jit3A_924, %eq3A_925 : i32
      %jit3A_927 = arith.constant 1 : i32
      %select_n3A_928 = arith.select %eq3A_926, %jit3A_927, %jit3A_924 : i32
      %rem3A_929 = arith.remsi %select_n3A_883, %select_n3A_928 : i32
      %ne3A_930 = arith.constant 0 : i32
      %ne3A_931 = arith.cmpi ne, %rem3A_929, %ne3A_930 : i32
      %lt3A_932 = arith.constant 0 : i32
      %lt3A_933 = arith.cmpi slt, %rem3A_929, %lt3A_932 : i32
      %lt3A_934 = arith.constant 0 : i32
      %lt3A_935 = arith.cmpi slt, %select_n3A_928, %lt3A_934 : i32
      %ne3A_936 = arith.xori %lt3A_933, %lt3A_935 : i1
      %and3A_937 = arith.andi %ne3A_936, %ne3A_931 : i1
      %add3A_938 = arith.addi %rem3A_929, %select_n3A_928 : i32
      %select_n3A_939 = arith.select %and3A_937, %add3A_938, %rem3A_929 : i32
      %mul3A_940 = arith.constant 4 : i32
      %mul3A_941 = arith.muli %mul3A_940, %select_n3A_899 : i32
      %add3A_942 = arith.constant 0 : i32
      %add3A_943 = arith.addi %mul3A_941, %add3A_942 : i32
      %mul3A_944 = arith.constant 128 : i32
      %mul3A_945 = arith.muli %add3A_943, %mul3A_944 : i32
      %mul3A_946 = arith.constant 8 : i32
      %mul3A_947 = arith.muli %select_n3A_923, %mul3A_946 : i32
      %add3A_948 = arith.addi %mul3A_947, %select_n3A_939 : i32
      %dma_start3A_949 = arith.constant 1 : i32
      %dma_start3A_950 = arith.constant 1 : i32
      %dma_start3A_951 = arith.constant 0 : i32
      %dma_start3A_952 = arith.constant 0 : i32
      %dma_start3A_953 = tpu.memref_slice %arg6[%dma_start3A_949, %dma_start3A_951, %dma_start3A_952] : memref<2x512x64xf32, #tpu.memory_space<vmem>> -> memref<1x128x64xf32, #tpu.memory_space<vmem>>
      %dma_start3A_954 = tpu.memref_squeeze %dma_start3A_953 : memref<1x128x64xf32, #tpu.memory_space<vmem>> -> memref<128x64xf32, #tpu.memory_space<vmem>>
      %dma_start3A_955 = arith.constant 0 : i32
      %dma_start3A_956 = tpu.memref_slice %arg4[%mul3A_945, %add3A_948, %dma_start3A_955] : memref<4096x200x64xf32, #tpu.memory_space<hbm>> -> memref<128x1x64xf32, #tpu.memory_space<hbm>>
      %dma_start3A_957 = tpu.memref_squeeze %dma_start3A_956 : memref<128x1x64xf32, #tpu.memory_space<hbm>> -> memref<128x64xf32, #tpu.memory_space<hbm>>
      %dma_start3A_958 = tpu.memref_slice %arg8[%dma_start3A_950] : memref<2x!tpu.dma_semaphore, #tpu.memory_space<semaphore_mem>> -> memref<1x!tpu.dma_semaphore, #tpu.memory_space<semaphore_mem>>
      %dma_start3A_959 = tpu.memref_squeeze %dma_start3A_958 : memref<1x!tpu.dma_semaphore, #tpu.memory_space<semaphore_mem>> -> memref<!tpu.dma_semaphore, #tpu.memory_space<semaphore_mem>>
      %dma_start3A_960 = arith.constant 0 : i32
      %dma_start3A_961 = tpu.memref_slice %arg4[%mul3A_945, %add3A_948, %dma_start3A_960] : memref<4096x200x64xf32, #tpu.memory_space<hbm>> -> memref<128x1x64xf32, #tpu.memory_space<hbm>>
      %dma_start3A_962 = tpu.memref_squeeze %dma_start3A_961 : memref<128x1x64xf32, #tpu.memory_space<hbm>> -> memref<128x64xf32, #tpu.memory_space<hbm>>
      %dma_start3A_963 = arith.constant 0 : i32
      %dma_start3A_964 = arith.constant 0 : i32
      %dma_start3A_965 = tpu.memref_slice %arg6[%dma_start3A_949, %dma_start3A_963, %dma_start3A_964] : memref<2x512x64xf32, #tpu.memory_space<vmem>> -> memref<1x128x64xf32, #tpu.memory_space<vmem>>
      %dma_start3A_966 = tpu.memref_squeeze %dma_start3A_965 : memref<1x128x64xf32, #tpu.memory_space<vmem>> -> memref<128x64xf32, #tpu.memory_space<vmem>>
      tpu.enqueue_dma source(%dma_start3A_966 : memref<128x64xf32, #tpu.memory_space<vmem>>) target(%dma_start3A_962 : memref<128x64xf32, #tpu.memory_space<hbm>>) target_semaphore(%dma_start3A_959 : memref<!tpu.dma_semaphore, #tpu.memory_space<semaphore_mem>>)
      %jit3A_967 = arith.constant 8 : i32
      %div3A_968 = arith.divsi %add3A_795, %jit3A_967 : i32
      %sign3A_969 = arith.constant 0 : i32
      %sign3A_970 = arith.cmpi sgt, %add3A_795, %sign3A_969 : i32
      %sign3A_971 = arith.extui %sign3A_970 : i1 to i32
      %sign3A_972 = arith.constant 0 : i32
      %sign3A_973 = arith.cmpi slt, %add3A_795, %sign3A_972 : i32
      %sign3A_974 = arith.extui %sign3A_973 : i1 to i32
      %sign3A_975 = arith.subi %sign3A_971, %sign3A_974 : i32
      %sign3A_976 = arith.constant 0 : i32
      %sign3A_977 = arith.cmpi sgt, %jit3A_967, %sign3A_976 : i32
      %sign3A_978 = arith.extui %sign3A_977 : i1 to i32
      %sign3A_979 = arith.constant 0 : i32
      %sign3A_980 = arith.cmpi slt, %jit3A_967, %sign3A_979 : i32
      %sign3A_981 = arith.extui %sign3A_980 : i1 to i32
      %sign3A_982 = arith.subi %sign3A_978, %sign3A_981 : i32
      %ne3A_983 = arith.cmpi ne, %sign3A_975, %sign3A_982 : i32
      %rem3A_984 = arith.remsi %add3A_795, %jit3A_967 : i32
      %ne3A_985 = arith.constant 0 : i32
      %ne3A_986 = arith.cmpi ne, %rem3A_984, %ne3A_985 : i32
      %and3A_987 = arith.andi %ne3A_983, %ne3A_986 : i1
      %sub3A_988 = arith.constant 1 : i32
      %sub3A_989 = arith.subi %div3A_968, %sub3A_988 : i32
      %select_n3A_990 = arith.select %and3A_987, %sub3A_989, %div3A_968 : i32
      %jit3A_991 = arith.constant 8 : i32
      %eq3A_992 = arith.constant 0 : i32
      %eq3A_993 = arith.cmpi eq, %jit3A_991, %eq3A_992 : i32
      %jit3A_994 = arith.constant 1 : i32
      %select_n3A_995 = arith.select %eq3A_993, %jit3A_994, %jit3A_991 : i32
      %rem3A_996 = arith.remsi %add3A_795, %select_n3A_995 : i32
      %ne3A_997 = arith.constant 0 : i32
      %ne3A_998 = arith.cmpi ne, %rem3A_996, %ne3A_997 : i32
      %lt3A_999 = arith.constant 0 : i32
      %lt3A_1000 = arith.cmpi slt, %rem3A_996, %lt3A_999 : i32
      %lt3A_1001 = arith.constant 0 : i32
      %lt3A_1002 = arith.cmpi slt, %select_n3A_995, %lt3A_1001 : i32
      %ne3A_1003 = arith.xori %lt3A_1000, %lt3A_1002 : i1
      %and3A_1004 = arith.andi %ne3A_1003, %ne3A_998 : i1
      %add3A_1005 = arith.addi %rem3A_996, %select_n3A_995 : i32
      %select_n3A_1006 = arith.select %and3A_1004, %add3A_1005, %rem3A_996 : i32
      %jit3A_1007 = arith.constant 8 : i32
      %div3A_1008 = arith.divsi %select_n3A_990, %jit3A_1007 : i32
      %sign3A_1009 = arith.constant 0 : i32
      %sign3A_1010 = arith.cmpi sgt, %select_n3A_990, %sign3A_1009 : i32
      %sign3A_1011 = arith.extui %sign3A_1010 : i1 to i32
      %sign3A_1012 = arith.constant 0 : i32
      %sign3A_1013 = arith.cmpi slt, %select_n3A_990, %sign3A_1012 : i32
      %sign3A_1014 = arith.extui %sign3A_1013 : i1 to i32
      %sign3A_1015 = arith.subi %sign3A_1011, %sign3A_1014 : i32
      %sign3A_1016 = arith.constant 0 : i32
      %sign3A_1017 = arith.cmpi sgt, %jit3A_1007, %sign3A_1016 : i32
      %sign3A_1018 = arith.extui %sign3A_1017 : i1 to i32
      %sign3A_1019 = arith.constant 0 : i32
      %sign3A_1020 = arith.cmpi slt, %jit3A_1007, %sign3A_1019 : i32
      %sign3A_1021 = arith.extui %sign3A_1020 : i1 to i32
      %sign3A_1022 = arith.subi %sign3A_1018, %sign3A_1021 : i32
      %ne3A_1023 = arith.cmpi ne, %sign3A_1015, %sign3A_1022 : i32
      %rem3A_1024 = arith.remsi %select_n3A_990, %jit3A_1007 : i32
      %ne3A_1025 = arith.constant 0 : i32
      %ne3A_1026 = arith.cmpi ne, %rem3A_1024, %ne3A_1025 : i32
      %and3A_1027 = arith.andi %ne3A_1023, %ne3A_1026 : i1
      %sub3A_1028 = arith.constant 1 : i32
      %sub3A_1029 = arith.subi %div3A_1008, %sub3A_1028 : i32
      %select_n3A_1030 = arith.select %and3A_1027, %sub3A_1029, %div3A_1008 : i32
      %jit3A_1031 = arith.constant 8 : i32
      %eq3A_1032 = arith.constant 0 : i32
      %eq3A_1033 = arith.cmpi eq, %jit3A_1031, %eq3A_1032 : i32
      %jit3A_1034 = arith.constant 1 : i32
      %select_n3A_1035 = arith.select %eq3A_1033, %jit3A_1034, %jit3A_1031 : i32
      %rem3A_1036 = arith.remsi %select_n3A_990, %select_n3A_1035 : i32
      %ne3A_1037 = arith.constant 0 : i32
      %ne3A_1038 = arith.cmpi ne, %rem3A_1036, %ne3A_1037 : i32
      %lt3A_1039 = arith.constant 0 : i32
      %lt3A_1040 = arith.cmpi slt, %rem3A_1036, %lt3A_1039 : i32
      %lt3A_1041 = arith.constant 0 : i32
      %lt3A_1042 = arith.cmpi slt, %select_n3A_1035, %lt3A_1041 : i32
      %ne3A_1043 = arith.xori %lt3A_1040, %lt3A_1042 : i1
      %and3A_1044 = arith.andi %ne3A_1043, %ne3A_1038 : i1
      %add3A_1045 = arith.addi %rem3A_1036, %select_n3A_1035 : i32
      %select_n3A_1046 = arith.select %and3A_1044, %add3A_1045, %rem3A_1036 : i32
      %mul3A_1047 = arith.constant 4 : i32
      %mul3A_1048 = arith.muli %mul3A_1047, %select_n3A_1006 : i32
      %add3A_1049 = arith.constant 1 : i32
      %add3A_1050 = arith.addi %mul3A_1048, %add3A_1049 : i32
      %mul3A_1051 = arith.constant 128 : i32
      %mul3A_1052 = arith.muli %add3A_1050, %mul3A_1051 : i32
      %mul3A_1053 = arith.constant 8 : i32
      %mul3A_1054 = arith.muli %select_n3A_1030, %mul3A_1053 : i32
      %add3A_1055 = arith.addi %mul3A_1054, %select_n3A_1046 : i32
      %dma_start3A_1056 = arith.constant 1 : i32
      %dma_start3A_1057 = arith.constant 1 : i32
      %dma_start3A_1058 = arith.constant 128 : i32
      %dma_start3A_1059 = arith.constant 0 : i32
      %dma_start3A_1060 = tpu.memref_slice %arg6[%dma_start3A_1056, %dma_start3A_1058, %dma_start3A_1059] : memref<2x512x64xf32, #tpu.memory_space<vmem>> -> memref<1x128x64xf32, #tpu.memory_space<vmem>>
      %dma_start3A_1061 = tpu.memref_squeeze %dma_start3A_1060 : memref<1x128x64xf32, #tpu.memory_space<vmem>> -> memref<128x64xf32, #tpu.memory_space<vmem>>
      %dma_start3A_1062 = arith.constant 0 : i32
      %dma_start3A_1063 = tpu.memref_slice %arg4[%mul3A_1052, %add3A_1055, %dma_start3A_1062] : memref<4096x200x64xf32, #tpu.memory_space<hbm>> -> memref<128x1x64xf32, #tpu.memory_space<hbm>>
      %dma_start3A_1064 = tpu.memref_squeeze %dma_start3A_1063 : memref<128x1x64xf32, #tpu.memory_space<hbm>> -> memref<128x64xf32, #tpu.memory_space<hbm>>
      %dma_start3A_1065 = tpu.memref_slice %arg8[%dma_start3A_1057] : memref<2x!tpu.dma_semaphore, #tpu.memory_space<semaphore_mem>> -> memref<1x!tpu.dma_semaphore, #tpu.memory_space<semaphore_mem>>
      %dma_start3A_1066 = tpu.memref_squeeze %dma_start3A_1065 : memref<1x!tpu.dma_semaphore, #tpu.memory_space<semaphore_mem>> -> memref<!tpu.dma_semaphore, #tpu.memory_space<semaphore_mem>>
      %dma_start3A_1067 = arith.constant 0 : i32
      %dma_start3A_1068 = tpu.memref_slice %arg4[%mul3A_1052, %add3A_1055, %dma_start3A_1067] : memref<4096x200x64xf32, #tpu.memory_space<hbm>> -> memref<128x1x64xf32, #tpu.memory_space<hbm>>
      %dma_start3A_1069 = tpu.memref_squeeze %dma_start3A_1068 : memref<128x1x64xf32, #tpu.memory_space<hbm>> -> memref<128x64xf32, #tpu.memory_space<hbm>>
      %dma_start3A_1070 = arith.constant 128 : i32
      %dma_start3A_1071 = arith.constant 0 : i32
      %dma_start3A_1072 = tpu.memref_slice %arg6[%dma_start3A_1056, %dma_start3A_1070, %dma_start3A_1071] : memref<2x512x64xf32, #tpu.memory_space<vmem>> -> memref<1x128x64xf32, #tpu.memory_space<vmem>>
      %dma_start3A_1073 = tpu.memref_squeeze %dma_start3A_1072 : memref<1x128x64xf32, #tpu.memory_space<vmem>> -> memref<128x64xf32, #tpu.memory_space<vmem>>
      tpu.enqueue_dma source(%dma_start3A_1073 : memref<128x64xf32, #tpu.memory_space<vmem>>) target(%dma_start3A_1069 : memref<128x64xf32, #tpu.memory_space<hbm>>) target_semaphore(%dma_start3A_1066 : memref<!tpu.dma_semaphore, #tpu.memory_space<semaphore_mem>>)
      %jit3A_1074 = arith.constant 8 : i32
      %div3A_1075 = arith.divsi %add3A_795, %jit3A_1074 : i32
      %sign3A_1076 = arith.constant 0 : i32
      %sign3A_1077 = arith.cmpi sgt, %add3A_795, %sign3A_1076 : i32
      %sign3A_1078 = arith.extui %sign3A_1077 : i1 to i32
      %sign3A_1079 = arith.constant 0 : i32
      %sign3A_1080 = arith.cmpi slt, %add3A_795, %sign3A_1079 : i32
      %sign3A_1081 = arith.extui %sign3A_1080 : i1 to i32
      %sign3A_1082 = arith.subi %sign3A_1078, %sign3A_1081 : i32
      %sign3A_1083 = arith.constant 0 : i32
      %sign3A_1084 = arith.cmpi sgt, %jit3A_1074, %sign3A_1083 : i32
      %sign3A_1085 = arith.extui %sign3A_1084 : i1 to i32
      %sign3A_1086 = arith.constant 0 : i32
      %sign3A_1087 = arith.cmpi slt, %jit3A_1074, %sign3A_1086 : i32
      %sign3A_1088 = arith.extui %sign3A_1087 : i1 to i32
      %sign3A_1089 = arith.subi %sign3A_1085, %sign3A_1088 : i32
      %ne3A_1090 = arith.cmpi ne, %sign3A_1082, %sign3A_1089 : i32
      %rem3A_1091 = arith.remsi %add3A_795, %jit3A_1074 : i32
      %ne3A_1092 = arith.constant 0 : i32
      %ne3A_1093 = arith.cmpi ne, %rem3A_1091, %ne3A_1092 : i32
      %and3A_1094 = arith.andi %ne3A_1090, %ne3A_1093 : i1
      %sub3A_1095 = arith.constant 1 : i32
      %sub3A_1096 = arith.subi %div3A_1075, %sub3A_1095 : i32
      %select_n3A_1097 = arith.select %and3A_1094, %sub3A_1096, %div3A_1075 : i32
      %jit3A_1098 = arith.constant 8 : i32
      %eq3A_1099 = arith.constant 0 : i32
      %eq3A_1100 = arith.cmpi eq, %jit3A_1098, %eq3A_1099 : i32
      %jit3A_1101 = arith.constant 1 : i32
      %select_n3A_1102 = arith.select %eq3A_1100, %jit3A_1101, %jit3A_1098 : i32
      %rem3A_1103 = arith.remsi %add3A_795, %select_n3A_1102 : i32
      %ne3A_1104 = arith.constant 0 : i32
      %ne3A_1105 = arith.cmpi ne, %rem3A_1103, %ne3A_1104 : i32
      %lt3A_1106 = arith.constant 0 : i32
      %lt3A_1107 = arith.cmpi slt, %rem3A_1103, %lt3A_1106 : i32
      %lt3A_1108 = arith.constant 0 : i32
      %lt3A_1109 = arith.cmpi slt, %select_n3A_1102, %lt3A_1108 : i32
      %ne3A_1110 = arith.xori %lt3A_1107, %lt3A_1109 : i1
      %and3A_1111 = arith.andi %ne3A_1110, %ne3A_1105 : i1
      %add3A_1112 = arith.addi %rem3A_1103, %select_n3A_1102 : i32
      %select_n3A_1113 = arith.select %and3A_1111, %add3A_1112, %rem3A_1103 : i32
      %jit3A_1114 = arith.constant 8 : i32
      %div3A_1115 = arith.divsi %select_n3A_1097, %jit3A_1114 : i32
      %sign3A_1116 = arith.constant 0 : i32
      %sign3A_1117 = arith.cmpi sgt, %select_n3A_1097, %sign3A_1116 : i32
      %sign3A_1118 = arith.extui %sign3A_1117 : i1 to i32
      %sign3A_1119 = arith.constant 0 : i32
      %sign3A_1120 = arith.cmpi slt, %select_n3A_1097, %sign3A_1119 : i32
      %sign3A_1121 = arith.extui %sign3A_1120 : i1 to i32
      %sign3A_1122 = arith.subi %sign3A_1118, %sign3A_1121 : i32
      %sign3A_1123 = arith.constant 0 : i32
      %sign3A_1124 = arith.cmpi sgt, %jit3A_1114, %sign3A_1123 : i32
      %sign3A_1125 = arith.extui %sign3A_1124 : i1 to i32
      %sign3A_1126 = arith.constant 0 : i32
      %sign3A_1127 = arith.cmpi slt, %jit3A_1114, %sign3A_1126 : i32
      %sign3A_1128 = arith.extui %sign3A_1127 : i1 to i32
      %sign3A_1129 = arith.subi %sign3A_1125, %sign3A_1128 : i32
      %ne3A_1130 = arith.cmpi ne, %sign3A_1122, %sign3A_1129 : i32
      %rem3A_1131 = arith.remsi %select_n3A_1097, %jit3A_1114 : i32
      %ne3A_1132 = arith.constant 0 : i32
      %ne3A_1133 = arith.cmpi ne, %rem3A_1131, %ne3A_1132 : i32
      %and3A_1134 = arith.andi %ne3A_1130, %ne3A_1133 : i1
      %sub3A_1135 = arith.constant 1 : i32
      %sub3A_1136 = arith.subi %div3A_1115, %sub3A_1135 : i32
      %select_n3A_1137 = arith.select %and3A_1134, %sub3A_1136, %div3A_1115 : i32
      %jit3A_1138 = arith.constant 8 : i32
      %eq3A_1139 = arith.constant 0 : i32
      %eq3A_1140 = arith.cmpi eq, %jit3A_1138, %eq3A_1139 : i32
      %jit3A_1141 = arith.constant 1 : i32
      %select_n3A_1142 = arith.select %eq3A_1140, %jit3A_1141, %jit3A_1138 : i32
      %rem3A_1143 = arith.remsi %select_n3A_1097, %select_n3A_1142 : i32
      %ne3A_1144 = arith.constant 0 : i32
      %ne3A_1145 = arith.cmpi ne, %rem3A_1143, %ne3A_1144 : i32
      %lt3A_1146 = arith.constant 0 : i32
      %lt3A_1147 = arith.cmpi slt, %rem3A_1143, %lt3A_1146 : i32
      %lt3A_1148 = arith.constant 0 : i32
      %lt3A_1149 = arith.cmpi slt, %select_n3A_1142, %lt3A_1148 : i32
      %ne3A_1150 = arith.xori %lt3A_1147, %lt3A_1149 : i1
      %and3A_1151 = arith.andi %ne3A_1150, %ne3A_1145 : i1
      %add3A_1152 = arith.addi %rem3A_1143, %select_n3A_1142 : i32
      %select_n3A_1153 = arith.select %and3A_1151, %add3A_1152, %rem3A_1143 : i32
      %mul3A_1154 = arith.constant 4 : i32
      %mul3A_1155 = arith.muli %mul3A_1154, %select_n3A_1113 : i32
      %add3A_1156 = arith.constant 2 : i32
      %add3A_1157 = arith.addi %mul3A_1155, %add3A_1156 : i32
      %mul3A_1158 = arith.constant 128 : i32
      %mul3A_1159 = arith.muli %add3A_1157, %mul3A_1158 : i32
      %mul3A_1160 = arith.constant 8 : i32
      %mul3A_1161 = arith.muli %select_n3A_1137, %mul3A_1160 : i32
      %add3A_1162 = arith.addi %mul3A_1161, %select_n3A_1153 : i32
      %dma_start3A_1163 = arith.constant 1 : i32
      %dma_start3A_1164 = arith.constant 1 : i32
      %dma_start3A_1165 = arith.constant 256 : i32
      %dma_start3A_1166 = arith.constant 0 : i32
      %dma_start3A_1167 = tpu.memref_slice %arg6[%dma_start3A_1163, %dma_start3A_1165, %dma_start3A_1166] : memref<2x512x64xf32, #tpu.memory_space<vmem>> -> memref<1x128x64xf32, #tpu.memory_space<vmem>>
      %dma_start3A_1168 = tpu.memref_squeeze %dma_start3A_1167 : memref<1x128x64xf32, #tpu.memory_space<vmem>> -> memref<128x64xf32, #tpu.memory_space<vmem>>
      %dma_start3A_1169 = arith.constant 0 : i32
      %dma_start3A_1170 = tpu.memref_slice %arg4[%mul3A_1159, %add3A_1162, %dma_start3A_1169] : memref<4096x200x64xf32, #tpu.memory_space<hbm>> -> memref<128x1x64xf32, #tpu.memory_space<hbm>>
      %dma_start3A_1171 = tpu.memref_squeeze %dma_start3A_1170 : memref<128x1x64xf32, #tpu.memory_space<hbm>> -> memref<128x64xf32, #tpu.memory_space<hbm>>
      %dma_start3A_1172 = tpu.memref_slice %arg8[%dma_start3A_1164] : memref<2x!tpu.dma_semaphore, #tpu.memory_space<semaphore_mem>> -> memref<1x!tpu.dma_semaphore, #tpu.memory_space<semaphore_mem>>
      %dma_start3A_1173 = tpu.memref_squeeze %dma_start3A_1172 : memref<1x!tpu.dma_semaphore, #tpu.memory_space<semaphore_mem>> -> memref<!tpu.dma_semaphore, #tpu.memory_space<semaphore_mem>>
      %dma_start3A_1174 = arith.constant 0 : i32
      %dma_start3A_1175 = tpu.memref_slice %arg4[%mul3A_1159, %add3A_1162, %dma_start3A_1174] : memref<4096x200x64xf32, #tpu.memory_space<hbm>> -> memref<128x1x64xf32, #tpu.memory_space<hbm>>
      %dma_start3A_1176 = tpu.memref_squeeze %dma_start3A_1175 : memref<128x1x64xf32, #tpu.memory_space<hbm>> -> memref<128x64xf32, #tpu.memory_space<hbm>>
      %dma_start3A_1177 = arith.constant 256 : i32
      %dma_start3A_1178 = arith.constant 0 : i32
      %dma_start3A_1179 = tpu.memref_slice %arg6[%dma_start3A_1163, %dma_start3A_1177, %dma_start3A_1178] : memref<2x512x64xf32, #tpu.memory_space<vmem>> -> memref<1x128x64xf32, #tpu.memory_space<vmem>>
      %dma_start3A_1180 = tpu.memref_squeeze %dma_start3A_1179 : memref<1x128x64xf32, #tpu.memory_space<vmem>> -> memref<128x64xf32, #tpu.memory_space<vmem>>
      tpu.enqueue_dma source(%dma_start3A_1180 : memref<128x64xf32, #tpu.memory_space<vmem>>) target(%dma_start3A_1176 : memref<128x64xf32, #tpu.memory_space<hbm>>) target_semaphore(%dma_start3A_1173 : memref<!tpu.dma_semaphore, #tpu.memory_space<semaphore_mem>>)
      %jit3A_1181 = arith.constant 8 : i32
      %div3A_1182 = arith.divsi %add3A_795, %jit3A_1181 : i32
      %sign3A_1183 = arith.constant 0 : i32
      %sign3A_1184 = arith.cmpi sgt, %add3A_795, %sign3A_1183 : i32
      %sign3A_1185 = arith.extui %sign3A_1184 : i1 to i32
      %sign3A_1186 = arith.constant 0 : i32
      %sign3A_1187 = arith.cmpi slt, %add3A_795, %sign3A_1186 : i32
      %sign3A_1188 = arith.extui %sign3A_1187 : i1 to i32
      %sign3A_1189 = arith.subi %sign3A_1185, %sign3A_1188 : i32
      %sign3A_1190 = arith.constant 0 : i32
      %sign3A_1191 = arith.cmpi sgt, %jit3A_1181, %sign3A_1190 : i32
      %sign3A_1192 = arith.extui %sign3A_1191 : i1 to i32
      %sign3A_1193 = arith.constant 0 : i32
      %sign3A_1194 = arith.cmpi slt, %jit3A_1181, %sign3A_1193 : i32
      %sign3A_1195 = arith.extui %sign3A_1194 : i1 to i32
      %sign3A_1196 = arith.subi %sign3A_1192, %sign3A_1195 : i32
      %ne3A_1197 = arith.cmpi ne, %sign3A_1189, %sign3A_1196 : i32
      %rem3A_1198 = arith.remsi %add3A_795, %jit3A_1181 : i32
      %ne3A_1199 = arith.constant 0 : i32
      %ne3A_1200 = arith.cmpi ne, %rem3A_1198, %ne3A_1199 : i32
      %and3A_1201 = arith.andi %ne3A_1197, %ne3A_1200 : i1
      %sub3A_1202 = arith.constant 1 : i32
      %sub3A_1203 = arith.subi %div3A_1182, %sub3A_1202 : i32
      %select_n3A_1204 = arith.select %and3A_1201, %sub3A_1203, %div3A_1182 : i32
      %jit3A_1205 = arith.constant 8 : i32
      %eq3A_1206 = arith.constant 0 : i32
      %eq3A_1207 = arith.cmpi eq, %jit3A_1205, %eq3A_1206 : i32
      %jit3A_1208 = arith.constant 1 : i32
      %select_n3A_1209 = arith.select %eq3A_1207, %jit3A_1208, %jit3A_1205 : i32
      %rem3A_1210 = arith.remsi %add3A_795, %select_n3A_1209 : i32
      %ne3A_1211 = arith.constant 0 : i32
      %ne3A_1212 = arith.cmpi ne, %rem3A_1210, %ne3A_1211 : i32
      %lt3A_1213 = arith.constant 0 : i32
      %lt3A_1214 = arith.cmpi slt, %rem3A_1210, %lt3A_1213 : i32
      %lt3A_1215 = arith.constant 0 : i32
      %lt3A_1216 = arith.cmpi slt, %select_n3A_1209, %lt3A_1215 : i32
      %ne3A_1217 = arith.xori %lt3A_1214, %lt3A_1216 : i1
      %and3A_1218 = arith.andi %ne3A_1217, %ne3A_1212 : i1
      %add3A_1219 = arith.addi %rem3A_1210, %select_n3A_1209 : i32
      %select_n3A_1220 = arith.select %and3A_1218, %add3A_1219, %rem3A_1210 : i32
      %jit3A_1221 = arith.constant 8 : i32
      %div3A_1222 = arith.divsi %select_n3A_1204, %jit3A_1221 : i32
      %sign3A_1223 = arith.constant 0 : i32
      %sign3A_1224 = arith.cmpi sgt, %select_n3A_1204, %sign3A_1223 : i32
      %sign3A_1225 = arith.extui %sign3A_1224 : i1 to i32
      %sign3A_1226 = arith.constant 0 : i32
      %sign3A_1227 = arith.cmpi slt, %select_n3A_1204, %sign3A_1226 : i32
      %sign3A_1228 = arith.extui %sign3A_1227 : i1 to i32
      %sign3A_1229 = arith.subi %sign3A_1225, %sign3A_1228 : i32
      %sign3A_1230 = arith.constant 0 : i32
      %sign3A_1231 = arith.cmpi sgt, %jit3A_1221, %sign3A_1230 : i32
      %sign3A_1232 = arith.extui %sign3A_1231 : i1 to i32
      %sign3A_1233 = arith.constant 0 : i32
      %sign3A_1234 = arith.cmpi slt, %jit3A_1221, %sign3A_1233 : i32
      %sign3A_1235 = arith.extui %sign3A_1234 : i1 to i32
      %sign3A_1236 = arith.subi %sign3A_1232, %sign3A_1235 : i32
      %ne3A_1237 = arith.cmpi ne, %sign3A_1229, %sign3A_1236 : i32
      %rem3A_1238 = arith.remsi %select_n3A_1204, %jit3A_1221 : i32
      %ne3A_1239 = arith.constant 0 : i32
      %ne3A_1240 = arith.cmpi ne, %rem3A_1238, %ne3A_1239 : i32
      %and3A_1241 = arith.andi %ne3A_1237, %ne3A_1240 : i1
      %sub3A_1242 = arith.constant 1 : i32
      %sub3A_1243 = arith.subi %div3A_1222, %sub3A_1242 : i32
      %select_n3A_1244 = arith.select %and3A_1241, %sub3A_1243, %div3A_1222 : i32
      %jit3A_1245 = arith.constant 8 : i32
      %eq3A_1246 = arith.constant 0 : i32
      %eq3A_1247 = arith.cmpi eq, %jit3A_1245, %eq3A_1246 : i32
      %jit3A_1248 = arith.constant 1 : i32
      %select_n3A_1249 = arith.select %eq3A_1247, %jit3A_1248, %jit3A_1245 : i32
      %rem3A_1250 = arith.remsi %select_n3A_1204, %select_n3A_1249 : i32
      %ne3A_1251 = arith.constant 0 : i32
      %ne3A_1252 = arith.cmpi ne, %rem3A_1250, %ne3A_1251 : i32
      %lt3A_1253 = arith.constant 0 : i32
      %lt3A_1254 = arith.cmpi slt, %rem3A_1250, %lt3A_1253 : i32
      %lt3A_1255 = arith.constant 0 : i32
      %lt3A_1256 = arith.cmpi slt, %select_n3A_1249, %lt3A_1255 : i32
      %ne3A_1257 = arith.xori %lt3A_1254, %lt3A_1256 : i1
      %and3A_1258 = arith.andi %ne3A_1257, %ne3A_1252 : i1
      %add3A_1259 = arith.addi %rem3A_1250, %select_n3A_1249 : i32
      %select_n3A_1260 = arith.select %and3A_1258, %add3A_1259, %rem3A_1250 : i32
      %mul3A_1261 = arith.constant 4 : i32
      %mul3A_1262 = arith.muli %mul3A_1261, %select_n3A_1220 : i32
      %add3A_1263 = arith.constant 3 : i32
      %add3A_1264 = arith.addi %mul3A_1262, %add3A_1263 : i32
      %mul3A_1265 = arith.constant 128 : i32
      %mul3A_1266 = arith.muli %add3A_1264, %mul3A_1265 : i32
      %mul3A_1267 = arith.constant 8 : i32
      %mul3A_1268 = arith.muli %select_n3A_1244, %mul3A_1267 : i32
      %add3A_1269 = arith.addi %mul3A_1268, %select_n3A_1260 : i32
      %dma_start3A_1270 = arith.constant 1 : i32
      %dma_start3A_1271 = arith.constant 1 : i32
      %dma_start3A_1272 = arith.constant 384 : i32
      %dma_start3A_1273 = arith.constant 0 : i32
      %dma_start3A_1274 = tpu.memref_slice %arg6[%dma_start3A_1270, %dma_start3A_1272, %dma_start3A_1273] : memref<2x512x64xf32, #tpu.memory_space<vmem>> -> memref<1x128x64xf32, #tpu.memory_space<vmem>>
      %dma_start3A_1275 = tpu.memref_squeeze %dma_start3A_1274 : memref<1x128x64xf32, #tpu.memory_space<vmem>> -> memref<128x64xf32, #tpu.memory_space<vmem>>
      %dma_start3A_1276 = arith.constant 0 : i32
      %dma_start3A_1277 = tpu.memref_slice %arg4[%mul3A_1266, %add3A_1269, %dma_start3A_1276] : memref<4096x200x64xf32, #tpu.memory_space<hbm>> -> memref<128x1x64xf32, #tpu.memory_space<hbm>>
      %dma_start3A_1278 = tpu.memref_squeeze %dma_start3A_1277 : memref<128x1x64xf32, #tpu.memory_space<hbm>> -> memref<128x64xf32, #tpu.memory_space<hbm>>
      %dma_start3A_1279 = tpu.memref_slice %arg8[%dma_start3A_1271] : memref<2x!tpu.dma_semaphore, #tpu.memory_space<semaphore_mem>> -> memref<1x!tpu.dma_semaphore, #tpu.memory_space<semaphore_mem>>
      %dma_start3A_1280 = tpu.memref_squeeze %dma_start3A_1279 : memref<1x!tpu.dma_semaphore, #tpu.memory_space<semaphore_mem>> -> memref<!tpu.dma_semaphore, #tpu.memory_space<semaphore_mem>>
      %dma_start3A_1281 = arith.constant 0 : i32
      %dma_start3A_1282 = tpu.memref_slice %arg4[%mul3A_1266, %add3A_1269, %dma_start3A_1281] : memref<4096x200x64xf32, #tpu.memory_space<hbm>> -> memref<128x1x64xf32, #tpu.memory_space<hbm>>
      %dma_start3A_1283 = tpu.memref_squeeze %dma_start3A_1282 : memref<128x1x64xf32, #tpu.memory_space<hbm>> -> memref<128x64xf32, #tpu.memory_space<hbm>>
      %dma_start3A_1284 = arith.constant 384 : i32
      %dma_start3A_1285 = arith.constant 0 : i32
      %dma_start3A_1286 = tpu.memref_slice %arg6[%dma_start3A_1270, %dma_start3A_1284, %dma_start3A_1285] : memref<2x512x64xf32, #tpu.memory_space<vmem>> -> memref<1x128x64xf32, #tpu.memory_space<vmem>>
      %dma_start3A_1287 = tpu.memref_squeeze %dma_start3A_1286 : memref<1x128x64xf32, #tpu.memory_space<vmem>> -> memref<128x64xf32, #tpu.memory_space<vmem>>
      tpu.enqueue_dma source(%dma_start3A_1287 : memref<128x64xf32, #tpu.memory_space<vmem>>) target(%dma_start3A_1283 : memref<128x64xf32, #tpu.memory_space<hbm>>) target_semaphore(%dma_start3A_1280 : memref<!tpu.dma_semaphore, #tpu.memory_space<semaphore_mem>>)
      %mul3A_1288 = arith.constant 2 : i32
      %mul3A_1289 = arith.muli %mul3A_1288, %scan3A_294 : i32
      %add3A_1290 = arith.addi %mul3A_2, %mul3A_1289 : i32
      %add3A_1291 = arith.constant 0 : i32
      %add3A_1292 = arith.addi %add3A_1290, %add3A_1291 : i32
      %jit3A_1293 = arith.constant 8 : i32
      %div3A_1294 = arith.divsi %add3A_1292, %jit3A_1293 : i32
      %sign3A_1295 = arith.constant 0 : i32
      %sign3A_1296 = arith.cmpi sgt, %add3A_1292, %sign3A_1295 : i32
      %sign3A_1297 = arith.extui %sign3A_1296 : i1 to i32
      %sign3A_1298 = arith.constant 0 : i32
      %sign3A_1299 = arith.cmpi slt, %add3A_1292, %sign3A_1298 : i32
      %sign3A_1300 = arith.extui %sign3A_1299 : i1 to i32
      %sign3A_1301 = arith.subi %sign3A_1297, %sign3A_1300 : i32
      %sign3A_1302 = arith.constant 0 : i32
      %sign3A_1303 = arith.cmpi sgt, %jit3A_1293, %sign3A_1302 : i32
      %sign3A_1304 = arith.extui %sign3A_1303 : i1 to i32
      %sign3A_1305 = arith.constant 0 : i32
      %sign3A_1306 = arith.cmpi slt, %jit3A_1293, %sign3A_1305 : i32
      %sign3A_1307 = arith.extui %sign3A_1306 : i1 to i32
      %sign3A_1308 = arith.subi %sign3A_1304, %sign3A_1307 : i32
      %ne3A_1309 = arith.cmpi ne, %sign3A_1301, %sign3A_1308 : i32
      %rem3A_1310 = arith.remsi %add3A_1292, %jit3A_1293 : i32
      %ne3A_1311 = arith.constant 0 : i32
      %ne3A_1312 = arith.cmpi ne, %rem3A_1310, %ne3A_1311 : i32
      %and3A_1313 = arith.andi %ne3A_1309, %ne3A_1312 : i1
      %sub3A_1314 = arith.constant 1 : i32
      %sub3A_1315 = arith.subi %div3A_1294, %sub3A_1314 : i32
      %select_n3A_1316 = arith.select %and3A_1313, %sub3A_1315, %div3A_1294 : i32
      %jit3A_1317 = arith.constant 8 : i32
      %eq3A_1318 = arith.constant 0 : i32
      %eq3A_1319 = arith.cmpi eq, %jit3A_1317, %eq3A_1318 : i32
      %jit3A_1320 = arith.constant 1 : i32
      %select_n3A_1321 = arith.select %eq3A_1319, %jit3A_1320, %jit3A_1317 : i32
      %rem3A_1322 = arith.remsi %add3A_1292, %select_n3A_1321 : i32
      %ne3A_1323 = arith.constant 0 : i32
      %ne3A_1324 = arith.cmpi ne, %rem3A_1322, %ne3A_1323 : i32
      %lt3A_1325 = arith.constant 0 : i32
      %lt3A_1326 = arith.cmpi slt, %rem3A_1322, %lt3A_1325 : i32
      %lt3A_1327 = arith.constant 0 : i32
      %lt3A_1328 = arith.cmpi slt, %select_n3A_1321, %lt3A_1327 : i32
      %ne3A_1329 = arith.xori %lt3A_1326, %lt3A_1328 : i1
      %and3A_1330 = arith.andi %ne3A_1329, %ne3A_1324 : i1
      %add3A_1331 = arith.addi %rem3A_1322, %select_n3A_1321 : i32
      %select_n3A_1332 = arith.select %and3A_1330, %add3A_1331, %rem3A_1322 : i32
      %jit3A_1333 = arith.constant 8 : i32
      %div3A_1334 = arith.divsi %select_n3A_1316, %jit3A_1333 : i32
      %sign3A_1335 = arith.constant 0 : i32
      %sign3A_1336 = arith.cmpi sgt, %select_n3A_1316, %sign3A_1335 : i32
      %sign3A_1337 = arith.extui %sign3A_1336 : i1 to i32
      %sign3A_1338 = arith.constant 0 : i32
      %sign3A_1339 = arith.cmpi slt, %select_n3A_1316, %sign3A_1338 : i32
      %sign3A_1340 = arith.extui %sign3A_1339 : i1 to i32
      %sign3A_1341 = arith.subi %sign3A_1337, %sign3A_1340 : i32
      %sign3A_1342 = arith.constant 0 : i32
      %sign3A_1343 = arith.cmpi sgt, %jit3A_1333, %sign3A_1342 : i32
      %sign3A_1344 = arith.extui %sign3A_1343 : i1 to i32
      %sign3A_1345 = arith.constant 0 : i32
      %sign3A_1346 = arith.cmpi slt, %jit3A_1333, %sign3A_1345 : i32
      %sign3A_1347 = arith.extui %sign3A_1346 : i1 to i32
      %sign3A_1348 = arith.subi %sign3A_1344, %sign3A_1347 : i32
      %ne3A_1349 = arith.cmpi ne, %sign3A_1341, %sign3A_1348 : i32
      %rem3A_1350 = arith.remsi %select_n3A_1316, %jit3A_1333 : i32
      %ne3A_1351 = arith.constant 0 : i32
      %ne3A_1352 = arith.cmpi ne, %rem3A_1350, %ne3A_1351 : i32
      %and3A_1353 = arith.andi %ne3A_1349, %ne3A_1352 : i1
      %sub3A_1354 = arith.constant 1 : i32
      %sub3A_1355 = arith.subi %div3A_1334, %sub3A_1354 : i32
      %select_n3A_1356 = arith.select %and3A_1353, %sub3A_1355, %div3A_1334 : i32
      %jit3A_1357 = arith.constant 8 : i32
      %eq3A_1358 = arith.constant 0 : i32
      %eq3A_1359 = arith.cmpi eq, %jit3A_1357, %eq3A_1358 : i32
      %jit3A_1360 = arith.constant 1 : i32
      %select_n3A_1361 = arith.select %eq3A_1359, %jit3A_1360, %jit3A_1357 : i32
      %rem3A_1362 = arith.remsi %select_n3A_1316, %select_n3A_1361 : i32
      %ne3A_1363 = arith.constant 0 : i32
      %ne3A_1364 = arith.cmpi ne, %rem3A_1362, %ne3A_1363 : i32
      %lt3A_1365 = arith.constant 0 : i32
      %lt3A_1366 = arith.cmpi slt, %rem3A_1362, %lt3A_1365 : i32
      %lt3A_1367 = arith.constant 0 : i32
      %lt3A_1368 = arith.cmpi slt, %select_n3A_1361, %lt3A_1367 : i32
      %ne3A_1369 = arith.xori %lt3A_1366, %lt3A_1368 : i1
      %and3A_1370 = arith.andi %ne3A_1369, %ne3A_1364 : i1
      %add3A_1371 = arith.addi %rem3A_1362, %select_n3A_1361 : i32
      %select_n3A_1372 = arith.select %and3A_1370, %add3A_1371, %rem3A_1362 : i32
      %mul3A_1373 = arith.constant 4 : i32
      %mul3A_1374 = arith.muli %mul3A_1373, %select_n3A_1332 : i32
      %add3A_1375 = arith.constant 0 : i32
      %add3A_1376 = arith.addi %mul3A_1374, %add3A_1375 : i32
      %mul3A_1377 = arith.constant 128 : i32
      %mul3A_1378 = arith.muli %add3A_1376, %mul3A_1377 : i32
      %mul3A_1379 = arith.constant 8 : i32
      %mul3A_1380 = arith.muli %select_n3A_1356, %mul3A_1379 : i32
      %add3A_1381 = arith.addi %mul3A_1380, %select_n3A_1372 : i32
      %dma_wait3A_1382 = arith.constant 0 : i32
      %dma_wait3A_1383 = arith.constant 0 : i32
      %dma_wait3A_1384 = arith.constant 0 : i32
      %dma_wait3A_1385 = arith.constant 0 : i32
      %dma_wait3A_1386 = tpu.memref_slice %arg6[%dma_wait3A_1382, %dma_wait3A_1384, %dma_wait3A_1385] : memref<2x512x64xf32, #tpu.memory_space<vmem>> -> memref<1x128x64xf32, #tpu.memory_space<vmem>>
      %dma_wait3A_1387 = tpu.memref_squeeze %dma_wait3A_1386 : memref<1x128x64xf32, #tpu.memory_space<vmem>> -> memref<128x64xf32, #tpu.memory_space<vmem>>
      %dma_wait3A_1388 = arith.constant 0 : i32
      %dma_wait3A_1389 = tpu.memref_slice %arg4[%mul3A_1378, %add3A_1381, %dma_wait3A_1388] : memref<4096x200x64xf32, #tpu.memory_space<hbm>> -> memref<128x1x64xf32, #tpu.memory_space<hbm>>
      %dma_wait3A_1390 = tpu.memref_squeeze %dma_wait3A_1389 : memref<128x1x64xf32, #tpu.memory_space<hbm>> -> memref<128x64xf32, #tpu.memory_space<hbm>>
      %dma_wait3A_1391 = tpu.memref_slice %arg8[%dma_wait3A_1383] : memref<2x!tpu.dma_semaphore, #tpu.memory_space<semaphore_mem>> -> memref<1x!tpu.dma_semaphore, #tpu.memory_space<semaphore_mem>>
      %dma_wait3A_1392 = tpu.memref_squeeze %dma_wait3A_1391 : memref<1x!tpu.dma_semaphore, #tpu.memory_space<semaphore_mem>> -> memref<!tpu.dma_semaphore, #tpu.memory_space<semaphore_mem>>
      %dma_wait3A_1393 = arith.constant 0 : i32
      %dma_wait3A_1394 = tpu.memref_slice %arg4[%mul3A_1378, %add3A_1381, %dma_wait3A_1393] : memref<4096x200x64xf32, #tpu.memory_space<hbm>> -> memref<128x1x64xf32, #tpu.memory_space<hbm>>
      %dma_wait3A_1395 = tpu.memref_squeeze %dma_wait3A_1394 : memref<128x1x64xf32, #tpu.memory_space<hbm>> -> memref<128x64xf32, #tpu.memory_space<hbm>>
      %dma_wait3A_1396 = arith.constant 0 : i32
      %dma_wait3A_1397 = arith.constant 0 : i32
      %dma_wait3A_1398 = tpu.memref_slice %arg6[%dma_wait3A_1382, %dma_wait3A_1396, %dma_wait3A_1397] : memref<2x512x64xf32, #tpu.memory_space<vmem>> -> memref<1x128x64xf32, #tpu.memory_space<vmem>>
      %dma_wait3A_1399 = tpu.memref_squeeze %dma_wait3A_1398 : memref<1x128x64xf32, #tpu.memory_space<vmem>> -> memref<128x64xf32, #tpu.memory_space<vmem>>
      tpu.wait_dma2 semaphore(%dma_wait3A_1392 : memref<!tpu.dma_semaphore, #tpu.memory_space<semaphore_mem>>) src(%dma_wait3A_1399 : memref<128x64xf32, #tpu.memory_space<vmem>>) dst(%dma_wait3A_1395 : memref<128x64xf32, #tpu.memory_space<hbm>>)
      %jit3A_1400 = arith.constant 8 : i32
      %div3A_1401 = arith.divsi %add3A_1292, %jit3A_1400 : i32
      %sign3A_1402 = arith.constant 0 : i32
      %sign3A_1403 = arith.cmpi sgt, %add3A_1292, %sign3A_1402 : i32
      %sign3A_1404 = arith.extui %sign3A_1403 : i1 to i32
      %sign3A_1405 = arith.constant 0 : i32
      %sign3A_1406 = arith.cmpi slt, %add3A_1292, %sign3A_1405 : i32
      %sign3A_1407 = arith.extui %sign3A_1406 : i1 to i32
      %sign3A_1408 = arith.subi %sign3A_1404, %sign3A_1407 : i32
      %sign3A_1409 = arith.constant 0 : i32
      %sign3A_1410 = arith.cmpi sgt, %jit3A_1400, %sign3A_1409 : i32
      %sign3A_1411 = arith.extui %sign3A_1410 : i1 to i32
      %sign3A_1412 = arith.constant 0 : i32
      %sign3A_1413 = arith.cmpi slt, %jit3A_1400, %sign3A_1412 : i32
      %sign3A_1414 = arith.extui %sign3A_1413 : i1 to i32
      %sign3A_1415 = arith.subi %sign3A_1411, %sign3A_1414 : i32
      %ne3A_1416 = arith.cmpi ne, %sign3A_1408, %sign3A_1415 : i32
      %rem3A_1417 = arith.remsi %add3A_1292, %jit3A_1400 : i32
      %ne3A_1418 = arith.constant 0 : i32
      %ne3A_1419 = arith.cmpi ne, %rem3A_1417, %ne3A_1418 : i32
      %and3A_1420 = arith.andi %ne3A_1416, %ne3A_1419 : i1
      %sub3A_1421 = arith.constant 1 : i32
      %sub3A_1422 = arith.subi %div3A_1401, %sub3A_1421 : i32
      %select_n3A_1423 = arith.select %and3A_1420, %sub3A_1422, %div3A_1401 : i32
      %jit3A_1424 = arith.constant 8 : i32
      %eq3A_1425 = arith.constant 0 : i32
      %eq3A_1426 = arith.cmpi eq, %jit3A_1424, %eq3A_1425 : i32
      %jit3A_1427 = arith.constant 1 : i32
      %select_n3A_1428 = arith.select %eq3A_1426, %jit3A_1427, %jit3A_1424 : i32
      %rem3A_1429 = arith.remsi %add3A_1292, %select_n3A_1428 : i32
      %ne3A_1430 = arith.constant 0 : i32
      %ne3A_1431 = arith.cmpi ne, %rem3A_1429, %ne3A_1430 : i32
      %lt3A_1432 = arith.constant 0 : i32
      %lt3A_1433 = arith.cmpi slt, %rem3A_1429, %lt3A_1432 : i32
      %lt3A_1434 = arith.constant 0 : i32
      %lt3A_1435 = arith.cmpi slt, %select_n3A_1428, %lt3A_1434 : i32
      %ne3A_1436 = arith.xori %lt3A_1433, %lt3A_1435 : i1
      %and3A_1437 = arith.andi %ne3A_1436, %ne3A_1431 : i1
      %add3A_1438 = arith.addi %rem3A_1429, %select_n3A_1428 : i32
      %select_n3A_1439 = arith.select %and3A_1437, %add3A_1438, %rem3A_1429 : i32
      %jit3A_1440 = arith.constant 8 : i32
      %div3A_1441 = arith.divsi %select_n3A_1423, %jit3A_1440 : i32
      %sign3A_1442 = arith.constant 0 : i32
      %sign3A_1443 = arith.cmpi sgt, %select_n3A_1423, %sign3A_1442 : i32
      %sign3A_1444 = arith.extui %sign3A_1443 : i1 to i32
      %sign3A_1445 = arith.constant 0 : i32
      %sign3A_1446 = arith.cmpi slt, %select_n3A_1423, %sign3A_1445 : i32
      %sign3A_1447 = arith.extui %sign3A_1446 : i1 to i32
      %sign3A_1448 = arith.subi %sign3A_1444, %sign3A_1447 : i32
      %sign3A_1449 = arith.constant 0 : i32
      %sign3A_1450 = arith.cmpi sgt, %jit3A_1440, %sign3A_1449 : i32
      %sign3A_1451 = arith.extui %sign3A_1450 : i1 to i32
      %sign3A_1452 = arith.constant 0 : i32
      %sign3A_1453 = arith.cmpi slt, %jit3A_1440, %sign3A_1452 : i32
      %sign3A_1454 = arith.extui %sign3A_1453 : i1 to i32
      %sign3A_1455 = arith.subi %sign3A_1451, %sign3A_1454 : i32
      %ne3A_1456 = arith.cmpi ne, %sign3A_1448, %sign3A_1455 : i32
      %rem3A_1457 = arith.remsi %select_n3A_1423, %jit3A_1440 : i32
      %ne3A_1458 = arith.constant 0 : i32
      %ne3A_1459 = arith.cmpi ne, %rem3A_1457, %ne3A_1458 : i32
      %and3A_1460 = arith.andi %ne3A_1456, %ne3A_1459 : i1
      %sub3A_1461 = arith.constant 1 : i32
      %sub3A_1462 = arith.subi %div3A_1441, %sub3A_1461 : i32
      %select_n3A_1463 = arith.select %and3A_1460, %sub3A_1462, %div3A_1441 : i32
      %jit3A_1464 = arith.constant 8 : i32
      %eq3A_1465 = arith.constant 0 : i32
      %eq3A_1466 = arith.cmpi eq, %jit3A_1464, %eq3A_1465 : i32
      %jit3A_1467 = arith.constant 1 : i32
      %select_n3A_1468 = arith.select %eq3A_1466, %jit3A_1467, %jit3A_1464 : i32
      %rem3A_1469 = arith.remsi %select_n3A_1423, %select_n3A_1468 : i32
      %ne3A_1470 = arith.constant 0 : i32
      %ne3A_1471 = arith.cmpi ne, %rem3A_1469, %ne3A_1470 : i32
      %lt3A_1472 = arith.constant 0 : i32
      %lt3A_1473 = arith.cmpi slt, %rem3A_1469, %lt3A_1472 : i32
      %lt3A_1474 = arith.constant 0 : i32
      %lt3A_1475 = arith.cmpi slt, %select_n3A_1468, %lt3A_1474 : i32
      %ne3A_1476 = arith.xori %lt3A_1473, %lt3A_1475 : i1
      %and3A_1477 = arith.andi %ne3A_1476, %ne3A_1471 : i1
      %add3A_1478 = arith.addi %rem3A_1469, %select_n3A_1468 : i32
      %select_n3A_1479 = arith.select %and3A_1477, %add3A_1478, %rem3A_1469 : i32
      %mul3A_1480 = arith.constant 4 : i32
      %mul3A_1481 = arith.muli %mul3A_1480, %select_n3A_1439 : i32
      %add3A_1482 = arith.constant 1 : i32
      %add3A_1483 = arith.addi %mul3A_1481, %add3A_1482 : i32
      %mul3A_1484 = arith.constant 128 : i32
      %mul3A_1485 = arith.muli %add3A_1483, %mul3A_1484 : i32
      %mul3A_1486 = arith.constant 8 : i32
      %mul3A_1487 = arith.muli %select_n3A_1463, %mul3A_1486 : i32
      %add3A_1488 = arith.addi %mul3A_1487, %select_n3A_1479 : i32
      %dma_wait3A_1489 = arith.constant 0 : i32
      %dma_wait3A_1490 = arith.constant 0 : i32
      %dma_wait3A_1491 = arith.constant 128 : i32
      %dma_wait3A_1492 = arith.constant 0 : i32
      %dma_wait3A_1493 = tpu.memref_slice %arg6[%dma_wait3A_1489, %dma_wait3A_1491, %dma_wait3A_1492] : memref<2x512x64xf32, #tpu.memory_space<vmem>> -> memref<1x128x64xf32, #tpu.memory_space<vmem>>
      %dma_wait3A_1494 = tpu.memref_squeeze %dma_wait3A_1493 : memref<1x128x64xf32, #tpu.memory_space<vmem>> -> memref<128x64xf32, #tpu.memory_space<vmem>>
      %dma_wait3A_1495 = arith.constant 0 : i32
      %dma_wait3A_1496 = tpu.memref_slice %arg4[%mul3A_1485, %add3A_1488, %dma_wait3A_1495] : memref<4096x200x64xf32, #tpu.memory_space<hbm>> -> memref<128x1x64xf32, #tpu.memory_space<hbm>>
      %dma_wait3A_1497 = tpu.memref_squeeze %dma_wait3A_1496 : memref<128x1x64xf32, #tpu.memory_space<hbm>> -> memref<128x64xf32, #tpu.memory_space<hbm>>
      %dma_wait3A_1498 = tpu.memref_slice %arg8[%dma_wait3A_1490] : memref<2x!tpu.dma_semaphore, #tpu.memory_space<semaphore_mem>> -> memref<1x!tpu.dma_semaphore, #tpu.memory_space<semaphore_mem>>
      %dma_wait3A_1499 = tpu.memref_squeeze %dma_wait3A_1498 : memref<1x!tpu.dma_semaphore, #tpu.memory_space<semaphore_mem>> -> memref<!tpu.dma_semaphore, #tpu.memory_space<semaphore_mem>>
      %dma_wait3A_1500 = arith.constant 0 : i32
      %dma_wait3A_1501 = tpu.memref_slice %arg4[%mul3A_1485, %add3A_1488, %dma_wait3A_1500] : memref<4096x200x64xf32, #tpu.memory_space<hbm>> -> memref<128x1x64xf32, #tpu.memory_space<hbm>>
      %dma_wait3A_1502 = tpu.memref_squeeze %dma_wait3A_1501 : memref<128x1x64xf32, #tpu.memory_space<hbm>> -> memref<128x64xf32, #tpu.memory_space<hbm>>
      %dma_wait3A_1503 = arith.constant 128 : i32
      %dma_wait3A_1504 = arith.constant 0 : i32
      %dma_wait3A_1505 = tpu.memref_slice %arg6[%dma_wait3A_1489, %dma_wait3A_1503, %dma_wait3A_1504] : memref<2x512x64xf32, #tpu.memory_space<vmem>> -> memref<1x128x64xf32, #tpu.memory_space<vmem>>
      %dma_wait3A_1506 = tpu.memref_squeeze %dma_wait3A_1505 : memref<1x128x64xf32, #tpu.memory_space<vmem>> -> memref<128x64xf32, #tpu.memory_space<vmem>>
      tpu.wait_dma2 semaphore(%dma_wait3A_1499 : memref<!tpu.dma_semaphore, #tpu.memory_space<semaphore_mem>>) src(%dma_wait3A_1506 : memref<128x64xf32, #tpu.memory_space<vmem>>) dst(%dma_wait3A_1502 : memref<128x64xf32, #tpu.memory_space<hbm>>)
      %jit3A_1507 = arith.constant 8 : i32
      %div3A_1508 = arith.divsi %add3A_1292, %jit3A_1507 : i32
      %sign3A_1509 = arith.constant 0 : i32
      %sign3A_1510 = arith.cmpi sgt, %add3A_1292, %sign3A_1509 : i32
      %sign3A_1511 = arith.extui %sign3A_1510 : i1 to i32
      %sign3A_1512 = arith.constant 0 : i32
      %sign3A_1513 = arith.cmpi slt, %add3A_1292, %sign3A_1512 : i32
      %sign3A_1514 = arith.extui %sign3A_1513 : i1 to i32
      %sign3A_1515 = arith.subi %sign3A_1511, %sign3A_1514 : i32
      %sign3A_1516 = arith.constant 0 : i32
      %sign3A_1517 = arith.cmpi sgt, %jit3A_1507, %sign3A_1516 : i32
      %sign3A_1518 = arith.extui %sign3A_1517 : i1 to i32
      %sign3A_1519 = arith.constant 0 : i32
      %sign3A_1520 = arith.cmpi slt, %jit3A_1507, %sign3A_1519 : i32
      %sign3A_1521 = arith.extui %sign3A_1520 : i1 to i32
      %sign3A_1522 = arith.subi %sign3A_1518, %sign3A_1521 : i32
      %ne3A_1523 = arith.cmpi ne, %sign3A_1515, %sign3A_1522 : i32
      %rem3A_1524 = arith.remsi %add3A_1292, %jit3A_1507 : i32
      %ne3A_1525 = arith.constant 0 : i32
      %ne3A_1526 = arith.cmpi ne, %rem3A_1524, %ne3A_1525 : i32
      %and3A_1527 = arith.andi %ne3A_1523, %ne3A_1526 : i1
      %sub3A_1528 = arith.constant 1 : i32
      %sub3A_1529 = arith.subi %div3A_1508, %sub3A_1528 : i32
      %select_n3A_1530 = arith.select %and3A_1527, %sub3A_1529, %div3A_1508 : i32
      %jit3A_1531 = arith.constant 8 : i32
      %eq3A_1532 = arith.constant 0 : i32
      %eq3A_1533 = arith.cmpi eq, %jit3A_1531, %eq3A_1532 : i32
      %jit3A_1534 = arith.constant 1 : i32
      %select_n3A_1535 = arith.select %eq3A_1533, %jit3A_1534, %jit3A_1531 : i32
      %rem3A_1536 = arith.remsi %add3A_1292, %select_n3A_1535 : i32
      %ne3A_1537 = arith.constant 0 : i32
      %ne3A_1538 = arith.cmpi ne, %rem3A_1536, %ne3A_1537 : i32
      %lt3A_1539 = arith.constant 0 : i32
      %lt3A_1540 = arith.cmpi slt, %rem3A_1536, %lt3A_1539 : i32
      %lt3A_1541 = arith.constant 0 : i32
      %lt3A_1542 = arith.cmpi slt, %select_n3A_1535, %lt3A_1541 : i32
      %ne3A_1543 = arith.xori %lt3A_1540, %lt3A_1542 : i1
      %and3A_1544 = arith.andi %ne3A_1543, %ne3A_1538 : i1
      %add3A_1545 = arith.addi %rem3A_1536, %select_n3A_1535 : i32
      %select_n3A_1546 = arith.select %and3A_1544, %add3A_1545, %rem3A_1536 : i32
      %jit3A_1547 = arith.constant 8 : i32
      %div3A_1548 = arith.divsi %select_n3A_1530, %jit3A_1547 : i32
      %sign3A_1549 = arith.constant 0 : i32
      %sign3A_1550 = arith.cmpi sgt, %select_n3A_1530, %sign3A_1549 : i32
      %sign3A_1551 = arith.extui %sign3A_1550 : i1 to i32
      %sign3A_1552 = arith.constant 0 : i32
      %sign3A_1553 = arith.cmpi slt, %select_n3A_1530, %sign3A_1552 : i32
      %sign3A_1554 = arith.extui %sign3A_1553 : i1 to i32
      %sign3A_1555 = arith.subi %sign3A_1551, %sign3A_1554 : i32
      %sign3A_1556 = arith.constant 0 : i32
      %sign3A_1557 = arith.cmpi sgt, %jit3A_1547, %sign3A_1556 : i32
      %sign3A_1558 = arith.extui %sign3A_1557 : i1 to i32
      %sign3A_1559 = arith.constant 0 : i32
      %sign3A_1560 = arith.cmpi slt, %jit3A_1547, %sign3A_1559 : i32
      %sign3A_1561 = arith.extui %sign3A_1560 : i1 to i32
      %sign3A_1562 = arith.subi %sign3A_1558, %sign3A_1561 : i32
      %ne3A_1563 = arith.cmpi ne, %sign3A_1555, %sign3A_1562 : i32
      %rem3A_1564 = arith.remsi %select_n3A_1530, %jit3A_1547 : i32
      %ne3A_1565 = arith.constant 0 : i32
      %ne3A_1566 = arith.cmpi ne, %rem3A_1564, %ne3A_1565 : i32
      %and3A_1567 = arith.andi %ne3A_1563, %ne3A_1566 : i1
      %sub3A_1568 = arith.constant 1 : i32
      %sub3A_1569 = arith.subi %div3A_1548, %sub3A_1568 : i32
      %select_n3A_1570 = arith.select %and3A_1567, %sub3A_1569, %div3A_1548 : i32
      %jit3A_1571 = arith.constant 8 : i32
      %eq3A_1572 = arith.constant 0 : i32
      %eq3A_1573 = arith.cmpi eq, %jit3A_1571, %eq3A_1572 : i32
      %jit3A_1574 = arith.constant 1 : i32
      %select_n3A_1575 = arith.select %eq3A_1573, %jit3A_1574, %jit3A_1571 : i32
      %rem3A_1576 = arith.remsi %select_n3A_1530, %select_n3A_1575 : i32
      %ne3A_1577 = arith.constant 0 : i32
      %ne3A_1578 = arith.cmpi ne, %rem3A_1576, %ne3A_1577 : i32
      %lt3A_1579 = arith.constant 0 : i32
      %lt3A_1580 = arith.cmpi slt, %rem3A_1576, %lt3A_1579 : i32
      %lt3A_1581 = arith.constant 0 : i32
      %lt3A_1582 = arith.cmpi slt, %select_n3A_1575, %lt3A_1581 : i32
      %ne3A_1583 = arith.xori %lt3A_1580, %lt3A_1582 : i1
      %and3A_1584 = arith.andi %ne3A_1583, %ne3A_1578 : i1
      %add3A_1585 = arith.addi %rem3A_1576, %select_n3A_1575 : i32
      %select_n3A_1586 = arith.select %and3A_1584, %add3A_1585, %rem3A_1576 : i32
      %mul3A_1587 = arith.constant 4 : i32
      %mul3A_1588 = arith.muli %mul3A_1587, %select_n3A_1546 : i32
      %add3A_1589 = arith.constant 2 : i32
      %add3A_1590 = arith.addi %mul3A_1588, %add3A_1589 : i32
      %mul3A_1591 = arith.constant 128 : i32
      %mul3A_1592 = arith.muli %add3A_1590, %mul3A_1591 : i32
      %mul3A_1593 = arith.constant 8 : i32
      %mul3A_1594 = arith.muli %select_n3A_1570, %mul3A_1593 : i32
      %add3A_1595 = arith.addi %mul3A_1594, %select_n3A_1586 : i32
      %dma_wait3A_1596 = arith.constant 0 : i32
      %dma_wait3A_1597 = arith.constant 0 : i32
      %dma_wait3A_1598 = arith.constant 256 : i32
      %dma_wait3A_1599 = arith.constant 0 : i32
      %dma_wait3A_1600 = tpu.memref_slice %arg6[%dma_wait3A_1596, %dma_wait3A_1598, %dma_wait3A_1599] : memref<2x512x64xf32, #tpu.memory_space<vmem>> -> memref<1x128x64xf32, #tpu.memory_space<vmem>>
      %dma_wait3A_1601 = tpu.memref_squeeze %dma_wait3A_1600 : memref<1x128x64xf32, #tpu.memory_space<vmem>> -> memref<128x64xf32, #tpu.memory_space<vmem>>
      %dma_wait3A_1602 = arith.constant 0 : i32
      %dma_wait3A_1603 = tpu.memref_slice %arg4[%mul3A_1592, %add3A_1595, %dma_wait3A_1602] : memref<4096x200x64xf32, #tpu.memory_space<hbm>> -> memref<128x1x64xf32, #tpu.memory_space<hbm>>
      %dma_wait3A_1604 = tpu.memref_squeeze %dma_wait3A_1603 : memref<128x1x64xf32, #tpu.memory_space<hbm>> -> memref<128x64xf32, #tpu.memory_space<hbm>>
      %dma_wait3A_1605 = tpu.memref_slice %arg8[%dma_wait3A_1597] : memref<2x!tpu.dma_semaphore, #tpu.memory_space<semaphore_mem>> -> memref<1x!tpu.dma_semaphore, #tpu.memory_space<semaphore_mem>>
      %dma_wait3A_1606 = tpu.memref_squeeze %dma_wait3A_1605 : memref<1x!tpu.dma_semaphore, #tpu.memory_space<semaphore_mem>> -> memref<!tpu.dma_semaphore, #tpu.memory_space<semaphore_mem>>
      %dma_wait3A_1607 = arith.constant 0 : i32
      %dma_wait3A_1608 = tpu.memref_slice %arg4[%mul3A_1592, %add3A_1595, %dma_wait3A_1607] : memref<4096x200x64xf32, #tpu.memory_space<hbm>> -> memref<128x1x64xf32, #tpu.memory_space<hbm>>
      %dma_wait3A_1609 = tpu.memref_squeeze %dma_wait3A_1608 : memref<128x1x64xf32, #tpu.memory_space<hbm>> -> memref<128x64xf32, #tpu.memory_space<hbm>>
      %dma_wait3A_1610 = arith.constant 256 : i32
      %dma_wait3A_1611 = arith.constant 0 : i32
      %dma_wait3A_1612 = tpu.memref_slice %arg6[%dma_wait3A_1596, %dma_wait3A_1610, %dma_wait3A_1611] : memref<2x512x64xf32, #tpu.memory_space<vmem>> -> memref<1x128x64xf32, #tpu.memory_space<vmem>>
      %dma_wait3A_1613 = tpu.memref_squeeze %dma_wait3A_1612 : memref<1x128x64xf32, #tpu.memory_space<vmem>> -> memref<128x64xf32, #tpu.memory_space<vmem>>
      tpu.wait_dma2 semaphore(%dma_wait3A_1606 : memref<!tpu.dma_semaphore, #tpu.memory_space<semaphore_mem>>) src(%dma_wait3A_1613 : memref<128x64xf32, #tpu.memory_space<vmem>>) dst(%dma_wait3A_1609 : memref<128x64xf32, #tpu.memory_space<hbm>>)
      %jit3A_1614 = arith.constant 8 : i32
      %div3A_1615 = arith.divsi %add3A_1292, %jit3A_1614 : i32
      %sign3A_1616 = arith.constant 0 : i32
      %sign3A_1617 = arith.cmpi sgt, %add3A_1292, %sign3A_1616 : i32
      %sign3A_1618 = arith.extui %sign3A_1617 : i1 to i32
      %sign3A_1619 = arith.constant 0 : i32
      %sign3A_1620 = arith.cmpi slt, %add3A_1292, %sign3A_1619 : i32
      %sign3A_1621 = arith.extui %sign3A_1620 : i1 to i32
      %sign3A_1622 = arith.subi %sign3A_1618, %sign3A_1621 : i32
      %sign3A_1623 = arith.constant 0 : i32
      %sign3A_1624 = arith.cmpi sgt, %jit3A_1614, %sign3A_1623 : i32
      %sign3A_1625 = arith.extui %sign3A_1624 : i1 to i32
      %sign3A_1626 = arith.constant 0 : i32
      %sign3A_1627 = arith.cmpi slt, %jit3A_1614, %sign3A_1626 : i32
      %sign3A_1628 = arith.extui %sign3A_1627 : i1 to i32
      %sign3A_1629 = arith.subi %sign3A_1625, %sign3A_1628 : i32
      %ne3A_1630 = arith.cmpi ne, %sign3A_1622, %sign3A_1629 : i32
      %rem3A_1631 = arith.remsi %add3A_1292, %jit3A_1614 : i32
      %ne3A_1632 = arith.constant 0 : i32
      %ne3A_1633 = arith.cmpi ne, %rem3A_1631, %ne3A_1632 : i32
      %and3A_1634 = arith.andi %ne3A_1630, %ne3A_1633 : i1
      %sub3A_1635 = arith.constant 1 : i32
      %sub3A_1636 = arith.subi %div3A_1615, %sub3A_1635 : i32
      %select_n3A_1637 = arith.select %and3A_1634, %sub3A_1636, %div3A_1615 : i32
      %jit3A_1638 = arith.constant 8 : i32
      %eq3A_1639 = arith.constant 0 : i32
      %eq3A_1640 = arith.cmpi eq, %jit3A_1638, %eq3A_1639 : i32
      %jit3A_1641 = arith.constant 1 : i32
      %select_n3A_1642 = arith.select %eq3A_1640, %jit3A_1641, %jit3A_1638 : i32
      %rem3A_1643 = arith.remsi %add3A_1292, %select_n3A_1642 : i32
      %ne3A_1644 = arith.constant 0 : i32
      %ne3A_1645 = arith.cmpi ne, %rem3A_1643, %ne3A_1644 : i32
      %lt3A_1646 = arith.constant 0 : i32
      %lt3A_1647 = arith.cmpi slt, %rem3A_1643, %lt3A_1646 : i32
      %lt3A_1648 = arith.constant 0 : i32
      %lt3A_1649 = arith.cmpi slt, %select_n3A_1642, %lt3A_1648 : i32
      %ne3A_1650 = arith.xori %lt3A_1647, %lt3A_1649 : i1
      %and3A_1651 = arith.andi %ne3A_1650, %ne3A_1645 : i1
      %add3A_1652 = arith.addi %rem3A_1643, %select_n3A_1642 : i32
      %select_n3A_1653 = arith.select %and3A_1651, %add3A_1652, %rem3A_1643 : i32
      %jit3A_1654 = arith.constant 8 : i32
      %div3A_1655 = arith.divsi %select_n3A_1637, %jit3A_1654 : i32
      %sign3A_1656 = arith.constant 0 : i32
      %sign3A_1657 = arith.cmpi sgt, %select_n3A_1637, %sign3A_1656 : i32
      %sign3A_1658 = arith.extui %sign3A_1657 : i1 to i32
      %sign3A_1659 = arith.constant 0 : i32
      %sign3A_1660 = arith.cmpi slt, %select_n3A_1637, %sign3A_1659 : i32
      %sign3A_1661 = arith.extui %sign3A_1660 : i1 to i32
      %sign3A_1662 = arith.subi %sign3A_1658, %sign3A_1661 : i32
      %sign3A_1663 = arith.constant 0 : i32
      %sign3A_1664 = arith.cmpi sgt, %jit3A_1654, %sign3A_1663 : i32
      %sign3A_1665 = arith.extui %sign3A_1664 : i1 to i32
      %sign3A_1666 = arith.constant 0 : i32
      %sign3A_1667 = arith.cmpi slt, %jit3A_1654, %sign3A_1666 : i32
      %sign3A_1668 = arith.extui %sign3A_1667 : i1 to i32
      %sign3A_1669 = arith.subi %sign3A_1665, %sign3A_1668 : i32
      %ne3A_1670 = arith.cmpi ne, %sign3A_1662, %sign3A_1669 : i32
      %rem3A_1671 = arith.remsi %select_n3A_1637, %jit3A_1654 : i32
      %ne3A_1672 = arith.constant 0 : i32
      %ne3A_1673 = arith.cmpi ne, %rem3A_1671, %ne3A_1672 : i32
      %and3A_1674 = arith.andi %ne3A_1670, %ne3A_1673 : i1
      %sub3A_1675 = arith.constant 1 : i32
      %sub3A_1676 = arith.subi %div3A_1655, %sub3A_1675 : i32
      %select_n3A_1677 = arith.select %and3A_1674, %sub3A_1676, %div3A_1655 : i32
      %jit3A_1678 = arith.constant 8 : i32
      %eq3A_1679 = arith.constant 0 : i32
      %eq3A_1680 = arith.cmpi eq, %jit3A_1678, %eq3A_1679 : i32
      %jit3A_1681 = arith.constant 1 : i32
      %select_n3A_1682 = arith.select %eq3A_1680, %jit3A_1681, %jit3A_1678 : i32
      %rem3A_1683 = arith.remsi %select_n3A_1637, %select_n3A_1682 : i32
      %ne3A_1684 = arith.constant 0 : i32
      %ne3A_1685 = arith.cmpi ne, %rem3A_1683, %ne3A_1684 : i32
      %lt3A_1686 = arith.constant 0 : i32
      %lt3A_1687 = arith.cmpi slt, %rem3A_1683, %lt3A_1686 : i32
      %lt3A_1688 = arith.constant 0 : i32
      %lt3A_1689 = arith.cmpi slt, %select_n3A_1682, %lt3A_1688 : i32
      %ne3A_1690 = arith.xori %lt3A_1687, %lt3A_1689 : i1
      %and3A_1691 = arith.andi %ne3A_1690, %ne3A_1685 : i1
      %add3A_1692 = arith.addi %rem3A_1683, %select_n3A_1682 : i32
      %select_n3A_1693 = arith.select %and3A_1691, %add3A_1692, %rem3A_1683 : i32
      %mul3A_1694 = arith.constant 4 : i32
      %mul3A_1695 = arith.muli %mul3A_1694, %select_n3A_1653 : i32
      %add3A_1696 = arith.constant 3 : i32
      %add3A_1697 = arith.addi %mul3A_1695, %add3A_1696 : i32
      %mul3A_1698 = arith.constant 128 : i32
      %mul3A_1699 = arith.muli %add3A_1697, %mul3A_1698 : i32
      %mul3A_1700 = arith.constant 8 : i32
      %mul3A_1701 = arith.muli %select_n3A_1677, %mul3A_1700 : i32
      %add3A_1702 = arith.addi %mul3A_1701, %select_n3A_1693 : i32
      %dma_wait3A_1703 = arith.constant 0 : i32
      %dma_wait3A_1704 = arith.constant 0 : i32
      %dma_wait3A_1705 = arith.constant 384 : i32
      %dma_wait3A_1706 = arith.constant 0 : i32
      %dma_wait3A_1707 = tpu.memref_slice %arg6[%dma_wait3A_1703, %dma_wait3A_1705, %dma_wait3A_1706] : memref<2x512x64xf32, #tpu.memory_space<vmem>> -> memref<1x128x64xf32, #tpu.memory_space<vmem>>
      %dma_wait3A_1708 = tpu.memref_squeeze %dma_wait3A_1707 : memref<1x128x64xf32, #tpu.memory_space<vmem>> -> memref<128x64xf32, #tpu.memory_space<vmem>>
      %dma_wait3A_1709 = arith.constant 0 : i32
      %dma_wait3A_1710 = tpu.memref_slice %arg4[%mul3A_1699, %add3A_1702, %dma_wait3A_1709] : memref<4096x200x64xf32, #tpu.memory_space<hbm>> -> memref<128x1x64xf32, #tpu.memory_space<hbm>>
      %dma_wait3A_1711 = tpu.memref_squeeze %dma_wait3A_1710 : memref<128x1x64xf32, #tpu.memory_space<hbm>> -> memref<128x64xf32, #tpu.memory_space<hbm>>
      %dma_wait3A_1712 = tpu.memref_slice %arg8[%dma_wait3A_1704] : memref<2x!tpu.dma_semaphore, #tpu.memory_space<semaphore_mem>> -> memref<1x!tpu.dma_semaphore, #tpu.memory_space<semaphore_mem>>
      %dma_wait3A_1713 = tpu.memref_squeeze %dma_wait3A_1712 : memref<1x!tpu.dma_semaphore, #tpu.memory_space<semaphore_mem>> -> memref<!tpu.dma_semaphore, #tpu.memory_space<semaphore_mem>>
      %dma_wait3A_1714 = arith.constant 0 : i32
      %dma_wait3A_1715 = tpu.memref_slice %arg4[%mul3A_1699, %add3A_1702, %dma_wait3A_1714] : memref<4096x200x64xf32, #tpu.memory_space<hbm>> -> memref<128x1x64xf32, #tpu.memory_space<hbm>>
      %dma_wait3A_1716 = tpu.memref_squeeze %dma_wait3A_1715 : memref<128x1x64xf32, #tpu.memory_space<hbm>> -> memref<128x64xf32, #tpu.memory_space<hbm>>
      %dma_wait3A_1717 = arith.constant 384 : i32
      %dma_wait3A_1718 = arith.constant 0 : i32
      %dma_wait3A_1719 = tpu.memref_slice %arg6[%dma_wait3A_1703, %dma_wait3A_1717, %dma_wait3A_1718] : memref<2x512x64xf32, #tpu.memory_space<vmem>> -> memref<1x128x64xf32, #tpu.memory_space<vmem>>
      %dma_wait3A_1720 = tpu.memref_squeeze %dma_wait3A_1719 : memref<1x128x64xf32, #tpu.memory_space<vmem>> -> memref<128x64xf32, #tpu.memory_space<vmem>>
      tpu.wait_dma2 semaphore(%dma_wait3A_1713 : memref<!tpu.dma_semaphore, #tpu.memory_space<semaphore_mem>>) src(%dma_wait3A_1720 : memref<128x64xf32, #tpu.memory_space<vmem>>) dst(%dma_wait3A_1716 : memref<128x64xf32, #tpu.memory_space<hbm>>)
      %mul3A_1721 = arith.constant 2 : i32
      %mul3A_1722 = arith.muli %mul3A_1721, %scan3A_294 : i32
      %add3A_1723 = arith.constant 0 : i32
      %add3A_1724 = arith.addi %mul3A_1722, %add3A_1723 : i32
      %add3A_1725 = arith.constant 2 : i32
      %add3A_1726 = arith.addi %add3A_1724, %add3A_1725 : i32
      %lt3A_1727 = arith.constant 50 : i32
      %lt3A_1728 = arith.cmpi slt, %add3A_1726, %lt3A_1727 : i32
      %convert_element_type3A = arith.extui %lt3A_1728 : i1 to i32
      %cond3A = arith.constant 0 : i32
      %cond3A_1729 = arith.cmpi ne, %convert_element_type3A, %cond3A : i32
      scf.if %cond3A_1729 {
        %add3A_2174 = arith.constant 2 : i32
        %add3A_2175 = arith.addi %add3A_1292, %add3A_2174 : i32
        %jit3A_2176 = arith.constant 8 : i32
        %div3A_2177 = arith.divsi %add3A_2175, %jit3A_2176 : i32
        %sign3A_2178 = arith.constant 0 : i32
        %sign3A_2179 = arith.cmpi sgt, %add3A_2175, %sign3A_2178 : i32
        %sign3A_2180 = arith.extui %sign3A_2179 : i1 to i32
        %sign3A_2181 = arith.constant 0 : i32
        %sign3A_2182 = arith.cmpi slt, %add3A_2175, %sign3A_2181 : i32
        %sign3A_2183 = arith.extui %sign3A_2182 : i1 to i32
        %sign3A_2184 = arith.subi %sign3A_2180, %sign3A_2183 : i32
        %sign3A_2185 = arith.constant 0 : i32
        %sign3A_2186 = arith.cmpi sgt, %jit3A_2176, %sign3A_2185 : i32
        %sign3A_2187 = arith.extui %sign3A_2186 : i1 to i32
        %sign3A_2188 = arith.constant 0 : i32
        %sign3A_2189 = arith.cmpi slt, %jit3A_2176, %sign3A_2188 : i32
        %sign3A_2190 = arith.extui %sign3A_2189 : i1 to i32
        %sign3A_2191 = arith.subi %sign3A_2187, %sign3A_2190 : i32
        %ne3A_2192 = arith.cmpi ne, %sign3A_2184, %sign3A_2191 : i32
        %rem3A_2193 = arith.remsi %add3A_2175, %jit3A_2176 : i32
        %ne3A_2194 = arith.constant 0 : i32
        %ne3A_2195 = arith.cmpi ne, %rem3A_2193, %ne3A_2194 : i32
        %and3A_2196 = arith.andi %ne3A_2192, %ne3A_2195 : i1
        %sub3A_2197 = arith.constant 1 : i32
        %sub3A_2198 = arith.subi %div3A_2177, %sub3A_2197 : i32
        %select_n3A_2199 = arith.select %and3A_2196, %sub3A_2198, %div3A_2177 : i32
        %jit3A_2200 = arith.constant 8 : i32
        %eq3A_2201 = arith.constant 0 : i32
        %eq3A_2202 = arith.cmpi eq, %jit3A_2200, %eq3A_2201 : i32
        %jit3A_2203 = arith.constant 1 : i32
        %select_n3A_2204 = arith.select %eq3A_2202, %jit3A_2203, %jit3A_2200 : i32
        %rem3A_2205 = arith.remsi %add3A_2175, %select_n3A_2204 : i32
        %ne3A_2206 = arith.constant 0 : i32
        %ne3A_2207 = arith.cmpi ne, %rem3A_2205, %ne3A_2206 : i32
        %lt3A_2208 = arith.constant 0 : i32
        %lt3A_2209 = arith.cmpi slt, %rem3A_2205, %lt3A_2208 : i32
        %lt3A_2210 = arith.constant 0 : i32
        %lt3A_2211 = arith.cmpi slt, %select_n3A_2204, %lt3A_2210 : i32
        %ne3A_2212 = arith.xori %lt3A_2209, %lt3A_2211 : i1
        %and3A_2213 = arith.andi %ne3A_2212, %ne3A_2207 : i1
        %add3A_2214 = arith.addi %rem3A_2205, %select_n3A_2204 : i32
        %select_n3A_2215 = arith.select %and3A_2213, %add3A_2214, %rem3A_2205 : i32
        %jit3A_2216 = arith.constant 8 : i32
        %div3A_2217 = arith.divsi %select_n3A_2199, %jit3A_2216 : i32
        %sign3A_2218 = arith.constant 0 : i32
        %sign3A_2219 = arith.cmpi sgt, %select_n3A_2199, %sign3A_2218 : i32
        %sign3A_2220 = arith.extui %sign3A_2219 : i1 to i32
        %sign3A_2221 = arith.constant 0 : i32
        %sign3A_2222 = arith.cmpi slt, %select_n3A_2199, %sign3A_2221 : i32
        %sign3A_2223 = arith.extui %sign3A_2222 : i1 to i32
        %sign3A_2224 = arith.subi %sign3A_2220, %sign3A_2223 : i32
        %sign3A_2225 = arith.constant 0 : i32
        %sign3A_2226 = arith.cmpi sgt, %jit3A_2216, %sign3A_2225 : i32
        %sign3A_2227 = arith.extui %sign3A_2226 : i1 to i32
        %sign3A_2228 = arith.constant 0 : i32
        %sign3A_2229 = arith.cmpi slt, %jit3A_2216, %sign3A_2228 : i32
        %sign3A_2230 = arith.extui %sign3A_2229 : i1 to i32
        %sign3A_2231 = arith.subi %sign3A_2227, %sign3A_2230 : i32
        %ne3A_2232 = arith.cmpi ne, %sign3A_2224, %sign3A_2231 : i32
        %rem3A_2233 = arith.remsi %select_n3A_2199, %jit3A_2216 : i32
        %ne3A_2234 = arith.constant 0 : i32
        %ne3A_2235 = arith.cmpi ne, %rem3A_2233, %ne3A_2234 : i32
        %and3A_2236 = arith.andi %ne3A_2232, %ne3A_2235 : i1
        %sub3A_2237 = arith.constant 1 : i32
        %sub3A_2238 = arith.subi %div3A_2217, %sub3A_2237 : i32
        %select_n3A_2239 = arith.select %and3A_2236, %sub3A_2238, %div3A_2217 : i32
        %jit3A_2240 = arith.constant 8 : i32
        %eq3A_2241 = arith.constant 0 : i32
        %eq3A_2242 = arith.cmpi eq, %jit3A_2240, %eq3A_2241 : i32
        %jit3A_2243 = arith.constant 1 : i32
        %select_n3A_2244 = arith.select %eq3A_2242, %jit3A_2243, %jit3A_2240 : i32
        %rem3A_2245 = arith.remsi %select_n3A_2199, %select_n3A_2244 : i32
        %ne3A_2246 = arith.constant 0 : i32
        %ne3A_2247 = arith.cmpi ne, %rem3A_2245, %ne3A_2246 : i32
        %lt3A_2248 = arith.constant 0 : i32
        %lt3A_2249 = arith.cmpi slt, %rem3A_2245, %lt3A_2248 : i32
        %lt3A_2250 = arith.constant 0 : i32
        %lt3A_2251 = arith.cmpi slt, %select_n3A_2244, %lt3A_2250 : i32
        %ne3A_2252 = arith.xori %lt3A_2249, %lt3A_2251 : i1
        %and3A_2253 = arith.andi %ne3A_2252, %ne3A_2247 : i1
        %add3A_2254 = arith.addi %rem3A_2245, %select_n3A_2244 : i32
        %select_n3A_2255 = arith.select %and3A_2253, %add3A_2254, %rem3A_2245 : i32
        %mul3A_2256 = arith.constant 4 : i32
        %mul3A_2257 = arith.muli %mul3A_2256, %select_n3A_2215 : i32
        %run_scoped3A_2258 = arith.constant 0 : i32
        "tpu.region"() ({
          %run_scoped3A_2323 = tpu.sem_alloc : memref<!tpu.dma_semaphore, #tpu.memory_space<semaphore_mem>>
          %dma_start3A_2324 = arith.constant 0 : i32
          %dma_start3A_2325 = arith.constant 0 : i32
          %dma_start3A_2326 = tpu.memref_slice %arg5[%run_scoped3A_2258, %dma_start3A_2324, %dma_start3A_2325] : memref<2x4x128xi32, #tpu.memory_space<vmem>> -> memref<1x4x128xi32, #tpu.memory_space<vmem>>
          %dma_start3A_2327 = tpu.memref_squeeze %dma_start3A_2326 : memref<1x4x128xi32, #tpu.memory_space<vmem>> -> memref<4x128xi32, #tpu.memory_space<vmem>>
          %dma_start3A_2328 = arith.constant 0 : i32
          %dma_start3A_2329 = tpu.memref_slice %arg2[%select_n3A_2239, %mul3A_2257, %select_n3A_2255, %dma_start3A_2328] : memref<25x32x8x128xi32, #tpu.memory_space<hbm>> -> memref<1x4x1x128xi32, #tpu.memory_space<hbm>>
          %dma_start3A_2330 = tpu.memref_squeeze %dma_start3A_2329 : memref<1x4x1x128xi32, #tpu.memory_space<hbm>> -> memref<4x128xi32, #tpu.memory_space<hbm>>
          %dma_start3A_2331 = arith.constant 0 : i32
          %dma_start3A_2332 = arith.constant 0 : i32
          %dma_start3A_2333 = tpu.memref_slice %arg5[%run_scoped3A_2258, %dma_start3A_2331, %dma_start3A_2332] : memref<2x4x128xi32, #tpu.memory_space<vmem>> -> memref<1x4x128xi32, #tpu.memory_space<vmem>>
          %dma_start3A_2334 = tpu.memref_squeeze %dma_start3A_2333 : memref<1x4x128xi32, #tpu.memory_space<vmem>> -> memref<4x128xi32, #tpu.memory_space<vmem>>
          %dma_start3A_2335 = arith.constant 0 : i32
          %dma_start3A_2336 = tpu.memref_slice %arg2[%select_n3A_2239, %mul3A_2257, %select_n3A_2255, %dma_start3A_2335] : memref<25x32x8x128xi32, #tpu.memory_space<hbm>> -> memref<1x4x1x128xi32, #tpu.memory_space<hbm>>
          %dma_start3A_2337 = tpu.memref_squeeze %dma_start3A_2336 : memref<1x4x1x128xi32, #tpu.memory_space<hbm>> -> memref<4x128xi32, #tpu.memory_space<hbm>>
          tpu.enqueue_dma source(%dma_start3A_2337 : memref<4x128xi32, #tpu.memory_space<hbm>>) target(%dma_start3A_2334 : memref<4x128xi32, #tpu.memory_space<vmem>>) target_semaphore(%run_scoped3A_2323 : memref<!tpu.dma_semaphore, #tpu.memory_space<semaphore_mem>>)
          %dma_wait3A_2338 = arith.constant 0 : i32
          %dma_wait3A_2339 = arith.constant 0 : i32
          %dma_wait3A_2340 = tpu.memref_slice %arg5[%run_scoped3A_2258, %dma_wait3A_2338, %dma_wait3A_2339] : memref<2x4x128xi32, #tpu.memory_space<vmem>> -> memref<1x4x128xi32, #tpu.memory_space<vmem>>
          %dma_wait3A_2341 = tpu.memref_squeeze %dma_wait3A_2340 : memref<1x4x128xi32, #tpu.memory_space<vmem>> -> memref<4x128xi32, #tpu.memory_space<vmem>>
          %dma_wait3A_2342 = arith.constant 0 : i32
          %dma_wait3A_2343 = tpu.memref_slice %arg2[%select_n3A_2239, %mul3A_2257, %select_n3A_2255, %dma_wait3A_2342] : memref<25x32x8x128xi32, #tpu.memory_space<hbm>> -> memref<1x4x1x128xi32, #tpu.memory_space<hbm>>
          %dma_wait3A_2344 = tpu.memref_squeeze %dma_wait3A_2343 : memref<1x4x1x128xi32, #tpu.memory_space<hbm>> -> memref<4x128xi32, #tpu.memory_space<hbm>>
          %dma_wait3A_2345 = arith.constant 0 : i32
          %dma_wait3A_2346 = arith.constant 0 : i32
          %dma_wait3A_2347 = tpu.memref_slice %arg5[%run_scoped3A_2258, %dma_wait3A_2345, %dma_wait3A_2346] : memref<2x4x128xi32, #tpu.memory_space<vmem>> -> memref<1x4x128xi32, #tpu.memory_space<vmem>>
          %dma_wait3A_2348 = tpu.memref_squeeze %dma_wait3A_2347 : memref<1x4x128xi32, #tpu.memory_space<vmem>> -> memref<4x128xi32, #tpu.memory_space<vmem>>
          %dma_wait3A_2349 = arith.constant 0 : i32
          %dma_wait3A_2350 = tpu.memref_slice %arg2[%select_n3A_2239, %mul3A_2257, %select_n3A_2255, %dma_wait3A_2349] : memref<25x32x8x128xi32, #tpu.memory_space<hbm>> -> memref<1x4x1x128xi32, #tpu.memory_space<hbm>>
          %dma_wait3A_2351 = tpu.memref_squeeze %dma_wait3A_2350 : memref<1x4x1x128xi32, #tpu.memory_space<hbm>> -> memref<4x128xi32, #tpu.memory_space<hbm>>
          tpu.wait_dma2 semaphore(%run_scoped3A_2323 : memref<!tpu.dma_semaphore, #tpu.memory_space<semaphore_mem>>) src(%dma_wait3A_2351 : memref<4x128xi32, #tpu.memory_space<hbm>>) dst(%dma_wait3A_2348 : memref<4x128xi32, #tpu.memory_space<vmem>>)
          tpu.yield
        }) : () -> ()
        %dma_start3A_2259 = arith.constant 0 : i32
        %dma_start3A_2260 = arith.constant 0 : i32
        %dma_start3A_2261 = arith.constant 0 : i32
        %dma_start3A_2262 = arith.constant 0 : i32
        %dma_start3A_2263 = arith.constant 0 : i32
        %dma_start3A_2264 = arith.constant 0 : i32
        %dma_start3A_2265 = tpu.memref_slice %arg6[%dma_start3A_2261, %dma_start3A_2263, %dma_start3A_2264] : memref<2x512x64xf32, #tpu.memory_space<vmem>> -> memref<1x128x64xf32, #tpu.memory_space<vmem>>
        %dma_start3A_2266 = tpu.memref_squeeze %dma_start3A_2265 : memref<1x128x64xf32, #tpu.memory_space<vmem>> -> memref<128x64xf32, #tpu.memory_space<vmem>>
        %dma_start3A_2267 = arith.constant 0 : i32
        %dma_start3A_2268 = tpu.memref_slice %arg5[%dma_start3A_2259, %dma_start3A_2260, %dma_start3A_2267] : memref<2x4x128xi32, #tpu.memory_space<vmem>> -> memref<1x1x128xi32, #tpu.memory_space<vmem>>
        %dma_start3A_2269 = tpu.memref_squeeze %dma_start3A_2268 : memref<1x1x128xi32, #tpu.memory_space<vmem>> -> memref<128xi32, #tpu.memory_space<vmem>>
        %dma_start3A_2270 = arith.constant 0 : i32
        %dma_start3A_2271 = arith.constant 0 : i32
        %dma_start3A_2272 = tpu.memref_slice %arg3[%dma_start3A_2270, %dma_start3A_2271] : memref<1000000x64xf32, #tpu.memory_space<hbm>> -> memref<1000000x64xf32, #tpu.memory_space<hbm>>
        %dma_start3A_2273 = tpu.memref_slice %arg7[%dma_start3A_2262] : memref<2x!tpu.dma_semaphore, #tpu.memory_space<semaphore_mem>> -> memref<1x!tpu.dma_semaphore, #tpu.memory_space<semaphore_mem>>
        %dma_start3A_2274 = tpu.memref_squeeze %dma_start3A_2273 : memref<1x!tpu.dma_semaphore, #tpu.memory_space<semaphore_mem>> -> memref<!tpu.dma_semaphore, #tpu.memory_space<semaphore_mem>>
        tpu.enqueue_indirect_dma source(%dma_start3A_2272 : memref<1000000x64xf32, #tpu.memory_space<hbm>>) target(%dma_start3A_2266 : memref<128x64xf32, #tpu.memory_space<vmem>>) offsets(%dma_start3A_2269 : memref<128xi32, #tpu.memory_space<vmem>>) semaphore(%dma_start3A_2274 : memref<!tpu.dma_semaphore, #tpu.memory_space<semaphore_mem>>)
        %dma_start3A_2275 = arith.constant 0 : i32
        %dma_start3A_2276 = arith.constant 1 : i32
        %dma_start3A_2277 = arith.constant 0 : i32
        %dma_start3A_2278 = arith.constant 0 : i32
        %dma_start3A_2279 = arith.constant 128 : i32
        %dma_start3A_2280 = arith.constant 0 : i32
        %dma_start3A_2281 = tpu.memref_slice %arg6[%dma_start3A_2277, %dma_start3A_2279, %dma_start3A_2280] : memref<2x512x64xf32, #tpu.memory_space<vmem>> -> memref<1x128x64xf32, #tpu.memory_space<vmem>>
        %dma_start3A_2282 = tpu.memref_squeeze %dma_start3A_2281 : memref<1x128x64xf32, #tpu.memory_space<vmem>> -> memref<128x64xf32, #tpu.memory_space<vmem>>
        %dma_start3A_2283 = arith.constant 0 : i32
        %dma_start3A_2284 = tpu.memref_slice %arg5[%dma_start3A_2275, %dma_start3A_2276, %dma_start3A_2283] : memref<2x4x128xi32, #tpu.memory_space<vmem>> -> memref<1x1x128xi32, #tpu.memory_space<vmem>>
        %dma_start3A_2285 = tpu.memref_squeeze %dma_start3A_2284 : memref<1x1x128xi32, #tpu.memory_space<vmem>> -> memref<128xi32, #tpu.memory_space<vmem>>
        %dma_start3A_2286 = arith.constant 0 : i32
        %dma_start3A_2287 = arith.constant 0 : i32
        %dma_start3A_2288 = tpu.memref_slice %arg3[%dma_start3A_2286, %dma_start3A_2287] : memref<1000000x64xf32, #tpu.memory_space<hbm>> -> memref<1000000x64xf32, #tpu.memory_space<hbm>>
        %dma_start3A_2289 = tpu.memref_slice %arg7[%dma_start3A_2278] : memref<2x!tpu.dma_semaphore, #tpu.memory_space<semaphore_mem>> -> memref<1x!tpu.dma_semaphore, #tpu.memory_space<semaphore_mem>>
        %dma_start3A_2290 = tpu.memref_squeeze %dma_start3A_2289 : memref<1x!tpu.dma_semaphore, #tpu.memory_space<semaphore_mem>> -> memref<!tpu.dma_semaphore, #tpu.memory_space<semaphore_mem>>
        tpu.enqueue_indirect_dma source(%dma_start3A_2288 : memref<1000000x64xf32, #tpu.memory_space<hbm>>) target(%dma_start3A_2282 : memref<128x64xf32, #tpu.memory_space<vmem>>) offsets(%dma_start3A_2285 : memref<128xi32, #tpu.memory_space<vmem>>) semaphore(%dma_start3A_2290 : memref<!tpu.dma_semaphore, #tpu.memory_space<semaphore_mem>>)
        %dma_start3A_2291 = arith.constant 0 : i32
        %dma_start3A_2292 = arith.constant 2 : i32
        %dma_start3A_2293 = arith.constant 0 : i32
        %dma_start3A_2294 = arith.constant 0 : i32
        %dma_start3A_2295 = arith.constant 256 : i32
        %dma_start3A_2296 = arith.constant 0 : i32
        %dma_start3A_2297 = tpu.memref_slice %arg6[%dma_start3A_2293, %dma_start3A_2295, %dma_start3A_2296] : memref<2x512x64xf32, #tpu.memory_space<vmem>> -> memref<1x128x64xf32, #tpu.memory_space<vmem>>
        %dma_start3A_2298 = tpu.memref_squeeze %dma_start3A_2297 : memref<1x128x64xf32, #tpu.memory_space<vmem>> -> memref<128x64xf32, #tpu.memory_space<vmem>>
        %dma_start3A_2299 = arith.constant 0 : i32
        %dma_start3A_2300 = tpu.memref_slice %arg5[%dma_start3A_2291, %dma_start3A_2292, %dma_start3A_2299] : memref<2x4x128xi32, #tpu.memory_space<vmem>> -> memref<1x1x128xi32, #tpu.memory_space<vmem>>
        %dma_start3A_2301 = tpu.memref_squeeze %dma_start3A_2300 : memref<1x1x128xi32, #tpu.memory_space<vmem>> -> memref<128xi32, #tpu.memory_space<vmem>>
        %dma_start3A_2302 = arith.constant 0 : i32
        %dma_start3A_2303 = arith.constant 0 : i32
        %dma_start3A_2304 = tpu.memref_slice %arg3[%dma_start3A_2302, %dma_start3A_2303] : memref<1000000x64xf32, #tpu.memory_space<hbm>> -> memref<1000000x64xf32, #tpu.memory_space<hbm>>
        %dma_start3A_2305 = tpu.memref_slice %arg7[%dma_start3A_2294] : memref<2x!tpu.dma_semaphore, #tpu.memory_space<semaphore_mem>> -> memref<1x!tpu.dma_semaphore, #tpu.memory_space<semaphore_mem>>
        %dma_start3A_2306 = tpu.memref_squeeze %dma_start3A_2305 : memref<1x!tpu.dma_semaphore, #tpu.memory_space<semaphore_mem>> -> memref<!tpu.dma_semaphore, #tpu.memory_space<semaphore_mem>>
        tpu.enqueue_indirect_dma source(%dma_start3A_2304 : memref<1000000x64xf32, #tpu.memory_space<hbm>>) target(%dma_start3A_2298 : memref<128x64xf32, #tpu.memory_space<vmem>>) offsets(%dma_start3A_2301 : memref<128xi32, #tpu.memory_space<vmem>>) semaphore(%dma_start3A_2306 : memref<!tpu.dma_semaphore, #tpu.memory_space<semaphore_mem>>)
        %dma_start3A_2307 = arith.constant 0 : i32
        %dma_start3A_2308 = arith.constant 3 : i32
        %dma_start3A_2309 = arith.constant 0 : i32
        %dma_start3A_2310 = arith.constant 0 : i32
        %dma_start3A_2311 = arith.constant 384 : i32
        %dma_start3A_2312 = arith.constant 0 : i32
        %dma_start3A_2313 = tpu.memref_slice %arg6[%dma_start3A_2309, %dma_start3A_2311, %dma_start3A_2312] : memref<2x512x64xf32, #tpu.memory_space<vmem>> -> memref<1x128x64xf32, #tpu.memory_space<vmem>>
        %dma_start3A_2314 = tpu.memref_squeeze %dma_start3A_2313 : memref<1x128x64xf32, #tpu.memory_space<vmem>> -> memref<128x64xf32, #tpu.memory_space<vmem>>
        %dma_start3A_2315 = arith.constant 0 : i32
        %dma_start3A_2316 = tpu.memref_slice %arg5[%dma_start3A_2307, %dma_start3A_2308, %dma_start3A_2315] : memref<2x4x128xi32, #tpu.memory_space<vmem>> -> memref<1x1x128xi32, #tpu.memory_space<vmem>>
        %dma_start3A_2317 = tpu.memref_squeeze %dma_start3A_2316 : memref<1x1x128xi32, #tpu.memory_space<vmem>> -> memref<128xi32, #tpu.memory_space<vmem>>
        %dma_start3A_2318 = arith.constant 0 : i32
        %dma_start3A_2319 = arith.constant 0 : i32
        %dma_start3A_2320 = tpu.memref_slice %arg3[%dma_start3A_2318, %dma_start3A_2319] : memref<1000000x64xf32, #tpu.memory_space<hbm>> -> memref<1000000x64xf32, #tpu.memory_space<hbm>>
        %dma_start3A_2321 = tpu.memref_slice %arg7[%dma_start3A_2310] : memref<2x!tpu.dma_semaphore, #tpu.memory_space<semaphore_mem>> -> memref<1x!tpu.dma_semaphore, #tpu.memory_space<semaphore_mem>>
        %dma_start3A_2322 = tpu.memref_squeeze %dma_start3A_2321 : memref<1x!tpu.dma_semaphore, #tpu.memory_space<semaphore_mem>> -> memref<!tpu.dma_semaphore, #tpu.memory_space<semaphore_mem>>
        tpu.enqueue_indirect_dma source(%dma_start3A_2320 : memref<1000000x64xf32, #tpu.memory_space<hbm>>) target(%dma_start3A_2314 : memref<128x64xf32, #tpu.memory_space<vmem>>) offsets(%dma_start3A_2317 : memref<128xi32, #tpu.memory_space<vmem>>) semaphore(%dma_start3A_2322 : memref<!tpu.dma_semaphore, #tpu.memory_space<semaphore_mem>>)
      } else {
      }
      %mul3A_1730 = arith.constant 2 : i32
      %mul3A_1731 = arith.muli %mul3A_1730, %scan3A_294 : i32
      %add3A_1732 = arith.addi %mul3A_2, %mul3A_1731 : i32
      %add3A_1733 = arith.constant 1 : i32
      %add3A_1734 = arith.addi %add3A_1732, %add3A_1733 : i32
      %jit3A_1735 = arith.constant 8 : i32
      %div3A_1736 = arith.divsi %add3A_1734, %jit3A_1735 : i32
      %sign3A_1737 = arith.constant 0 : i32
      %sign3A_1738 = arith.cmpi sgt, %add3A_1734, %sign3A_1737 : i32
      %sign3A_1739 = arith.extui %sign3A_1738 : i1 to i32
      %sign3A_1740 = arith.constant 0 : i32
      %sign3A_1741 = arith.cmpi slt, %add3A_1734, %sign3A_1740 : i32
      %sign3A_1742 = arith.extui %sign3A_1741 : i1 to i32
      %sign3A_1743 = arith.subi %sign3A_1739, %sign3A_1742 : i32
      %sign3A_1744 = arith.constant 0 : i32
      %sign3A_1745 = arith.cmpi sgt, %jit3A_1735, %sign3A_1744 : i32
      %sign3A_1746 = arith.extui %sign3A_1745 : i1 to i32
      %sign3A_1747 = arith.constant 0 : i32
      %sign3A_1748 = arith.cmpi slt, %jit3A_1735, %sign3A_1747 : i32
      %sign3A_1749 = arith.extui %sign3A_1748 : i1 to i32
      %sign3A_1750 = arith.subi %sign3A_1746, %sign3A_1749 : i32
      %ne3A_1751 = arith.cmpi ne, %sign3A_1743, %sign3A_1750 : i32
      %rem3A_1752 = arith.remsi %add3A_1734, %jit3A_1735 : i32
      %ne3A_1753 = arith.constant 0 : i32
      %ne3A_1754 = arith.cmpi ne, %rem3A_1752, %ne3A_1753 : i32
      %and3A_1755 = arith.andi %ne3A_1751, %ne3A_1754 : i1
      %sub3A_1756 = arith.constant 1 : i32
      %sub3A_1757 = arith.subi %div3A_1736, %sub3A_1756 : i32
      %select_n3A_1758 = arith.select %and3A_1755, %sub3A_1757, %div3A_1736 : i32
      %jit3A_1759 = arith.constant 8 : i32
      %eq3A_1760 = arith.constant 0 : i32
      %eq3A_1761 = arith.cmpi eq, %jit3A_1759, %eq3A_1760 : i32
      %jit3A_1762 = arith.constant 1 : i32
      %select_n3A_1763 = arith.select %eq3A_1761, %jit3A_1762, %jit3A_1759 : i32
      %rem3A_1764 = arith.remsi %add3A_1734, %select_n3A_1763 : i32
      %ne3A_1765 = arith.constant 0 : i32
      %ne3A_1766 = arith.cmpi ne, %rem3A_1764, %ne3A_1765 : i32
      %lt3A_1767 = arith.constant 0 : i32
      %lt3A_1768 = arith.cmpi slt, %rem3A_1764, %lt3A_1767 : i32
      %lt3A_1769 = arith.constant 0 : i32
      %lt3A_1770 = arith.cmpi slt, %select_n3A_1763, %lt3A_1769 : i32
      %ne3A_1771 = arith.xori %lt3A_1768, %lt3A_1770 : i1
      %and3A_1772 = arith.andi %ne3A_1771, %ne3A_1766 : i1
      %add3A_1773 = arith.addi %rem3A_1764, %select_n3A_1763 : i32
      %select_n3A_1774 = arith.select %and3A_1772, %add3A_1773, %rem3A_1764 : i32
      %jit3A_1775 = arith.constant 8 : i32
      %div3A_1776 = arith.divsi %select_n3A_1758, %jit3A_1775 : i32
      %sign3A_1777 = arith.constant 0 : i32
      %sign3A_1778 = arith.cmpi sgt, %select_n3A_1758, %sign3A_1777 : i32
      %sign3A_1779 = arith.extui %sign3A_1778 : i1 to i32
      %sign3A_1780 = arith.constant 0 : i32
      %sign3A_1781 = arith.cmpi slt, %select_n3A_1758, %sign3A_1780 : i32
      %sign3A_1782 = arith.extui %sign3A_1781 : i1 to i32
      %sign3A_1783 = arith.subi %sign3A_1779, %sign3A_1782 : i32
      %sign3A_1784 = arith.constant 0 : i32
      %sign3A_1785 = arith.cmpi sgt, %jit3A_1775, %sign3A_1784 : i32
      %sign3A_1786 = arith.extui %sign3A_1785 : i1 to i32
      %sign3A_1787 = arith.constant 0 : i32
      %sign3A_1788 = arith.cmpi slt, %jit3A_1775, %sign3A_1787 : i32
      %sign3A_1789 = arith.extui %sign3A_1788 : i1 to i32
      %sign3A_1790 = arith.subi %sign3A_1786, %sign3A_1789 : i32
      %ne3A_1791 = arith.cmpi ne, %sign3A_1783, %sign3A_1790 : i32
      %rem3A_1792 = arith.remsi %select_n3A_1758, %jit3A_1775 : i32
      %ne3A_1793 = arith.constant 0 : i32
      %ne3A_1794 = arith.cmpi ne, %rem3A_1792, %ne3A_1793 : i32
      %and3A_1795 = arith.andi %ne3A_1791, %ne3A_1794 : i1
      %sub3A_1796 = arith.constant 1 : i32
      %sub3A_1797 = arith.subi %div3A_1776, %sub3A_1796 : i32
      %select_n3A_1798 = arith.select %and3A_1795, %sub3A_1797, %div3A_1776 : i32
      %jit3A_1799 = arith.constant 8 : i32
      %eq3A_1800 = arith.constant 0 : i32
      %eq3A_1801 = arith.cmpi eq, %jit3A_1799, %eq3A_1800 : i32
      %jit3A_1802 = arith.constant 1 : i32
      %select_n3A_1803 = arith.select %eq3A_1801, %jit3A_1802, %jit3A_1799 : i32
      %rem3A_1804 = arith.remsi %select_n3A_1758, %select_n3A_1803 : i32
      %ne3A_1805 = arith.constant 0 : i32
      %ne3A_1806 = arith.cmpi ne, %rem3A_1804, %ne3A_1805 : i32
      %lt3A_1807 = arith.constant 0 : i32
      %lt3A_1808 = arith.cmpi slt, %rem3A_1804, %lt3A_1807 : i32
      %lt3A_1809 = arith.constant 0 : i32
      %lt3A_1810 = arith.cmpi slt, %select_n3A_1803, %lt3A_1809 : i32
      %ne3A_1811 = arith.xori %lt3A_1808, %lt3A_1810 : i1
      %and3A_1812 = arith.andi %ne3A_1811, %ne3A_1806 : i1
      %add3A_1813 = arith.addi %rem3A_1804, %select_n3A_1803 : i32
      %select_n3A_1814 = arith.select %and3A_1812, %add3A_1813, %rem3A_1804 : i32
      %mul3A_1815 = arith.constant 4 : i32
      %mul3A_1816 = arith.muli %mul3A_1815, %select_n3A_1774 : i32
      %add3A_1817 = arith.constant 0 : i32
      %add3A_1818 = arith.addi %mul3A_1816, %add3A_1817 : i32
      %mul3A_1819 = arith.constant 128 : i32
      %mul3A_1820 = arith.muli %add3A_1818, %mul3A_1819 : i32
      %mul3A_1821 = arith.constant 8 : i32
      %mul3A_1822 = arith.muli %select_n3A_1798, %mul3A_1821 : i32
      %add3A_1823 = arith.addi %mul3A_1822, %select_n3A_1814 : i32
      %dma_wait3A_1824 = arith.constant 1 : i32
      %dma_wait3A_1825 = arith.constant 1 : i32
      %dma_wait3A_1826 = arith.constant 0 : i32
      %dma_wait3A_1827 = arith.constant 0 : i32
      %dma_wait3A_1828 = tpu.memref_slice %arg6[%dma_wait3A_1824, %dma_wait3A_1826, %dma_wait3A_1827] : memref<2x512x64xf32, #tpu.memory_space<vmem>> -> memref<1x128x64xf32, #tpu.memory_space<vmem>>
      %dma_wait3A_1829 = tpu.memref_squeeze %dma_wait3A_1828 : memref<1x128x64xf32, #tpu.memory_space<vmem>> -> memref<128x64xf32, #tpu.memory_space<vmem>>
      %dma_wait3A_1830 = arith.constant 0 : i32
      %dma_wait3A_1831 = tpu.memref_slice %arg4[%mul3A_1820, %add3A_1823, %dma_wait3A_1830] : memref<4096x200x64xf32, #tpu.memory_space<hbm>> -> memref<128x1x64xf32, #tpu.memory_space<hbm>>
      %dma_wait3A_1832 = tpu.memref_squeeze %dma_wait3A_1831 : memref<128x1x64xf32, #tpu.memory_space<hbm>> -> memref<128x64xf32, #tpu.memory_space<hbm>>
      %dma_wait3A_1833 = tpu.memref_slice %arg8[%dma_wait3A_1825] : memref<2x!tpu.dma_semaphore, #tpu.memory_space<semaphore_mem>> -> memref<1x!tpu.dma_semaphore, #tpu.memory_space<semaphore_mem>>
      %dma_wait3A_1834 = tpu.memref_squeeze %dma_wait3A_1833 : memref<1x!tpu.dma_semaphore, #tpu.memory_space<semaphore_mem>> -> memref<!tpu.dma_semaphore, #tpu.memory_space<semaphore_mem>>
      %dma_wait3A_1835 = arith.constant 0 : i32
      %dma_wait3A_1836 = tpu.memref_slice %arg4[%mul3A_1820, %add3A_1823, %dma_wait3A_1835] : memref<4096x200x64xf32, #tpu.memory_space<hbm>> -> memref<128x1x64xf32, #tpu.memory_space<hbm>>
      %dma_wait3A_1837 = tpu.memref_squeeze %dma_wait3A_1836 : memref<128x1x64xf32, #tpu.memory_space<hbm>> -> memref<128x64xf32, #tpu.memory_space<hbm>>
      %dma_wait3A_1838 = arith.constant 0 : i32
      %dma_wait3A_1839 = arith.constant 0 : i32
      %dma_wait3A_1840 = tpu.memref_slice %arg6[%dma_wait3A_1824, %dma_wait3A_1838, %dma_wait3A_1839] : memref<2x512x64xf32, #tpu.memory_space<vmem>> -> memref<1x128x64xf32, #tpu.memory_space<vmem>>
      %dma_wait3A_1841 = tpu.memref_squeeze %dma_wait3A_1840 : memref<1x128x64xf32, #tpu.memory_space<vmem>> -> memref<128x64xf32, #tpu.memory_space<vmem>>
      tpu.wait_dma2 semaphore(%dma_wait3A_1834 : memref<!tpu.dma_semaphore, #tpu.memory_space<semaphore_mem>>) src(%dma_wait3A_1841 : memref<128x64xf32, #tpu.memory_space<vmem>>) dst(%dma_wait3A_1837 : memref<128x64xf32, #tpu.memory_space<hbm>>)
      %jit3A_1842 = arith.constant 8 : i32
      %div3A_1843 = arith.divsi %add3A_1734, %jit3A_1842 : i32
      %sign3A_1844 = arith.constant 0 : i32
      %sign3A_1845 = arith.cmpi sgt, %add3A_1734, %sign3A_1844 : i32
      %sign3A_1846 = arith.extui %sign3A_1845 : i1 to i32
      %sign3A_1847 = arith.constant 0 : i32
      %sign3A_1848 = arith.cmpi slt, %add3A_1734, %sign3A_1847 : i32
      %sign3A_1849 = arith.extui %sign3A_1848 : i1 to i32
      %sign3A_1850 = arith.subi %sign3A_1846, %sign3A_1849 : i32
      %sign3A_1851 = arith.constant 0 : i32
      %sign3A_1852 = arith.cmpi sgt, %jit3A_1842, %sign3A_1851 : i32
      %sign3A_1853 = arith.extui %sign3A_1852 : i1 to i32
      %sign3A_1854 = arith.constant 0 : i32
      %sign3A_1855 = arith.cmpi slt, %jit3A_1842, %sign3A_1854 : i32
      %sign3A_1856 = arith.extui %sign3A_1855 : i1 to i32
      %sign3A_1857 = arith.subi %sign3A_1853, %sign3A_1856 : i32
      %ne3A_1858 = arith.cmpi ne, %sign3A_1850, %sign3A_1857 : i32
      %rem3A_1859 = arith.remsi %add3A_1734, %jit3A_1842 : i32
      %ne3A_1860 = arith.constant 0 : i32
      %ne3A_1861 = arith.cmpi ne, %rem3A_1859, %ne3A_1860 : i32
      %and3A_1862 = arith.andi %ne3A_1858, %ne3A_1861 : i1
      %sub3A_1863 = arith.constant 1 : i32
      %sub3A_1864 = arith.subi %div3A_1843, %sub3A_1863 : i32
      %select_n3A_1865 = arith.select %and3A_1862, %sub3A_1864, %div3A_1843 : i32
      %jit3A_1866 = arith.constant 8 : i32
      %eq3A_1867 = arith.constant 0 : i32
      %eq3A_1868 = arith.cmpi eq, %jit3A_1866, %eq3A_1867 : i32
      %jit3A_1869 = arith.constant 1 : i32
      %select_n3A_1870 = arith.select %eq3A_1868, %jit3A_1869, %jit3A_1866 : i32
      %rem3A_1871 = arith.remsi %add3A_1734, %select_n3A_1870 : i32
      %ne3A_1872 = arith.constant 0 : i32
      %ne3A_1873 = arith.cmpi ne, %rem3A_1871, %ne3A_1872 : i32
      %lt3A_1874 = arith.constant 0 : i32
      %lt3A_1875 = arith.cmpi slt, %rem3A_1871, %lt3A_1874 : i32
      %lt3A_1876 = arith.constant 0 : i32
      %lt3A_1877 = arith.cmpi slt, %select_n3A_1870, %lt3A_1876 : i32
      %ne3A_1878 = arith.xori %lt3A_1875, %lt3A_1877 : i1
      %and3A_1879 = arith.andi %ne3A_1878, %ne3A_1873 : i1
      %add3A_1880 = arith.addi %rem3A_1871, %select_n3A_1870 : i32
      %select_n3A_1881 = arith.select %and3A_1879, %add3A_1880, %rem3A_1871 : i32
      %jit3A_1882 = arith.constant 8 : i32
      %div3A_1883 = arith.divsi %select_n3A_1865, %jit3A_1882 : i32
      %sign3A_1884 = arith.constant 0 : i32
      %sign3A_1885 = arith.cmpi sgt, %select_n3A_1865, %sign3A_1884 : i32
      %sign3A_1886 = arith.extui %sign3A_1885 : i1 to i32
      %sign3A_1887 = arith.constant 0 : i32
      %sign3A_1888 = arith.cmpi slt, %select_n3A_1865, %sign3A_1887 : i32
      %sign3A_1889 = arith.extui %sign3A_1888 : i1 to i32
      %sign3A_1890 = arith.subi %sign3A_1886, %sign3A_1889 : i32
      %sign3A_1891 = arith.constant 0 : i32
      %sign3A_1892 = arith.cmpi sgt, %jit3A_1882, %sign3A_1891 : i32
      %sign3A_1893 = arith.extui %sign3A_1892 : i1 to i32
      %sign3A_1894 = arith.constant 0 : i32
      %sign3A_1895 = arith.cmpi slt, %jit3A_1882, %sign3A_1894 : i32
      %sign3A_1896 = arith.extui %sign3A_1895 : i1 to i32
      %sign3A_1897 = arith.subi %sign3A_1893, %sign3A_1896 : i32
      %ne3A_1898 = arith.cmpi ne, %sign3A_1890, %sign3A_1897 : i32
      %rem3A_1899 = arith.remsi %select_n3A_1865, %jit3A_1882 : i32
      %ne3A_1900 = arith.constant 0 : i32
      %ne3A_1901 = arith.cmpi ne, %rem3A_1899, %ne3A_1900 : i32
      %and3A_1902 = arith.andi %ne3A_1898, %ne3A_1901 : i1
      %sub3A_1903 = arith.constant 1 : i32
      %sub3A_1904 = arith.subi %div3A_1883, %sub3A_1903 : i32
      %select_n3A_1905 = arith.select %and3A_1902, %sub3A_1904, %div3A_1883 : i32
      %jit3A_1906 = arith.constant 8 : i32
      %eq3A_1907 = arith.constant 0 : i32
      %eq3A_1908 = arith.cmpi eq, %jit3A_1906, %eq3A_1907 : i32
      %jit3A_1909 = arith.constant 1 : i32
      %select_n3A_1910 = arith.select %eq3A_1908, %jit3A_1909, %jit3A_1906 : i32
      %rem3A_1911 = arith.remsi %select_n3A_1865, %select_n3A_1910 : i32
      %ne3A_1912 = arith.constant 0 : i32
      %ne3A_1913 = arith.cmpi ne, %rem3A_1911, %ne3A_1912 : i32
      %lt3A_1914 = arith.constant 0 : i32
      %lt3A_1915 = arith.cmpi slt, %rem3A_1911, %lt3A_1914 : i32
      %lt3A_1916 = arith.constant 0 : i32
      %lt3A_1917 = arith.cmpi slt, %select_n3A_1910, %lt3A_1916 : i32
      %ne3A_1918 = arith.xori %lt3A_1915, %lt3A_1917 : i1
      %and3A_1919 = arith.andi %ne3A_1918, %ne3A_1913 : i1
      %add3A_1920 = arith.addi %rem3A_1911, %select_n3A_1910 : i32
      %select_n3A_1921 = arith.select %and3A_1919, %add3A_1920, %rem3A_1911 : i32
      %mul3A_1922 = arith.constant 4 : i32
      %mul3A_1923 = arith.muli %mul3A_1922, %select_n3A_1881 : i32
      %add3A_1924 = arith.constant 1 : i32
      %add3A_1925 = arith.addi %mul3A_1923, %add3A_1924 : i32
      %mul3A_1926 = arith.constant 128 : i32
      %mul3A_1927 = arith.muli %add3A_1925, %mul3A_1926 : i32
      %mul3A_1928 = arith.constant 8 : i32
      %mul3A_1929 = arith.muli %select_n3A_1905, %mul3A_1928 : i32
      %add3A_1930 = arith.addi %mul3A_1929, %select_n3A_1921 : i32
      %dma_wait3A_1931 = arith.constant 1 : i32
      %dma_wait3A_1932 = arith.constant 1 : i32
      %dma_wait3A_1933 = arith.constant 128 : i32
      %dma_wait3A_1934 = arith.constant 0 : i32
      %dma_wait3A_1935 = tpu.memref_slice %arg6[%dma_wait3A_1931, %dma_wait3A_1933, %dma_wait3A_1934] : memref<2x512x64xf32, #tpu.memory_space<vmem>> -> memref<1x128x64xf32, #tpu.memory_space<vmem>>
      %dma_wait3A_1936 = tpu.memref_squeeze %dma_wait3A_1935 : memref<1x128x64xf32, #tpu.memory_space<vmem>> -> memref<128x64xf32, #tpu.memory_space<vmem>>
      %dma_wait3A_1937 = arith.constant 0 : i32
      %dma_wait3A_1938 = tpu.memref_slice %arg4[%mul3A_1927, %add3A_1930, %dma_wait3A_1937] : memref<4096x200x64xf32, #tpu.memory_space<hbm>> -> memref<128x1x64xf32, #tpu.memory_space<hbm>>
      %dma_wait3A_1939 = tpu.memref_squeeze %dma_wait3A_1938 : memref<128x1x64xf32, #tpu.memory_space<hbm>> -> memref<128x64xf32, #tpu.memory_space<hbm>>
      %dma_wait3A_1940 = tpu.memref_slice %arg8[%dma_wait3A_1932] : memref<2x!tpu.dma_semaphore, #tpu.memory_space<semaphore_mem>> -> memref<1x!tpu.dma_semaphore, #tpu.memory_space<semaphore_mem>>
      %dma_wait3A_1941 = tpu.memref_squeeze %dma_wait3A_1940 : memref<1x!tpu.dma_semaphore, #tpu.memory_space<semaphore_mem>> -> memref<!tpu.dma_semaphore, #tpu.memory_space<semaphore_mem>>
      %dma_wait3A_1942 = arith.constant 0 : i32
      %dma_wait3A_1943 = tpu.memref_slice %arg4[%mul3A_1927, %add3A_1930, %dma_wait3A_1942] : memref<4096x200x64xf32, #tpu.memory_space<hbm>> -> memref<128x1x64xf32, #tpu.memory_space<hbm>>
      %dma_wait3A_1944 = tpu.memref_squeeze %dma_wait3A_1943 : memref<128x1x64xf32, #tpu.memory_space<hbm>> -> memref<128x64xf32, #tpu.memory_space<hbm>>
      %dma_wait3A_1945 = arith.constant 128 : i32
      %dma_wait3A_1946 = arith.constant 0 : i32
      %dma_wait3A_1947 = tpu.memref_slice %arg6[%dma_wait3A_1931, %dma_wait3A_1945, %dma_wait3A_1946] : memref<2x512x64xf32, #tpu.memory_space<vmem>> -> memref<1x128x64xf32, #tpu.memory_space<vmem>>
      %dma_wait3A_1948 = tpu.memref_squeeze %dma_wait3A_1947 : memref<1x128x64xf32, #tpu.memory_space<vmem>> -> memref<128x64xf32, #tpu.memory_space<vmem>>
      tpu.wait_dma2 semaphore(%dma_wait3A_1941 : memref<!tpu.dma_semaphore, #tpu.memory_space<semaphore_mem>>) src(%dma_wait3A_1948 : memref<128x64xf32, #tpu.memory_space<vmem>>) dst(%dma_wait3A_1944 : memref<128x64xf32, #tpu.memory_space<hbm>>)
      %jit3A_1949 = arith.constant 8 : i32
      %div3A_1950 = arith.divsi %add3A_1734, %jit3A_1949 : i32
      %sign3A_1951 = arith.constant 0 : i32
      %sign3A_1952 = arith.cmpi sgt, %add3A_1734, %sign3A_1951 : i32
      %sign3A_1953 = arith.extui %sign3A_1952 : i1 to i32
      %sign3A_1954 = arith.constant 0 : i32
      %sign3A_1955 = arith.cmpi slt, %add3A_1734, %sign3A_1954 : i32
      %sign3A_1956 = arith.extui %sign3A_1955 : i1 to i32
      %sign3A_1957 = arith.subi %sign3A_1953, %sign3A_1956 : i32
      %sign3A_1958 = arith.constant 0 : i32
      %sign3A_1959 = arith.cmpi sgt, %jit3A_1949, %sign3A_1958 : i32
      %sign3A_1960 = arith.extui %sign3A_1959 : i1 to i32
      %sign3A_1961 = arith.constant 0 : i32
      %sign3A_1962 = arith.cmpi slt, %jit3A_1949, %sign3A_1961 : i32
      %sign3A_1963 = arith.extui %sign3A_1962 : i1 to i32
      %sign3A_1964 = arith.subi %sign3A_1960, %sign3A_1963 : i32
      %ne3A_1965 = arith.cmpi ne, %sign3A_1957, %sign3A_1964 : i32
      %rem3A_1966 = arith.remsi %add3A_1734, %jit3A_1949 : i32
      %ne3A_1967 = arith.constant 0 : i32
      %ne3A_1968 = arith.cmpi ne, %rem3A_1966, %ne3A_1967 : i32
      %and3A_1969 = arith.andi %ne3A_1965, %ne3A_1968 : i1
      %sub3A_1970 = arith.constant 1 : i32
      %sub3A_1971 = arith.subi %div3A_1950, %sub3A_1970 : i32
      %select_n3A_1972 = arith.select %and3A_1969, %sub3A_1971, %div3A_1950 : i32
      %jit3A_1973 = arith.constant 8 : i32
      %eq3A_1974 = arith.constant 0 : i32
      %eq3A_1975 = arith.cmpi eq, %jit3A_1973, %eq3A_1974 : i32
      %jit3A_1976 = arith.constant 1 : i32
      %select_n3A_1977 = arith.select %eq3A_1975, %jit3A_1976, %jit3A_1973 : i32
      %rem3A_1978 = arith.remsi %add3A_1734, %select_n3A_1977 : i32
      %ne3A_1979 = arith.constant 0 : i32
      %ne3A_1980 = arith.cmpi ne, %rem3A_1978, %ne3A_1979 : i32
      %lt3A_1981 = arith.constant 0 : i32
      %lt3A_1982 = arith.cmpi slt, %rem3A_1978, %lt3A_1981 : i32
      %lt3A_1983 = arith.constant 0 : i32
      %lt3A_1984 = arith.cmpi slt, %select_n3A_1977, %lt3A_1983 : i32
      %ne3A_1985 = arith.xori %lt3A_1982, %lt3A_1984 : i1
      %and3A_1986 = arith.andi %ne3A_1985, %ne3A_1980 : i1
      %add3A_1987 = arith.addi %rem3A_1978, %select_n3A_1977 : i32
      %select_n3A_1988 = arith.select %and3A_1986, %add3A_1987, %rem3A_1978 : i32
      %jit3A_1989 = arith.constant 8 : i32
      %div3A_1990 = arith.divsi %select_n3A_1972, %jit3A_1989 : i32
      %sign3A_1991 = arith.constant 0 : i32
      %sign3A_1992 = arith.cmpi sgt, %select_n3A_1972, %sign3A_1991 : i32
      %sign3A_1993 = arith.extui %sign3A_1992 : i1 to i32
      %sign3A_1994 = arith.constant 0 : i32
      %sign3A_1995 = arith.cmpi slt, %select_n3A_1972, %sign3A_1994 : i32
      %sign3A_1996 = arith.extui %sign3A_1995 : i1 to i32
      %sign3A_1997 = arith.subi %sign3A_1993, %sign3A_1996 : i32
      %sign3A_1998 = arith.constant 0 : i32
      %sign3A_1999 = arith.cmpi sgt, %jit3A_1989, %sign3A_1998 : i32
      %sign3A_2000 = arith.extui %sign3A_1999 : i1 to i32
      %sign3A_2001 = arith.constant 0 : i32
      %sign3A_2002 = arith.cmpi slt, %jit3A_1989, %sign3A_2001 : i32
      %sign3A_2003 = arith.extui %sign3A_2002 : i1 to i32
      %sign3A_2004 = arith.subi %sign3A_2000, %sign3A_2003 : i32
      %ne3A_2005 = arith.cmpi ne, %sign3A_1997, %sign3A_2004 : i32
      %rem3A_2006 = arith.remsi %select_n3A_1972, %jit3A_1989 : i32
      %ne3A_2007 = arith.constant 0 : i32
      %ne3A_2008 = arith.cmpi ne, %rem3A_2006, %ne3A_2007 : i32
      %and3A_2009 = arith.andi %ne3A_2005, %ne3A_2008 : i1
      %sub3A_2010 = arith.constant 1 : i32
      %sub3A_2011 = arith.subi %div3A_1990, %sub3A_2010 : i32
      %select_n3A_2012 = arith.select %and3A_2009, %sub3A_2011, %div3A_1990 : i32
      %jit3A_2013 = arith.constant 8 : i32
      %eq3A_2014 = arith.constant 0 : i32
      %eq3A_2015 = arith.cmpi eq, %jit3A_2013, %eq3A_2014 : i32
      %jit3A_2016 = arith.constant 1 : i32
      %select_n3A_2017 = arith.select %eq3A_2015, %jit3A_2016, %jit3A_2013 : i32
      %rem3A_2018 = arith.remsi %select_n3A_1972, %select_n3A_2017 : i32
      %ne3A_2019 = arith.constant 0 : i32
      %ne3A_2020 = arith.cmpi ne, %rem3A_2018, %ne3A_2019 : i32
      %lt3A_2021 = arith.constant 0 : i32
      %lt3A_2022 = arith.cmpi slt, %rem3A_2018, %lt3A_2021 : i32
      %lt3A_2023 = arith.constant 0 : i32
      %lt3A_2024 = arith.cmpi slt, %select_n3A_2017, %lt3A_2023 : i32
      %ne3A_2025 = arith.xori %lt3A_2022, %lt3A_2024 : i1
      %and3A_2026 = arith.andi %ne3A_2025, %ne3A_2020 : i1
      %add3A_2027 = arith.addi %rem3A_2018, %select_n3A_2017 : i32
      %select_n3A_2028 = arith.select %and3A_2026, %add3A_2027, %rem3A_2018 : i32
      %mul3A_2029 = arith.constant 4 : i32
      %mul3A_2030 = arith.muli %mul3A_2029, %select_n3A_1988 : i32
      %add3A_2031 = arith.constant 2 : i32
      %add3A_2032 = arith.addi %mul3A_2030, %add3A_2031 : i32
      %mul3A_2033 = arith.constant 128 : i32
      %mul3A_2034 = arith.muli %add3A_2032, %mul3A_2033 : i32
      %mul3A_2035 = arith.constant 8 : i32
      %mul3A_2036 = arith.muli %select_n3A_2012, %mul3A_2035 : i32
      %add3A_2037 = arith.addi %mul3A_2036, %select_n3A_2028 : i32
      %dma_wait3A_2038 = arith.constant 1 : i32
      %dma_wait3A_2039 = arith.constant 1 : i32
      %dma_wait3A_2040 = arith.constant 256 : i32
      %dma_wait3A_2041 = arith.constant 0 : i32
      %dma_wait3A_2042 = tpu.memref_slice %arg6[%dma_wait3A_2038, %dma_wait3A_2040, %dma_wait3A_2041] : memref<2x512x64xf32, #tpu.memory_space<vmem>> -> memref<1x128x64xf32, #tpu.memory_space<vmem>>
      %dma_wait3A_2043 = tpu.memref_squeeze %dma_wait3A_2042 : memref<1x128x64xf32, #tpu.memory_space<vmem>> -> memref<128x64xf32, #tpu.memory_space<vmem>>
      %dma_wait3A_2044 = arith.constant 0 : i32
      %dma_wait3A_2045 = tpu.memref_slice %arg4[%mul3A_2034, %add3A_2037, %dma_wait3A_2044] : memref<4096x200x64xf32, #tpu.memory_space<hbm>> -> memref<128x1x64xf32, #tpu.memory_space<hbm>>
      %dma_wait3A_2046 = tpu.memref_squeeze %dma_wait3A_2045 : memref<128x1x64xf32, #tpu.memory_space<hbm>> -> memref<128x64xf32, #tpu.memory_space<hbm>>
      %dma_wait3A_2047 = tpu.memref_slice %arg8[%dma_wait3A_2039] : memref<2x!tpu.dma_semaphore, #tpu.memory_space<semaphore_mem>> -> memref<1x!tpu.dma_semaphore, #tpu.memory_space<semaphore_mem>>
      %dma_wait3A_2048 = tpu.memref_squeeze %dma_wait3A_2047 : memref<1x!tpu.dma_semaphore, #tpu.memory_space<semaphore_mem>> -> memref<!tpu.dma_semaphore, #tpu.memory_space<semaphore_mem>>
      %dma_wait3A_2049 = arith.constant 0 : i32
      %dma_wait3A_2050 = tpu.memref_slice %arg4[%mul3A_2034, %add3A_2037, %dma_wait3A_2049] : memref<4096x200x64xf32, #tpu.memory_space<hbm>> -> memref<128x1x64xf32, #tpu.memory_space<hbm>>
      %dma_wait3A_2051 = tpu.memref_squeeze %dma_wait3A_2050 : memref<128x1x64xf32, #tpu.memory_space<hbm>> -> memref<128x64xf32, #tpu.memory_space<hbm>>
      %dma_wait3A_2052 = arith.constant 256 : i32
      %dma_wait3A_2053 = arith.constant 0 : i32
      %dma_wait3A_2054 = tpu.memref_slice %arg6[%dma_wait3A_2038, %dma_wait3A_2052, %dma_wait3A_2053] : memref<2x512x64xf32, #tpu.memory_space<vmem>> -> memref<1x128x64xf32, #tpu.memory_space<vmem>>
      %dma_wait3A_2055 = tpu.memref_squeeze %dma_wait3A_2054 : memref<1x128x64xf32, #tpu.memory_space<vmem>> -> memref<128x64xf32, #tpu.memory_space<vmem>>
      tpu.wait_dma2 semaphore(%dma_wait3A_2048 : memref<!tpu.dma_semaphore, #tpu.memory_space<semaphore_mem>>) src(%dma_wait3A_2055 : memref<128x64xf32, #tpu.memory_space<vmem>>) dst(%dma_wait3A_2051 : memref<128x64xf32, #tpu.memory_space<hbm>>)
      %jit3A_2056 = arith.constant 8 : i32
      %div3A_2057 = arith.divsi %add3A_1734, %jit3A_2056 : i32
      %sign3A_2058 = arith.constant 0 : i32
      %sign3A_2059 = arith.cmpi sgt, %add3A_1734, %sign3A_2058 : i32
      %sign3A_2060 = arith.extui %sign3A_2059 : i1 to i32
      %sign3A_2061 = arith.constant 0 : i32
      %sign3A_2062 = arith.cmpi slt, %add3A_1734, %sign3A_2061 : i32
      %sign3A_2063 = arith.extui %sign3A_2062 : i1 to i32
      %sign3A_2064 = arith.subi %sign3A_2060, %sign3A_2063 : i32
      %sign3A_2065 = arith.constant 0 : i32
      %sign3A_2066 = arith.cmpi sgt, %jit3A_2056, %sign3A_2065 : i32
      %sign3A_2067 = arith.extui %sign3A_2066 : i1 to i32
      %sign3A_2068 = arith.constant 0 : i32
      %sign3A_2069 = arith.cmpi slt, %jit3A_2056, %sign3A_2068 : i32
      %sign3A_2070 = arith.extui %sign3A_2069 : i1 to i32
      %sign3A_2071 = arith.subi %sign3A_2067, %sign3A_2070 : i32
      %ne3A_2072 = arith.cmpi ne, %sign3A_2064, %sign3A_2071 : i32
      %rem3A_2073 = arith.remsi %add3A_1734, %jit3A_2056 : i32
      %ne3A_2074 = arith.constant 0 : i32
      %ne3A_2075 = arith.cmpi ne, %rem3A_2073, %ne3A_2074 : i32
      %and3A_2076 = arith.andi %ne3A_2072, %ne3A_2075 : i1
      %sub3A_2077 = arith.constant 1 : i32
      %sub3A_2078 = arith.subi %div3A_2057, %sub3A_2077 : i32
      %select_n3A_2079 = arith.select %and3A_2076, %sub3A_2078, %div3A_2057 : i32
      %jit3A_2080 = arith.constant 8 : i32
      %eq3A_2081 = arith.constant 0 : i32
      %eq3A_2082 = arith.cmpi eq, %jit3A_2080, %eq3A_2081 : i32
      %jit3A_2083 = arith.constant 1 : i32
      %select_n3A_2084 = arith.select %eq3A_2082, %jit3A_2083, %jit3A_2080 : i32
      %rem3A_2085 = arith.remsi %add3A_1734, %select_n3A_2084 : i32
      %ne3A_2086 = arith.constant 0 : i32
      %ne3A_2087 = arith.cmpi ne, %rem3A_2085, %ne3A_2086 : i32
      %lt3A_2088 = arith.constant 0 : i32
      %lt3A_2089 = arith.cmpi slt, %rem3A_2085, %lt3A_2088 : i32
      %lt3A_2090 = arith.constant 0 : i32
      %lt3A_2091 = arith.cmpi slt, %select_n3A_2084, %lt3A_2090 : i32
      %ne3A_2092 = arith.xori %lt3A_2089, %lt3A_2091 : i1
      %and3A_2093 = arith.andi %ne3A_2092, %ne3A_2087 : i1
      %add3A_2094 = arith.addi %rem3A_2085, %select_n3A_2084 : i32
      %select_n3A_2095 = arith.select %and3A_2093, %add3A_2094, %rem3A_2085 : i32
      %jit3A_2096 = arith.constant 8 : i32
      %div3A_2097 = arith.divsi %select_n3A_2079, %jit3A_2096 : i32
      %sign3A_2098 = arith.constant 0 : i32
      %sign3A_2099 = arith.cmpi sgt, %select_n3A_2079, %sign3A_2098 : i32
      %sign3A_2100 = arith.extui %sign3A_2099 : i1 to i32
      %sign3A_2101 = arith.constant 0 : i32
      %sign3A_2102 = arith.cmpi slt, %select_n3A_2079, %sign3A_2101 : i32
      %sign3A_2103 = arith.extui %sign3A_2102 : i1 to i32
      %sign3A_2104 = arith.subi %sign3A_2100, %sign3A_2103 : i32
      %sign3A_2105 = arith.constant 0 : i32
      %sign3A_2106 = arith.cmpi sgt, %jit3A_2096, %sign3A_2105 : i32
      %sign3A_2107 = arith.extui %sign3A_2106 : i1 to i32
      %sign3A_2108 = arith.constant 0 : i32
      %sign3A_2109 = arith.cmpi slt, %jit3A_2096, %sign3A_2108 : i32
      %sign3A_2110 = arith.extui %sign3A_2109 : i1 to i32
      %sign3A_2111 = arith.subi %sign3A_2107, %sign3A_2110 : i32
      %ne3A_2112 = arith.cmpi ne, %sign3A_2104, %sign3A_2111 : i32
      %rem3A_2113 = arith.remsi %select_n3A_2079, %jit3A_2096 : i32
      %ne3A_2114 = arith.constant 0 : i32
      %ne3A_2115 = arith.cmpi ne, %rem3A_2113, %ne3A_2114 : i32
      %and3A_2116 = arith.andi %ne3A_2112, %ne3A_2115 : i1
      %sub3A_2117 = arith.constant 1 : i32
      %sub3A_2118 = arith.subi %div3A_2097, %sub3A_2117 : i32
      %select_n3A_2119 = arith.select %and3A_2116, %sub3A_2118, %div3A_2097 : i32
      %jit3A_2120 = arith.constant 8 : i32
      %eq3A_2121 = arith.constant 0 : i32
      %eq3A_2122 = arith.cmpi eq, %jit3A_2120, %eq3A_2121 : i32
      %jit3A_2123 = arith.constant 1 : i32
      %select_n3A_2124 = arith.select %eq3A_2122, %jit3A_2123, %jit3A_2120 : i32
      %rem3A_2125 = arith.remsi %select_n3A_2079, %select_n3A_2124 : i32
      %ne3A_2126 = arith.constant 0 : i32
      %ne3A_2127 = arith.cmpi ne, %rem3A_2125, %ne3A_2126 : i32
      %lt3A_2128 = arith.constant 0 : i32
      %lt3A_2129 = arith.cmpi slt, %rem3A_2125, %lt3A_2128 : i32
      %lt3A_2130 = arith.constant 0 : i32
      %lt3A_2131 = arith.cmpi slt, %select_n3A_2124, %lt3A_2130 : i32
      %ne3A_2132 = arith.xori %lt3A_2129, %lt3A_2131 : i1
      %and3A_2133 = arith.andi %ne3A_2132, %ne3A_2127 : i1
      %add3A_2134 = arith.addi %rem3A_2125, %select_n3A_2124 : i32
      %select_n3A_2135 = arith.select %and3A_2133, %add3A_2134, %rem3A_2125 : i32
      %mul3A_2136 = arith.constant 4 : i32
      %mul3A_2137 = arith.muli %mul3A_2136, %select_n3A_2095 : i32
      %add3A_2138 = arith.constant 3 : i32
      %add3A_2139 = arith.addi %mul3A_2137, %add3A_2138 : i32
      %mul3A_2140 = arith.constant 128 : i32
      %mul3A_2141 = arith.muli %add3A_2139, %mul3A_2140 : i32
      %mul3A_2142 = arith.constant 8 : i32
      %mul3A_2143 = arith.muli %select_n3A_2119, %mul3A_2142 : i32
      %add3A_2144 = arith.addi %mul3A_2143, %select_n3A_2135 : i32
      %dma_wait3A_2145 = arith.constant 1 : i32
      %dma_wait3A_2146 = arith.constant 1 : i32
      %dma_wait3A_2147 = arith.constant 384 : i32
      %dma_wait3A_2148 = arith.constant 0 : i32
      %dma_wait3A_2149 = tpu.memref_slice %arg6[%dma_wait3A_2145, %dma_wait3A_2147, %dma_wait3A_2148] : memref<2x512x64xf32, #tpu.memory_space<vmem>> -> memref<1x128x64xf32, #tpu.memory_space<vmem>>
      %dma_wait3A_2150 = tpu.memref_squeeze %dma_wait3A_2149 : memref<1x128x64xf32, #tpu.memory_space<vmem>> -> memref<128x64xf32, #tpu.memory_space<vmem>>
      %dma_wait3A_2151 = arith.constant 0 : i32
      %dma_wait3A_2152 = tpu.memref_slice %arg4[%mul3A_2141, %add3A_2144, %dma_wait3A_2151] : memref<4096x200x64xf32, #tpu.memory_space<hbm>> -> memref<128x1x64xf32, #tpu.memory_space<hbm>>
      %dma_wait3A_2153 = tpu.memref_squeeze %dma_wait3A_2152 : memref<128x1x64xf32, #tpu.memory_space<hbm>> -> memref<128x64xf32, #tpu.memory_space<hbm>>
      %dma_wait3A_2154 = tpu.memref_slice %arg8[%dma_wait3A_2146] : memref<2x!tpu.dma_semaphore, #tpu.memory_space<semaphore_mem>> -> memref<1x!tpu.dma_semaphore, #tpu.memory_space<semaphore_mem>>
      %dma_wait3A_2155 = tpu.memref_squeeze %dma_wait3A_2154 : memref<1x!tpu.dma_semaphore, #tpu.memory_space<semaphore_mem>> -> memref<!tpu.dma_semaphore, #tpu.memory_space<semaphore_mem>>
      %dma_wait3A_2156 = arith.constant 0 : i32
      %dma_wait3A_2157 = tpu.memref_slice %arg4[%mul3A_2141, %add3A_2144, %dma_wait3A_2156] : memref<4096x200x64xf32, #tpu.memory_space<hbm>> -> memref<128x1x64xf32, #tpu.memory_space<hbm>>
      %dma_wait3A_2158 = tpu.memref_squeeze %dma_wait3A_2157 : memref<128x1x64xf32, #tpu.memory_space<hbm>> -> memref<128x64xf32, #tpu.memory_space<hbm>>
      %dma_wait3A_2159 = arith.constant 384 : i32
      %dma_wait3A_2160 = arith.constant 0 : i32
      %dma_wait3A_2161 = tpu.memref_slice %arg6[%dma_wait3A_2145, %dma_wait3A_2159, %dma_wait3A_2160] : memref<2x512x64xf32, #tpu.memory_space<vmem>> -> memref<1x128x64xf32, #tpu.memory_space<vmem>>
      %dma_wait3A_2162 = tpu.memref_squeeze %dma_wait3A_2161 : memref<1x128x64xf32, #tpu.memory_space<vmem>> -> memref<128x64xf32, #tpu.memory_space<vmem>>
      tpu.wait_dma2 semaphore(%dma_wait3A_2155 : memref<!tpu.dma_semaphore, #tpu.memory_space<semaphore_mem>>) src(%dma_wait3A_2162 : memref<128x64xf32, #tpu.memory_space<vmem>>) dst(%dma_wait3A_2158 : memref<128x64xf32, #tpu.memory_space<hbm>>)
      %mul3A_2163 = arith.constant 2 : i32
      %mul3A_2164 = arith.muli %mul3A_2163, %scan3A_294 : i32
      %add3A_2165 = arith.constant 1 : i32
      %add3A_2166 = arith.addi %mul3A_2164, %add3A_2165 : i32
      %add3A_2167 = arith.constant 2 : i32
      %add3A_2168 = arith.addi %add3A_2166, %add3A_2167 : i32
      %lt3A_2169 = arith.constant 50 : i32
      %lt3A_2170 = arith.cmpi slt, %add3A_2168, %lt3A_2169 : i32
      %convert_element_type3A_2171 = arith.extui %lt3A_2170 : i1 to i32
      %cond3A_2172 = arith.constant 0 : i32
      %cond3A_2173 = arith.cmpi ne, %convert_element_type3A_2171, %cond3A_2172 : i32
      scf.if %cond3A_2173 {
        %add3A_2174 = arith.constant 2 : i32
        %add3A_2175 = arith.addi %add3A_1734, %add3A_2174 : i32
        %jit3A_2176 = arith.constant 8 : i32
        %div3A_2177 = arith.divsi %add3A_2175, %jit3A_2176 : i32
        %sign3A_2178 = arith.constant 0 : i32
        %sign3A_2179 = arith.cmpi sgt, %add3A_2175, %sign3A_2178 : i32
        %sign3A_2180 = arith.extui %sign3A_2179 : i1 to i32
        %sign3A_2181 = arith.constant 0 : i32
        %sign3A_2182 = arith.cmpi slt, %add3A_2175, %sign3A_2181 : i32
        %sign3A_2183 = arith.extui %sign3A_2182 : i1 to i32
        %sign3A_2184 = arith.subi %sign3A_2180, %sign3A_2183 : i32
        %sign3A_2185 = arith.constant 0 : i32
        %sign3A_2186 = arith.cmpi sgt, %jit3A_2176, %sign3A_2185 : i32
        %sign3A_2187 = arith.extui %sign3A_2186 : i1 to i32
        %sign3A_2188 = arith.constant 0 : i32
        %sign3A_2189 = arith.cmpi slt, %jit3A_2176, %sign3A_2188 : i32
        %sign3A_2190 = arith.extui %sign3A_2189 : i1 to i32
        %sign3A_2191 = arith.subi %sign3A_2187, %sign3A_2190 : i32
        %ne3A_2192 = arith.cmpi ne, %sign3A_2184, %sign3A_2191 : i32
        %rem3A_2193 = arith.remsi %add3A_2175, %jit3A_2176 : i32
        %ne3A_2194 = arith.constant 0 : i32
        %ne3A_2195 = arith.cmpi ne, %rem3A_2193, %ne3A_2194 : i32
        %and3A_2196 = arith.andi %ne3A_2192, %ne3A_2195 : i1
        %sub3A_2197 = arith.constant 1 : i32
        %sub3A_2198 = arith.subi %div3A_2177, %sub3A_2197 : i32
        %select_n3A_2199 = arith.select %and3A_2196, %sub3A_2198, %div3A_2177 : i32
        %jit3A_2200 = arith.constant 8 : i32
        %eq3A_2201 = arith.constant 0 : i32
        %eq3A_2202 = arith.cmpi eq, %jit3A_2200, %eq3A_2201 : i32
        %jit3A_2203 = arith.constant 1 : i32
        %select_n3A_2204 = arith.select %eq3A_2202, %jit3A_2203, %jit3A_2200 : i32
        %rem3A_2205 = arith.remsi %add3A_2175, %select_n3A_2204 : i32
        %ne3A_2206 = arith.constant 0 : i32
        %ne3A_2207 = arith.cmpi ne, %rem3A_2205, %ne3A_2206 : i32
        %lt3A_2208 = arith.constant 0 : i32
        %lt3A_2209 = arith.cmpi slt, %rem3A_2205, %lt3A_2208 : i32
        %lt3A_2210 = arith.constant 0 : i32
        %lt3A_2211 = arith.cmpi slt, %select_n3A_2204, %lt3A_2210 : i32
        %ne3A_2212 = arith.xori %lt3A_2209, %lt3A_2211 : i1
        %and3A_2213 = arith.andi %ne3A_2212, %ne3A_2207 : i1
        %add3A_2214 = arith.addi %rem3A_2205, %select_n3A_2204 : i32
        %select_n3A_2215 = arith.select %and3A_2213, %add3A_2214, %rem3A_2205 : i32
        %jit3A_2216 = arith.constant 8 : i32
        %div3A_2217 = arith.divsi %select_n3A_2199, %jit3A_2216 : i32
        %sign3A_2218 = arith.constant 0 : i32
        %sign3A_2219 = arith.cmpi sgt, %select_n3A_2199, %sign3A_2218 : i32
        %sign3A_2220 = arith.extui %sign3A_2219 : i1 to i32
        %sign3A_2221 = arith.constant 0 : i32
        %sign3A_2222 = arith.cmpi slt, %select_n3A_2199, %sign3A_2221 : i32
        %sign3A_2223 = arith.extui %sign3A_2222 : i1 to i32
        %sign3A_2224 = arith.subi %sign3A_2220, %sign3A_2223 : i32
        %sign3A_2225 = arith.constant 0 : i32
        %sign3A_2226 = arith.cmpi sgt, %jit3A_2216, %sign3A_2225 : i32
        %sign3A_2227 = arith.extui %sign3A_2226 : i1 to i32
        %sign3A_2228 = arith.constant 0 : i32
        %sign3A_2229 = arith.cmpi slt, %jit3A_2216, %sign3A_2228 : i32
        %sign3A_2230 = arith.extui %sign3A_2229 : i1 to i32
        %sign3A_2231 = arith.subi %sign3A_2227, %sign3A_2230 : i32
        %ne3A_2232 = arith.cmpi ne, %sign3A_2224, %sign3A_2231 : i32
        %rem3A_2233 = arith.remsi %select_n3A_2199, %jit3A_2216 : i32
        %ne3A_2234 = arith.constant 0 : i32
        %ne3A_2235 = arith.cmpi ne, %rem3A_2233, %ne3A_2234 : i32
        %and3A_2236 = arith.andi %ne3A_2232, %ne3A_2235 : i1
        %sub3A_2237 = arith.constant 1 : i32
        %sub3A_2238 = arith.subi %div3A_2217, %sub3A_2237 : i32
        %select_n3A_2239 = arith.select %and3A_2236, %sub3A_2238, %div3A_2217 : i32
        %jit3A_2240 = arith.constant 8 : i32
        %eq3A_2241 = arith.constant 0 : i32
        %eq3A_2242 = arith.cmpi eq, %jit3A_2240, %eq3A_2241 : i32
        %jit3A_2243 = arith.constant 1 : i32
        %select_n3A_2244 = arith.select %eq3A_2242, %jit3A_2243, %jit3A_2240 : i32
        %rem3A_2245 = arith.remsi %select_n3A_2199, %select_n3A_2244 : i32
        %ne3A_2246 = arith.constant 0 : i32
        %ne3A_2247 = arith.cmpi ne, %rem3A_2245, %ne3A_2246 : i32
        %lt3A_2248 = arith.constant 0 : i32
        %lt3A_2249 = arith.cmpi slt, %rem3A_2245, %lt3A_2248 : i32
        %lt3A_2250 = arith.constant 0 : i32
        %lt3A_2251 = arith.cmpi slt, %select_n3A_2244, %lt3A_2250 : i32
        %ne3A_2252 = arith.xori %lt3A_2249, %lt3A_2251 : i1
        %and3A_2253 = arith.andi %ne3A_2252, %ne3A_2247 : i1
        %add3A_2254 = arith.addi %rem3A_2245, %select_n3A_2244 : i32
        %select_n3A_2255 = arith.select %and3A_2253, %add3A_2254, %rem3A_2245 : i32
        %mul3A_2256 = arith.constant 4 : i32
        %mul3A_2257 = arith.muli %mul3A_2256, %select_n3A_2215 : i32
        %run_scoped3A_2258 = arith.constant 1 : i32
        "tpu.region"() ({
          %run_scoped3A_2323 = tpu.sem_alloc : memref<!tpu.dma_semaphore, #tpu.memory_space<semaphore_mem>>
          %dma_start3A_2324 = arith.constant 0 : i32
          %dma_start3A_2325 = arith.constant 0 : i32
          %dma_start3A_2326 = tpu.memref_slice %arg5[%run_scoped3A_2258, %dma_start3A_2324, %dma_start3A_2325] : memref<2x4x128xi32, #tpu.memory_space<vmem>> -> memref<1x4x128xi32, #tpu.memory_space<vmem>>
          %dma_start3A_2327 = tpu.memref_squeeze %dma_start3A_2326 : memref<1x4x128xi32, #tpu.memory_space<vmem>> -> memref<4x128xi32, #tpu.memory_space<vmem>>
          %dma_start3A_2328 = arith.constant 0 : i32
          %dma_start3A_2329 = tpu.memref_slice %arg2[%select_n3A_2239, %mul3A_2257, %select_n3A_2255, %dma_start3A_2328] : memref<25x32x8x128xi32, #tpu.memory_space<hbm>> -> memref<1x4x1x128xi32, #tpu.memory_space<hbm>>
          %dma_start3A_2330 = tpu.memref_squeeze %dma_start3A_2329 : memref<1x4x1x128xi32, #tpu.memory_space<hbm>> -> memref<4x128xi32, #tpu.memory_space<hbm>>
          %dma_start3A_2331 = arith.constant 0 : i32
          %dma_start3A_2332 = arith.constant 0 : i32
          %dma_start3A_2333 = tpu.memref_slice %arg5[%run_scoped3A_2258, %dma_start3A_2331, %dma_start3A_2332] : memref<2x4x128xi32, #tpu.memory_space<vmem>> -> memref<1x4x128xi32, #tpu.memory_space<vmem>>
          %dma_start3A_2334 = tpu.memref_squeeze %dma_start3A_2333 : memref<1x4x128xi32, #tpu.memory_space<vmem>> -> memref<4x128xi32, #tpu.memory_space<vmem>>
          %dma_start3A_2335 = arith.constant 0 : i32
          %dma_start3A_2336 = tpu.memref_slice %arg2[%select_n3A_2239, %mul3A_2257, %select_n3A_2255, %dma_start3A_2335] : memref<25x32x8x128xi32, #tpu.memory_space<hbm>> -> memref<1x4x1x128xi32, #tpu.memory_space<hbm>>
          %dma_start3A_2337 = tpu.memref_squeeze %dma_start3A_2336 : memref<1x4x1x128xi32, #tpu.memory_space<hbm>> -> memref<4x128xi32, #tpu.memory_space<hbm>>
          tpu.enqueue_dma source(%dma_start3A_2337 : memref<4x128xi32, #tpu.memory_space<hbm>>) target(%dma_start3A_2334 : memref<4x128xi32, #tpu.memory_space<vmem>>) target_semaphore(%run_scoped3A_2323 : memref<!tpu.dma_semaphore, #tpu.memory_space<semaphore_mem>>)
          %dma_wait3A_2338 = arith.constant 0 : i32
          %dma_wait3A_2339 = arith.constant 0 : i32
          %dma_wait3A_2340 = tpu.memref_slice %arg5[%run_scoped3A_2258, %dma_wait3A_2338, %dma_wait3A_2339] : memref<2x4x128xi32, #tpu.memory_space<vmem>> -> memref<1x4x128xi32, #tpu.memory_space<vmem>>
          %dma_wait3A_2341 = tpu.memref_squeeze %dma_wait3A_2340 : memref<1x4x128xi32, #tpu.memory_space<vmem>> -> memref<4x128xi32, #tpu.memory_space<vmem>>
          %dma_wait3A_2342 = arith.constant 0 : i32
          %dma_wait3A_2343 = tpu.memref_slice %arg2[%select_n3A_2239, %mul3A_2257, %select_n3A_2255, %dma_wait3A_2342] : memref<25x32x8x128xi32, #tpu.memory_space<hbm>> -> memref<1x4x1x128xi32, #tpu.memory_space<hbm>>
          %dma_wait3A_2344 = tpu.memref_squeeze %dma_wait3A_2343 : memref<1x4x1x128xi32, #tpu.memory_space<hbm>> -> memref<4x128xi32, #tpu.memory_space<hbm>>
          %dma_wait3A_2345 = arith.constant 0 : i32
          %dma_wait3A_2346 = arith.constant 0 : i32
          %dma_wait3A_2347 = tpu.memref_slice %arg5[%run_scoped3A_2258, %dma_wait3A_2345, %dma_wait3A_2346] : memref<2x4x128xi32, #tpu.memory_space<vmem>> -> memref<1x4x128xi32, #tpu.memory_space<vmem>>
          %dma_wait3A_2348 = tpu.memref_squeeze %dma_wait3A_2347 : memref<1x4x128xi32, #tpu.memory_space<vmem>> -> memref<4x128xi32, #tpu.memory_space<vmem>>
          %dma_wait3A_2349 = arith.constant 0 : i32
          %dma_wait3A_2350 = tpu.memref_slice %arg2[%select_n3A_2239, %mul3A_2257, %select_n3A_2255, %dma_wait3A_2349] : memref<25x32x8x128xi32, #tpu.memory_space<hbm>> -> memref<1x4x1x128xi32, #tpu.memory_space<hbm>>
          %dma_wait3A_2351 = tpu.memref_squeeze %dma_wait3A_2350 : memref<1x4x1x128xi32, #tpu.memory_space<hbm>> -> memref<4x128xi32, #tpu.memory_space<hbm>>
          tpu.wait_dma2 semaphore(%run_scoped3A_2323 : memref<!tpu.dma_semaphore, #tpu.memory_space<semaphore_mem>>) src(%dma_wait3A_2351 : memref<4x128xi32, #tpu.memory_space<hbm>>) dst(%dma_wait3A_2348 : memref<4x128xi32, #tpu.memory_space<vmem>>)
          tpu.yield
        }) : () -> ()
        %dma_start3A_2259 = arith.constant 1 : i32
        %dma_start3A_2260 = arith.constant 0 : i32
        %dma_start3A_2261 = arith.constant 1 : i32
        %dma_start3A_2262 = arith.constant 1 : i32
        %dma_start3A_2263 = arith.constant 0 : i32
        %dma_start3A_2264 = arith.constant 0 : i32
        %dma_start3A_2265 = tpu.memref_slice %arg6[%dma_start3A_2261, %dma_start3A_2263, %dma_start3A_2264] : memref<2x512x64xf32, #tpu.memory_space<vmem>> -> memref<1x128x64xf32, #tpu.memory_space<vmem>>
        %dma_start3A_2266 = tpu.memref_squeeze %dma_start3A_2265 : memref<1x128x64xf32, #tpu.memory_space<vmem>> -> memref<128x64xf32, #tpu.memory_space<vmem>>
        %dma_start3A_2267 = arith.constant 0 : i32
        %dma_start3A_2268 = tpu.memref_slice %arg5[%dma_start3A_2259, %dma_start3A_2260, %dma_start3A_2267] : memref<2x4x128xi32, #tpu.memory_space<vmem>> -> memref<1x1x128xi32, #tpu.memory_space<vmem>>
        %dma_start3A_2269 = tpu.memref_squeeze %dma_start3A_2268 : memref<1x1x128xi32, #tpu.memory_space<vmem>> -> memref<128xi32, #tpu.memory_space<vmem>>
        %dma_start3A_2270 = arith.constant 0 : i32
        %dma_start3A_2271 = arith.constant 0 : i32
        %dma_start3A_2272 = tpu.memref_slice %arg3[%dma_start3A_2270, %dma_start3A_2271] : memref<1000000x64xf32, #tpu.memory_space<hbm>> -> memref<1000000x64xf32, #tpu.memory_space<hbm>>
        %dma_start3A_2273 = tpu.memref_slice %arg7[%dma_start3A_2262] : memref<2x!tpu.dma_semaphore, #tpu.memory_space<semaphore_mem>> -> memref<1x!tpu.dma_semaphore, #tpu.memory_space<semaphore_mem>>
        %dma_start3A_2274 = tpu.memref_squeeze %dma_start3A_2273 : memref<1x!tpu.dma_semaphore, #tpu.memory_space<semaphore_mem>> -> memref<!tpu.dma_semaphore, #tpu.memory_space<semaphore_mem>>
        tpu.enqueue_indirect_dma source(%dma_start3A_2272 : memref<1000000x64xf32, #tpu.memory_space<hbm>>) target(%dma_start3A_2266 : memref<128x64xf32, #tpu.memory_space<vmem>>) offsets(%dma_start3A_2269 : memref<128xi32, #tpu.memory_space<vmem>>) semaphore(%dma_start3A_2274 : memref<!tpu.dma_semaphore, #tpu.memory_space<semaphore_mem>>)
        %dma_start3A_2275 = arith.constant 1 : i32
        %dma_start3A_2276 = arith.constant 1 : i32
        %dma_start3A_2277 = arith.constant 1 : i32
        %dma_start3A_2278 = arith.constant 1 : i32
        %dma_start3A_2279 = arith.constant 128 : i32
        %dma_start3A_2280 = arith.constant 0 : i32
        %dma_start3A_2281 = tpu.memref_slice %arg6[%dma_start3A_2277, %dma_start3A_2279, %dma_start3A_2280] : memref<2x512x64xf32, #tpu.memory_space<vmem>> -> memref<1x128x64xf32, #tpu.memory_space<vmem>>
        %dma_start3A_2282 = tpu.memref_squeeze %dma_start3A_2281 : memref<1x128x64xf32, #tpu.memory_space<vmem>> -> memref<128x64xf32, #tpu.memory_space<vmem>>
        %dma_start3A_2283 = arith.constant 0 : i32
        %dma_start3A_2284 = tpu.memref_slice %arg5[%dma_start3A_2275, %dma_start3A_2276, %dma_start3A_2283] : memref<2x4x128xi32, #tpu.memory_space<vmem>> -> memref<1x1x128xi32, #tpu.memory_space<vmem>>
        %dma_start3A_2285 = tpu.memref_squeeze %dma_start3A_2284 : memref<1x1x128xi32, #tpu.memory_space<vmem>> -> memref<128xi32, #tpu.memory_space<vmem>>
        %dma_start3A_2286 = arith.constant 0 : i32
        %dma_start3A_2287 = arith.constant 0 : i32
        %dma_start3A_2288 = tpu.memref_slice %arg3[%dma_start3A_2286, %dma_start3A_2287] : memref<1000000x64xf32, #tpu.memory_space<hbm>> -> memref<1000000x64xf32, #tpu.memory_space<hbm>>
        %dma_start3A_2289 = tpu.memref_slice %arg7[%dma_start3A_2278] : memref<2x!tpu.dma_semaphore, #tpu.memory_space<semaphore_mem>> -> memref<1x!tpu.dma_semaphore, #tpu.memory_space<semaphore_mem>>
        %dma_start3A_2290 = tpu.memref_squeeze %dma_start3A_2289 : memref<1x!tpu.dma_semaphore, #tpu.memory_space<semaphore_mem>> -> memref<!tpu.dma_semaphore, #tpu.memory_space<semaphore_mem>>
        tpu.enqueue_indirect_dma source(%dma_start3A_2288 : memref<1000000x64xf32, #tpu.memory_space<hbm>>) target(%dma_start3A_2282 : memref<128x64xf32, #tpu.memory_space<vmem>>) offsets(%dma_start3A_2285 : memref<128xi32, #tpu.memory_space<vmem>>) semaphore(%dma_start3A_2290 : memref<!tpu.dma_semaphore, #tpu.memory_space<semaphore_mem>>)
        %dma_start3A_2291 = arith.constant 1 : i32
        %dma_start3A_2292 = arith.constant 2 : i32
        %dma_start3A_2293 = arith.constant 1 : i32
        %dma_start3A_2294 = arith.constant 1 : i32
        %dma_start3A_2295 = arith.constant 256 : i32
        %dma_start3A_2296 = arith.constant 0 : i32
        %dma_start3A_2297 = tpu.memref_slice %arg6[%dma_start3A_2293, %dma_start3A_2295, %dma_start3A_2296] : memref<2x512x64xf32, #tpu.memory_space<vmem>> -> memref<1x128x64xf32, #tpu.memory_space<vmem>>
        %dma_start3A_2298 = tpu.memref_squeeze %dma_start3A_2297 : memref<1x128x64xf32, #tpu.memory_space<vmem>> -> memref<128x64xf32, #tpu.memory_space<vmem>>
        %dma_start3A_2299 = arith.constant 0 : i32
        %dma_start3A_2300 = tpu.memref_slice %arg5[%dma_start3A_2291, %dma_start3A_2292, %dma_start3A_2299] : memref<2x4x128xi32, #tpu.memory_space<vmem>> -> memref<1x1x128xi32, #tpu.memory_space<vmem>>
        %dma_start3A_2301 = tpu.memref_squeeze %dma_start3A_2300 : memref<1x1x128xi32, #tpu.memory_space<vmem>> -> memref<128xi32, #tpu.memory_space<vmem>>
        %dma_start3A_2302 = arith.constant 0 : i32
        %dma_start3A_2303 = arith.constant 0 : i32
        %dma_start3A_2304 = tpu.memref_slice %arg3[%dma_start3A_2302, %dma_start3A_2303] : memref<1000000x64xf32, #tpu.memory_space<hbm>> -> memref<1000000x64xf32, #tpu.memory_space<hbm>>
        %dma_start3A_2305 = tpu.memref_slice %arg7[%dma_start3A_2294] : memref<2x!tpu.dma_semaphore, #tpu.memory_space<semaphore_mem>> -> memref<1x!tpu.dma_semaphore, #tpu.memory_space<semaphore_mem>>
        %dma_start3A_2306 = tpu.memref_squeeze %dma_start3A_2305 : memref<1x!tpu.dma_semaphore, #tpu.memory_space<semaphore_mem>> -> memref<!tpu.dma_semaphore, #tpu.memory_space<semaphore_mem>>
        tpu.enqueue_indirect_dma source(%dma_start3A_2304 : memref<1000000x64xf32, #tpu.memory_space<hbm>>) target(%dma_start3A_2298 : memref<128x64xf32, #tpu.memory_space<vmem>>) offsets(%dma_start3A_2301 : memref<128xi32, #tpu.memory_space<vmem>>) semaphore(%dma_start3A_2306 : memref<!tpu.dma_semaphore, #tpu.memory_space<semaphore_mem>>)
        %dma_start3A_2307 = arith.constant 1 : i32
        %dma_start3A_2308 = arith.constant 3 : i32
        %dma_start3A_2309 = arith.constant 1 : i32
        %dma_start3A_2310 = arith.constant 1 : i32
        %dma_start3A_2311 = arith.constant 384 : i32
        %dma_start3A_2312 = arith.constant 0 : i32
        %dma_start3A_2313 = tpu.memref_slice %arg6[%dma_start3A_2309, %dma_start3A_2311, %dma_start3A_2312] : memref<2x512x64xf32, #tpu.memory_space<vmem>> -> memref<1x128x64xf32, #tpu.memory_space<vmem>>
        %dma_start3A_2314 = tpu.memref_squeeze %dma_start3A_2313 : memref<1x128x64xf32, #tpu.memory_space<vmem>> -> memref<128x64xf32, #tpu.memory_space<vmem>>
        %dma_start3A_2315 = arith.constant 0 : i32
        %dma_start3A_2316 = tpu.memref_slice %arg5[%dma_start3A_2307, %dma_start3A_2308, %dma_start3A_2315] : memref<2x4x128xi32, #tpu.memory_space<vmem>> -> memref<1x1x128xi32, #tpu.memory_space<vmem>>
        %dma_start3A_2317 = tpu.memref_squeeze %dma_start3A_2316 : memref<1x1x128xi32, #tpu.memory_space<vmem>> -> memref<128xi32, #tpu.memory_space<vmem>>
        %dma_start3A_2318 = arith.constant 0 : i32
        %dma_start3A_2319 = arith.constant 0 : i32
        %dma_start3A_2320 = tpu.memref_slice %arg3[%dma_start3A_2318, %dma_start3A_2319] : memref<1000000x64xf32, #tpu.memory_space<hbm>> -> memref<1000000x64xf32, #tpu.memory_space<hbm>>
        %dma_start3A_2321 = tpu.memref_slice %arg7[%dma_start3A_2310] : memref<2x!tpu.dma_semaphore, #tpu.memory_space<semaphore_mem>> -> memref<1x!tpu.dma_semaphore, #tpu.memory_space<semaphore_mem>>
        %dma_start3A_2322 = tpu.memref_squeeze %dma_start3A_2321 : memref<1x!tpu.dma_semaphore, #tpu.memory_space<semaphore_mem>> -> memref<!tpu.dma_semaphore, #tpu.memory_space<semaphore_mem>>
        tpu.enqueue_indirect_dma source(%dma_start3A_2320 : memref<1000000x64xf32, #tpu.memory_space<hbm>>) target(%dma_start3A_2314 : memref<128x64xf32, #tpu.memory_space<vmem>>) offsets(%dma_start3A_2317 : memref<128xi32, #tpu.memory_space<vmem>>) semaphore(%dma_start3A_2322 : memref<!tpu.dma_semaphore, #tpu.memory_space<semaphore_mem>>)
      } else {
      }
    }
    %scan3A_293 = arith.constant 25 : i32
    return
  }
}

</mosaic_0001>

<sc_bundles>
// kernel: kernel.3.cloned.1.call-start
scs
__scs_entry_jumppad:
0x0: {  	(pc) =	sbr.rel $0x88, $3  }
0x1: {  	(tag) =	ssettag $0x0;
	lr =	simm.s32 $0x1  }
0x2: {  	[smem:$0x3F9F] =	sst lr;
	_ =	strace $0xD0000000  }
0x3: {  	_ = 	snop  }
0x4: {  	_ = 	snop  }
0x5: {  	_ = 	snop  }
0x6: {  	_ = 	snop  }
0x7: {  	_ = 	snop  }
__scs_overlays_trampoline_lowered:
0x8: {  	[smem:$0x3FAE] =	sst s0  }
0x9: {  	[smem:$0x3FAF] =	sst s1  }
0xa: {  	[smem:$0x3FB0] =	sst s2  }
0xb: {  	[smem:$0x3FB1] =	sst s3  }
0xc: {  	[smem:$0x3FB2] =	sst s4  }
0xd: {  	[smem:$0x3FB3] =	sst s5  }
0xe: {  	[smem:$0x3FB4] =	sst s6  }
0xf: {  	[smem:$0x3FB5] =	sst s7  }
0x10: {  	[smem:$0x3FB6] =	sst s8  }
0x11: {  	[smem:$0x3FB7] =	sst s9;
	s0 =	simm.s32 @!p0 $0x0  }
0x12: {  	s1 =	sld [smem:$0x3F9D];
	s0 =	simm.s32 @p0 $0x1  }
0x13: {  	[smem:$0x3FB8] =	sst s0;
	s0 =	simm.s32 @!p1 $0x0  }
0x14: {  	s2 =	sld [smem:$0x3F9C];
	s0 =	simm.s32 @p1 $0x1  }
0x15: {  	[smem:$0x3FB9] =	sst s0;
	s0 =	simm.s32 @!p2 $0x0  }
0x16: {  	s3 =	sld [smem:$0x3FDB];
	s0 =	simm.s32 @p2 $0x1  }
0x17: {  	s4 =	simm.s32 $0x1BF5;
	[smem:$0x3FBB] =	sst s0  }
0x18: {  	s0 =	sld [smem:$0x3F9E];
	_ =	swait.ge [sflag:s4], $0x0  }
0x19: {  	s7 =	sld [smem:$0x3F9F]  }
0x1a: {  	s8 =	sadd.s32 $0xFFFFE003, lr  }
0x1b: {  	s9 =	sadd.s32 $0xFFFFFEF7, lr;
	s5 =	simm.s32 $0xFFFFFFFF;
	p2 =	slt.u32 s8, $0xFFFFF086  }
0x1c: {  	p1 =	slt.u32 s9, $0xF7A;
	s5 =	simm.s32 @!p2 $0x0  }
0x1d: {  	s5 =	simm.s32 @p1 $0x1;
	p0 =	seq.s32 s7, s2  }
0x1e: {  	s7 =	smul.u32 @!p0 $0xF7A, s2;
	p2 =	seq.s32 @!p0 s5, $0x0  }
0x1f: {  	s9 =	smul.u32 $0xF7A, s1;
	s8 =	simm.s32 @!p0 $0x1BF5;
	p2 =	por !p2, p0  }
0x20: {  	[sflag:s8] =	ssyncset.s32 @!p0 $0xFFFFF086;
	s6 =	sadd.s32 @!p0 s3, s7;
	s7 =	simm.s32 @!p0 $0x108  }
0x21: {  	s3 =	sadd.s32 s3, s9;
	s6 =	sadd.s32 @!p0 $0x88, s6;
	s7 =	simm.s32 @p2 $0x1082  }
0x22: {  	[simem:s7], [sflag:s8] =	dma.local @!p0 [hbm:s6], $0xF7A  }
0x23: {  	s9 =	sor.u32 $0xD0000000, s2;
	s6 =	simm.s32 $0x108;
	_ =	swait.ge @!p0 [sflag:s8], $0x0  }
0x24: {  	s3 =	sadd.s32 $0x88, s3;
	s6 =	simm.s32 @!p1 $0x1082;
	[sflag:s4] =	ssyncset.s32 $0xFFFFF086  }
0x25: {  	[simem:s6], [sflag:s4] =	dma.local [hbm:s3], $0xF7A  }
0x26: {  	[smem:$0x3F9F] =	sst s1;
	(tag) =	ssettag s2;
	_ =	strace s9  }
0x27: {  	s1 =	sld [smem:$0x3FAF]  }
0x28: {  	s2 =	sld [smem:$0x3FB0]  }
0x29: {  	s4 =	sld [smem:$0x3FB2]  }
0x2a: {  	p0 =	seq.s32 s5, $0x0;
	s5 =	sld [smem:$0x3FB3]  }
0x2b: {  	s6 =	sld [smem:$0x3FB4]  }
0x2c: {  	s7 =	sld [smem:$0x3FB5]  }
0x2d: {  	s3 =	simm.s32 $0x108;
	s8 =	sld [smem:$0x3FB6]  }
0x2e: {  	s3 =	simm.s32 @!p0 $0x1082;
	s9 =	sld [smem:$0x3FB7]  }
0x2f: {  	lr =	sadd.s32 s0, s3;
	s0 =	sld [smem:$0x3FAE]  }
0x30: {  	s3 =	sld [smem:$0x3FB1]  }
0x31: {  	[smem:$0x3FBA] =	sst s10  }
0x32: {  	s10 =	sld [smem:$0x3FB8];
	_ =	sdelay $0x3  }
0x33: {  	p0 =	seq.s32 s10, $0x1;
	s10 =	sld [smem:$0x3FBA];
	_ =	sdelay $0x3  }
0x34: {  	[smem:$0x3FBA] =	sst s10  }
0x35: {  	s10 =	sld [smem:$0x3FB9];
	_ =	sdelay $0x3  }
0x36: {  	p1 =	seq.s32 s10, $0x1;
	s10 =	sld [smem:$0x3FBA];
	_ =	sdelay $0x3  }
0x37: {  	[smem:$0x3FBA] =	sst s10  }
0x38: {  	s10 =	sld [smem:$0x3FBB]  }
0x39: {  	_ = 	snop;
	(pc) =	sbr.ind lr, $3  }
0x3a: {  	_ = 	snop  }
0x3b: {  	_ = 	snop  }
0x3c: {  	p2 =	seq.s32 s10, $0x1;
	s10 =	sld [smem:$0x3FBA]  }
0x3d: {  	_ =	shalt  }
0x3e: {  	_ =	shalt  }
0x3f: {  	_ =	shalt  }
0x40: {  	_ =	shalt  }
0x41: {  	_ =	shalt  }
0x42: {  	_ =	shalt  }
0x43: {  	_ =	shalt  }
0x44: {  	_ =	shalt  }
0x45: {  	_ =	shalt  }
0x46: {  	_ =	shalt  }
0x47: {  	_ =	shalt  }
0x48: {  	_ =	shalt  }
0x49: {  	_ =	shalt  }
0x4a: {  	_ =	shalt  }
0x4b: {  	_ =	shalt  }
0x4c: {  	_ =	shalt  }
0x4d: {  	_ =	shalt  }
0x4e: {  	_ =	shalt  }
0x4f: {  	_ =	shalt  }
0x50: {  	_ =	shalt  }
0x51: {  	_ =	shalt  }
0x52: {  	_ =	shalt  }
0x53: {  	_ =	shalt  }
0x54: {  	_ =	shalt  }
0x55: {  	_ =	shalt  }
0x56: {  	_ =	shalt  }
0x57: {  	_ =	shalt  }
0x58: {  	_ =	shalt  }
0x59: {  	_ =	shalt  }
0x5a: {  	_ =	shalt  }
0x5b: {  	_ =	shalt  }
0x5c: {  	_ =	shalt  }
0x5d: {  	_ =	shalt  }
0x5e: {  	_ =	shalt  }
0x5f: {  	_ =	shalt  }
0x60: {  	_ =	shalt  }
0x61: {  	_ =	shalt  }
0x62: {  	_ =	shalt  }
0x63: {  	_ =	shalt  }
0x64: {  	_ =	shalt  }
0x65: {  	_ =	shalt  }
0x66: {  	_ =	shalt  }
0x67: {  	_ =	shalt  }
0x68: {  	_ =	shalt  }
0x69: {  	_ =	shalt  }
0x6a: {  	_ =	shalt  }
0x6b: {  	_ =	shalt  }
0x6c: {  	_ =	shalt  }
0x6d: {  	_ =	shalt  }
0x6e: {  	_ =	shalt  }
0x6f: {  	_ =	shalt  }
0x70: {  	_ =	shalt  }
0x71: {  	_ =	shalt  }
0x72: {  	_ =	shalt  }
0x73: {  	_ =	shalt  }
0x74: {  	_ =	shalt  }
0x75: {  	_ =	shalt  }
0x76: {  	_ =	shalt  }
0x77: {  	_ =	shalt  }
0x78: {  	_ =	shalt  }
0x79: {  	_ =	shalt  }
0x7a: {  	_ =	shalt  }
0x7b: {  	_ =	shalt  }
0x7c: {  	_ =	shalt  }
0x7d: {  	_ =	shalt  }
0x7e: {  	_ =	shalt  }
0x7f: {  	_ =	shalt  }
0x80: {  	_ =	shalt  }
0x81: {  	_ =	shalt  }
0x82: {  	_ =	shalt  }
0x83: {  	_ =	shalt  }
0x84: {  	_ =	shalt  }
0x85: {  	_ =	shalt  }
0x86: {  	_ =	shalt  }
0x87: {  	_ =	shalt  }
.Lfunc_end0:
.L_simem_size_0:
called_computation.1_lowered:
.L_overlay_start_0:
0x88: {  	s2 =	sld [smem:$0x3FD9]  }
0x89: {  	s3 =	sld [smem:$0x3FFE];
	_ =	sdelay $0x1  }
0x8a: {  	s1 =	srdreg.scid  }
0x8b: {  	s0 =	sand.u32 $0x1, s1  }
0x8c: {  	s17 =	sshll.u32 s0, $0xA;
	s2 =	sadd.s32 s3, s2  }
0x8d: {  	s2 =	sadd.s32 s2, s17  }
0x8e: {  	[smem:$0x3FC6] =	sst s2  }
0x8f: {  	_ = 	snop  }
0x90: {  	s2 =	sld [smem:$0x3FC9]  }
0x91: {  	s18 =	sld [smem:$0x3FD0];
	(tm) =	ssettm $0x1  }
0x92: {  	s4 =	sld [smem:$0x3FFB];
	_ =	sdelay $0x3  }
0x93: {  	_ =	strace s4  }
0x94: {  	s4 =	sld [smem:$0x3FFC];
	_ =	sdelay $0x3  }
0x95: {  	_ =	strace s4  }
0x96: {  	s4 =	sld [smem:$0x3FFD];
	_ =	sdelay $0x3  }
0x97: {  	_ =	strace s4  }
0x98: {  	_ =	strace $0x8FFFFFFF  }
0x99: {  	s19 =	sld [smem:$0x3FDB];
	_ =	sdelay $0x1  }
0x9a: {  	s5 =	simm.s32 $_scs_section_size  }
0x9b: {  	s6 =	simm.s32 $_size__tile_overlayer_lowered;
	s7 =	simm.s32 $_tile_overlayer_lowered  }
0x9c: {  	s22 =	simm.s32 $0x1BFF;
	s21 =	sshll.u32 s7, $0x1;
	s4 =	sadd.s32 s5, s19  }
0x9d: {  	s8 =	simm.s32 $0x0;
	s20 =	sshll.u32 s6, $0x1;
	s6 =	sadd.s32 s21, s4  }
0x9e: {  	[timem:s8], [sflag:s22] =	dma.local [hbm:s6], s20  }
0x9f: {  	_ =	swait.ge [sflag:s22], s20  }
0xa0: {  	s5 =	ssub.s32 $0x0, s20;
	[sflag:s22] =	ssyncset.done $0x0  }
0xa1: {  	[sflag:s22] =	ssyncadd.s32 s5;
	_ =	sdelay $0x1  }
0xa2: {  	s23 =	simm.s32 $0x1B8B  }
0xa3: {  	_ =	swait.ge [sflag:s23], $0x1  }
0xa4: {  	[sflag:s23] =	ssyncset.done $0x0  }
0xa5: {  	s25 =	simm.s32 $0x1B8E;
	s24 =	sld [smem:$0x3FFE];
	[sflag:s23] =	ssyncadd.s32 $0xFFFFFFFF  }
0xa6: {  	s26 =	simm.s32 $execute0_lowered;
	[smem:$0x3FD2] =	sst s25  }
0xa7: {  	s6 =	sshll.u32 s26, $0x1;
	_ =	strace $0x80000046;
	[dreg:$0x1] =	wrdreg $0xFFFFFFFF  }
0xa8: {  	s28 =	simm.s32 $_size_execute0_lowered;
	s4 =	sadd.s32 s4, s6;
	[dreg:$0x0] =	wrdreg $0x0  }
0xa9: {  	s6 =	sshll.u32 s28, $0x1;
	[dreg:$0x2] =	wrdreg s4  }
0xaa: {  	[dreg:$0x3] =	wrdreg s6  }
0xab: {  	[dreg:$0x4] =	wrdreg $0xC0  }
0xac: {  	_ =	task [dreg:s8], $0x5FFFF  }
0xad: {  	[dreg:$0x1] =	wrdreg $0xFFFFFFFF  }
0xae: {  	[dreg:$0x0] =	wrdreg $0x60  }
0xaf: {  	[dreg:$0x2] =	wrdreg s2  }
0xb0: {  	[dreg:$0x3] =	wrdreg s24  }
0xb1: {  	[dreg:$0x4] =	wrdreg s18  }
0xb2: {  	[dreg:$0x5] =	wrdreg $0x9  }
0xb3: {  	_ =	task.clear_ibuf [dreg:s8], $0x6FFFF;
	_ =	strace $0x90000046  }
0xb4: {  	s29 =	simm.s32 $0x9;
	_ =	strace $0x80000048  }
0xb5: {  	_ =	swait.ge [sflag:s29], $0x1  }
0xb6: {  	[sflag:s29] =	ssyncadd.s32 $0xFFFFFFFF  }
0xb7: {  	_ =	strace $0x90000048  }
0xb8: {  	_ =	sfence  }
0xb9: {  	s30 =	sld [smem:$0x0];
	_ =	sdelay $0x2  }
0xba: {  	s31 =	sshll.u32 s1, $0xD;
	s1 =	sshrl.u32 s1, $0x2  }
0xbb: {  	s3 =	sand.u32 $0x4000, s31;
	s1 =	sadd.s32 s1, s30  }
0xbc: {  	s0 =	sor.u32 s3, s0;
	s1 =	sshll.u32 s1, $0x11  }
0xbd: {  	s0 =	sor.u32 s1, s0  }
0xbe: {  	s0 =	sadd.s32 $0x8F2B, s0  }
0xbf: {  	[sflag:s0] =	ssyncadd.remote.s32 $0x1  }
0xc0: {  	_ =	sfence.sel $0xFFFF  }
0xc1: {  	[dreg:$0x0] =	wrdreg $0xFFFFFFFF;
	(pc) =	sbr.abs _section_cstart, $3  }
0xc2: {  	[dreg:$0x1] =	wrdreg $0xFFFFFFFF  }
0xc3: {  	_ =	task.clear_ibuf [dreg:s8], $0x2FFFF;
	_ =	strace $0x9FFFFFFF  }
0xc4: {  	(tm) =	ssettm $0x7FFFFFFF  }
0xc5: {  	_ =	shalt  }
tec
execute0_lowered:
.L_overlay_start_1:
0x0: {  	(tag) =	ssettag $0x1  }
0x1: {  	s3 =	stileid.u32  }
0x2: {  	s7 =	smul.u32 $0x320, s3  }
0x3: {  	s9 =	smul.u32 $0x64, s3  }
0x4: {  	s11 =	smul.u32 $0xC8, s3  }
0x5: {  	s0 =	srdreg.scid;
	s12 =	smul.u32 $0x1900, s3  }
0x6: {  	s2 =	rddreg [dreg:$0x0];
	s0 =	sand.u32 $0x1, s0;
	s23 =	smul.u32 $0xC800, s3  }
0x7: {  	s4 =	rddreg [dreg:$0x1];
	s8 =	simm.s32 $0x0;
	s18 =	smul.u32 $0x190, s0  }
0x8: {  	s15 =	simm.s32 $0x400;
	s16 =	simm.s32 $0x5;
	s10 =	smul.u32 $0x32, s0  }
0x9: {  	s28 =	simm.s32 $0xC400;
	s29 =	simm.s32 $0x380;
	s19 =	smul.u32 $0x64, s0  }
0xa: {  	s30 =	simm.s32 $0xE400;
	s1 =	sshll.u32 s3, $0x1;
	s21 =	smul.u32 $0xC80, s0  }
0xb: {  	s1 =	sor.u32 s0, s1;
	s20 =	ssub.s32 $0x2, s0;
	s0 =	smul.u32 $0x6400, s0  }
0xc: {  	s31 =	simm.s32 $0x1;
	[smem:$0x7FF] =	sst s8;
	s5 =	smul.u32 $0x6400, s1  }
0xd: {  	_ =	strace $0x80000047;
	s6 =	smul.u32 $0x320, s1;
	s1 =	sshll.u32 s1, $0xD  }
0xe: {  	s13 =	sshrl.u32 s20, $0x1;
	s1 =	sand.u32 $0x6000, s1;
	s25 =	sadd.s32 s18, s7  }
0xf: {  	s26 =	sadd.s32 s10, s9;
	s11 =	sadd.s32 s19, s11;
	s0 =	sadd.s32 s0, s23  }
0x10: {  	s19 =	simm.s32 $0x4400;
	s23 =	simm.s32 $0x8400;
	[dreg:$0x7] =	wrdreg s25  }
0x11: {  	s18 =	simm.s32 $0x2;
	s5 =	sand.u32 $0xF8000, s5;
	[dreg:$0x8] =	wrdreg s26  }
0x12: {  	s6 =	sand.u32 $0x380, s6;
	[dreg:$0xa] =	wrdreg s0;
	s25 =	simm.s32 $0xA400  }
0x13: {  	s26 =	simm.s32 $0x300;
	s0 =	simm.s32 $0x3200;
	s1 =	sor.u32 s1, s5  }
0x14: {  	s5 =	sadd.s32 $0xF42C00, s4;
	s4 =	simm.s32 $0x4;
	s1 =	sor.u32 s6, s1  }
0x15: {  	s6 =	ssub.s32 s20, s13;
	s20 =	simm.s32 $0x3;
	s1 =	sshrl.u32 s1, $0x3  }
.Ltmp0:
0x16: {  	s24 =	smax.u32 s6, $0x1;
	s6 =	simm.s32 $0x0;
	(pc) =	sbr.rel .LBB2_1-.Ltmp0, $4  }
0x17: {  	s14 =	sadd.s32 s2, s1;
	[dreg:$0x6] =	wrdreg s24;
	s1 =	sadd.s32 s21, s12  }
0x18: {  	s21 =	simm.s32 $0x6400;
	s24 =	simm.s32 $0x280;
	[dreg:$0x4] =	wrdreg s14  }
0x19: {  	s22 =	sadd.s32 $0x200, s14;
	[dreg:$0x9] =	wrdreg s1;
	s14 =	simm.s32 $0x80  }
0x1a: {  	s1 =	simm.s32 $0x40;
	[dreg:$0x5] =	wrdreg s22;
	s22 =	simm.s32 $0x200  }
.LBB2_4:
0x1b: {  	s6 =	rddreg [dreg:$0xb]  }
0x1c: {  	s3 =	rddreg [dreg:$0x6];
	s6 =	sadd.s32 $0x1, s6  }
0x1d: {  	p0 =	sne.s32 s6, s3  }
.Ltmp1:
0x1e: {  	_ = 	snop;
	(pc) =	sbr.rel @!p0 .LBB2_5-.Ltmp1, $1  }
0x1f: {  	_ =	sdelay $0x3  }
.LBB2_1:
0x20: {  	[dreg:$0xb] =	wrdreg s6  }
0x21: {  	s3 =	simm.s32 $0x0;
	s9 =	rddreg [dreg:$0x4]  }
0x22: {  	[tilespmem:s3], [sflag:$0x5] =	stream.strided.gather [hbm4b:s9+s14], $0x200, s15, s14, $0x38;
	[tilespmem:$0x10400] =	vst v63  }
0x23: {  	_ =	swait.ge [sflag:s16], $0x200  }
0x24: {  	[sflag:s16] =	ssyncset.done $0x0  }
0x25: {  	[sflag:s16] =	ssyncadd.s32 $0xFFFFFE00  }
0x26: {  	[tilespmem:s15], [sflag:$0x1] =	stream.indirect.gather [hbm4b:s5+s14], $0x40, s3, s14, $0xb8;
	[tilespmem:$0x10400] =	vst v63  }
0x27: {  	s10 =	simm.s32 $0x2400  }
0x28: {  	[tilespmem:s10], [sflag:$0x1] =	stream.indirect.gather [hbm4b:s5+s14], $0x40, s14, s14, $0xb8;
	[tilespmem:$0x10400] =	vst v63  }
0x29: {  	s12 =	simm.s32 $0x100  }
0x2a: {  	[tilespmem:s19], [sflag:$0x1] =	stream.indirect.gather [hbm4b:s5+s14], $0x40, s12, s14, $0xb8;
	[tilespmem:$0x10400] =	vst v63  }
0x2b: {  	s13 =	simm.s32 $0x180  }
0x2c: {  	[tilespmem:s21], [sflag:$0x1] =	stream.indirect.gather [hbm4b:s5+s14], $0x40, s13, s14, $0xb8;
	[tilespmem:$0x10400] =	vst v63  }
0x2d: {  	s17 =	rddreg [dreg:$0x5]  }
0x2e: {  	[tilespmem:s22], [sflag:$0x5] =	stream.strided.gather [hbm4b:s17+s14], $0x200, s15, s14, $0x38;
	[tilespmem:$0x10400] =	vst v63  }
0x2f: {  	_ =	swait.ge [sflag:s16], $0x200  }
0x30: {  	[sflag:s16] =	ssyncset.done $0x0  }
0x31: {  	s13 =	rddreg [dreg:$0xa];
	[sflag:s16] =	ssyncadd.s32 $0xFFFFFE00  }
0x32: {  	[tilespmem:s23], [sflag:$0x2] =	stream.indirect.gather [hbm4b:s5+s14], $0x40, s22, s14, $0xb8;
	[tilespmem:$0x10400] =	vst v63  }
0x33: {  	s12 =	rddreg [dreg:$0x9]  }
0x34: {  	[tilespmem:s25], [sflag:$0x2] =	stream.indirect.gather [hbm4b:s5+s14], $0x40, s24, s14, $0xb8;
	[tilespmem:$0x10400] =	vst v63  }
0x35: {  	s10 =	rddreg [dreg:$0x8]  }
0x36: {  	[tilespmem:s28], [sflag:$0x2] =	stream.indirect.gather [hbm4b:s5+s14], $0x40, s26, s14, $0xb8;
	[tilespmem:$0x10400] =	vst v63  }
0x37: {  	s9 =	simm.s32 $0x0;
	s6 =	rddreg [dreg:$0x7]  }
0x38: {  	[tilespmem:s30], [sflag:$0x2] =	stream.indirect.gather [hbm4b:s5+s14], $0x40, s29, s14, $0xb8;
	[tilespmem:$0x10400] =	vst v63  }
.LBB2_2:
0x39: {  	_ =	swait.ge [sflag:s31], $0x2000  }
0x3a: {  	[sflag:s31] =	ssyncset.done $0x0  }
0x3b: {  	[sflag:s31] =	ssyncadd.s32 $0xFFFFE000  }
0x3c: {  	_ =	swait.ge [sflag:s31], $0x2000  }
0x3d: {  	[sflag:s31] =	ssyncset.done $0x0  }
0x3e: {  	[sflag:s31] =	ssyncadd.s32 $0xFFFFE000  }
0x3f: {  	_ =	swait.ge [sflag:s31], $0x2000  }
0x40: {  	[sflag:s31] =	ssyncset.done $0x0  }
0x41: {  	s8 =	sand.u32 $0x6, s10;
	[sflag:s31] =	ssyncadd.s32 $0xFFFFE000  }
0x42: {  	s8 =	smul.u32 $0x640000, s8;
	_ =	swait.ge [sflag:s31], $0x2000  }
0x43: {  	s7 =	sand.u32 $0x7FFFFFC0, s6;
	[sflag:s31] =	ssyncset.done $0x0  }
0x44: {  	s7 =	sadd.s32 s7, s8;
	[sflag:s31] =	ssyncadd.s32 $0xFFFFE000  }
0x45: {  	s7 =	sshrl.u32 s7, $0x3;
	s3 =	rddreg [dreg:$0x2]  }
0x46: {  	s7 =	sadd.s32 s3, s7  }
0x47: {  	[hbm4b:s7+s1] =	stream.strided.scatter [tilespmem:s15], [sflag:$0x3], $0x2000, s0, s1, $0x38;
	[tilespmem:$0x10400] =	vst v63  }
0x48: {  	s17 =	simm.s32 $0x2400;
	s3 =	sadd.s32 $0x32000, s7  }
0x49: {  	[hbm4b:s3+s1] =	stream.strided.scatter [tilespmem:s17], [sflag:$0x3], $0x2000, s0, s1, $0x38;
	[tilespmem:$0x10400] =	vst v63  }
0x4a: {  	s17 =	sadd.s32 $0x64000, s7  }
0x4b: {  	[hbm4b:s17+s1] =	stream.strided.scatter [tilespmem:s19], [sflag:$0x3], $0x2000, s0, s1, $0x38;
	[tilespmem:$0x10400] =	vst v63  }
0x4c: {  	s3 =	sadd.s32 $0x96000, s7  }
0x4d: {  	[hbm4b:s3+s1] =	stream.strided.scatter [tilespmem:s21], [sflag:$0x3], $0x2000, s0, s1, $0x38;
	[tilespmem:$0x10400] =	vst v63  }
0x4e: {  	_ =	swait.ge [sflag:s18], $0x2000  }
0x4f: {  	[sflag:s18] =	ssyncset.done $0x0  }
0x50: {  	[sflag:s18] =	ssyncadd.s32 $0xFFFFE000  }
0x51: {  	_ =	swait.ge [sflag:s18], $0x2000  }
0x52: {  	[sflag:s18] =	ssyncset.done $0x0  }
0x53: {  	[sflag:s18] =	ssyncadd.s32 $0xFFFFE000  }
0x54: {  	_ =	swait.ge [sflag:s18], $0x2000  }
0x55: {  	[sflag:s18] =	ssyncset.done $0x0  }
0x56: {  	[sflag:s18] =	ssyncadd.s32 $0xFFFFE000  }
0x57: {  	_ =	swait.ge [sflag:s18], $0x2000  }
0x58: {  	[sflag:s18] =	ssyncset.done $0x0  }
0x59: {  	s17 =	sadd.s32 $0xC8000, s7;
	[sflag:s18] =	ssyncadd.s32 $0xFFFFE000  }
0x5a: {  	[hbm4b:s17+s1] =	stream.strided.scatter [tilespmem:s23], [sflag:$0x4], $0x2000, s0, s1, $0x38;
	[tilespmem:$0x10400] =	vst v63  }
0x5b: {  	s3 =	sadd.s32 $0xFA000, s7  }
0x5c: {  	[hbm4b:s3+s1] =	stream.strided.scatter [tilespmem:s25], [sflag:$0x4], $0x2000, s0, s1, $0x38;
	[tilespmem:$0x10400] =	vst v63  }
0x5d: {  	s17 =	sadd.s32 $0x12C000, s7  }
0x5e: {  	[hbm4b:s17+s1] =	stream.strided.scatter [tilespmem:s28], [sflag:$0x4], $0x2000, s0, s1, $0x38;
	[tilespmem:$0x10400] =	vst v63  }
0x5f: {  	s7 =	sadd.s32 $0x15E000, s7  }
0x60: {  	[hbm4b:s7+s1] =	stream.strided.scatter [tilespmem:s30], [sflag:$0x4], $0x2000, s0, s1, $0x38;
	[tilespmem:$0x10400] =	vst v63  }
0x61: {  	_ =	swait.ge [sflag:s20], $0x2000  }
0x62: {  	[sflag:s20] =	ssyncset.done $0x0  }
0x63: {  	[sflag:s20] =	ssyncadd.s32 $0xFFFFE000  }
0x64: {  	_ =	swait.ge [sflag:s20], $0x2000  }
0x65: {  	p0 =	seq.s32 s9, $0x60;
	[sflag:s20] =	ssyncset.done $0x0  }
0x66: {  	s8 =	sadd.s32 @!p0 $0x80, s12;
	[sflag:s20] =	ssyncadd.s32 $0xFFFFE000  }
0x67: {  	s8 =	sand.u32 @!p0 $0xFFFF000, s8;
	s3 =	sadd.s32 @!p0 $0x400, s13;
	_ =	swait.ge [sflag:s20], $0x2000  }
0x68: {  	s3 =	sand.u32 @!p0 $0xC00, s3;
	s7 =	sadd.s32 @!p0 s9, s11;
	[sflag:s20] =	ssyncset.done $0x0  }
0x69: {  	s3 =	sor.u32 @!p0 s3, s8;
	s7 =	sadd.s32 @!p0 $0x4, s7;
	[sflag:s20] =	ssyncadd.s32 $0xFFFFE000  }
0x6a: {  	s8 =	simm.s32 @!p0 $0x400;
	s7 =	sand.u32 @!p0 $0x70, s7;
	_ =	swait.ge [sflag:s20], $0x2000  }
0x6b: {  	s17 =	simm.s32 @!p0 $0x0;
	s7 =	sadd.s32 @!p0 s2, s7;
	[sflag:s20] =	ssyncset.done $0x0  }
0x6c: {  	s3 =	sadd.s32 @!p0 s3, s7;
	s7 =	simm.s32 @!p0 $0x80;
	[sflag:s20] =	ssyncadd.s32 $0xFFFFE000  }
0x6d: {  	[tilespmem:s17], [sflag:$0x5] =	stream.strided.gather @!p0 [hbm4b:s3+s7], $0x200, s8, s7, $0x38;
	[tilespmem:$0x10400] =	vst v63  }
0x6e: {  	s3 =	simm.s32 @!p0 $0x5  }
0x6f: {  	_ =	swait.ge @!p0 [sflag:s3], $0x200  }
0x70: {  	[sflag:s3] =	ssyncset.done @!p0 $0x0  }
0x71: {  	[sflag:s3] =	ssyncadd.s32 @!p0 $0xFFFFFE00  }
0x72: {  	[tilespmem:s8], [sflag:$0x1] =	stream.indirect.gather @!p0 [hbm4b:s5+s7], $0x40, s17, s7, $0xb8;
	[tilespmem:$0x10400] =	vst v63  }
0x73: {  	s3 =	simm.s32 @!p0 $0x2400  }
0x74: {  	[tilespmem:s3], [sflag:$0x1] =	stream.indirect.gather @!p0 [hbm4b:s5+s7], $0x40, s7, s7, $0xb8;
	[tilespmem:$0x10400] =	vst v63  }
0x75: {  	s8 =	simm.s32 @!p0 $0x4400;
	s3 =	simm.s32 @!p0 $0x100  }
0x76: {  	[tilespmem:s8], [sflag:$0x1] =	stream.indirect.gather @!p0 [hbm4b:s5+s7], $0x40, s3, s7, $0xb8;
	[tilespmem:$0x10400] =	vst v63  }
0x77: {  	s3 =	simm.s32 @!p0 $0x180;
	s8 =	simm.s32 @!p0 $0x6400  }
0x78: {  	[tilespmem:s8], [sflag:$0x1] =	stream.indirect.gather @!p0 [hbm4b:s5+s7], $0x40, s3, s7, $0xb8;
	[tilespmem:$0x10400] =	vst v63  }
0x79: {  	_ =	swait.ge [sflag:s4], $0x2000  }
0x7a: {  	[sflag:s4] =	ssyncset.done $0x0  }
0x7b: {  	[sflag:s4] =	ssyncadd.s32 $0xFFFFE000  }
0x7c: {  	_ =	swait.ge [sflag:s4], $0x2000  }
0x7d: {  	[sflag:s4] =	ssyncset.done $0x0  }
0x7e: {  	[sflag:s4] =	ssyncadd.s32 $0xFFFFE000  }
0x7f: {  	_ =	swait.ge [sflag:s4], $0x2000  }
.Ltmp2:
0x80: {  	[sflag:s4] =	ssyncset.done $0x0;
	(pc) =	sbr.rel @p0 .LBB2_4-.Ltmp2, $4  }
0x81: {  	[sflag:s4] =	ssyncadd.s32 $0xFFFFE000  }
0x82: {  	_ =	swait.ge [sflag:s4], $0x2000  }
0x83: {  	[sflag:s4] =	ssyncset.done $0x0  }
0x84: {  	[sflag:s4] =	ssyncadd.s32 $0xFFFFE000  }
0x85: {  	s3 =	sadd.s32 s9, s11  }
0x86: {  	s7 =	sadd.s32 $0xC0, s12;
	s8 =	sadd.s32 $0x600, s13;
	s3 =	sadd.s32 $0x6, s3  }
0x87: {  	s7 =	sand.u32 $0xFFFF000, s7;
	s8 =	sand.u32 $0xE00, s8;
	s3 =	sand.u32 $0x70, s3  }
0x88: {  	s7 =	sor.u32 s8, s7;
	s3 =	sadd.s32 s2, s3  }
0x89: {  	s3 =	sadd.s32 s7, s3  }
0x8a: {  	[tilespmem:s22], [sflag:$0x5] =	stream.strided.gather [hbm4b:s3+s14], $0x200, s15, s14, $0x38;
	[tilespmem:$0x10400] =	vst v63  }
0x8b: {  	_ =	swait.ge [sflag:s16], $0x200  }
0x8c: {  	[sflag:s16] =	ssyncset.done $0x0  }
0x8d: {  	[sflag:s16] =	ssyncadd.s32 $0xFFFFFE00  }
0x8e: {  	[tilespmem:s23], [sflag:$0x2] =	stream.indirect.gather [hbm4b:s5+s14], $0x40, s22, s14, $0xb8;
	[tilespmem:$0x10400] =	vst v63  }
0x8f: {  	_ = 	snop  }
0x90: {  	[tilespmem:s25], [sflag:$0x2] =	stream.indirect.gather [hbm4b:s5+s14], $0x40, s24, s14, $0xb8;
	[tilespmem:$0x10400] =	vst v63  }
.Ltmp3:
0x91: {  	_ = 	snop;
	(pc) =	sbr.rel .LBB2_2-.Ltmp3, $4  }
0x92: {  	s6 =	sadd.s32 $0x10, s6;
	s10 =	sadd.s32 $0x2, s10  }
0x93: {  	[tilespmem:s28], [sflag:$0x2] =	stream.indirect.gather [hbm4b:s5+s14], $0x40, s26, s14, $0xb8;
	[tilespmem:$0x10400] =	vst v63  }
0x94: {  	s9 =	sadd.s32 $0x4, s9;
	s12 =	sadd.s32 $0x80, s12;
	s13 =	sadd.s32 $0x400, s13  }
0x95: {  	[tilespmem:s30], [sflag:$0x2] =	stream.indirect.gather [hbm4b:s5+s14], $0x40, s29, s14, $0xb8;
	[tilespmem:$0x10400] =	vst v63  }
.LBB2_5:
0x96: {  	_ =	sfence.sel $0x180000  }
0x97: {  	[bflag:$0x0] =	sbarrier.arrive $0xFFFF  }
0x98: {  	_ =	strace $0x90000047  }
0x99: {  	s0 =	stileid.u32;
	[bflag:$0x2] =	sbarrier.arrive $0xFFFF  }
0x9a: {  	p0 =	sne.s32 s0, $0x0;
	s0 =	rddreg [dreg:$0x3]  }
0x9b: {  	s0 =	sadd.s32 @!p0 $0x100000, s0  }
0x9c: {  	[sflag:s0] =	ssyncadd.tile.s32 @!p0 $0x1;
	_ =	shalt  }
.Lfunc_end2:
_tile_overlayer_lowered:
.L_overlay_start_2:
0x9d: {  	(tag) =	ssettag $0x2  }
0x9e: {  	s0 =	rddreg [dreg:$0x0];
	s2 =	stileid.u32  }
0x9f: {  	s1 =	rddreg [dreg:$0x1];
	p0 =	sne.s32 s2, $0x0  }
0xa0: {  	s3 =	rddreg [dreg:$0x2];
	[bflag:$0x3] =	sbarrier.arrive $0xFFFF;
	s2 =	simm.s32 @!p0 $0x1C05  }
0xa1: {  	[timem:s3], [sflag:s2] =	dma.local @!p0 [hbm:s0], s1  }
0xa2: {  	s0 =	simm.s32 @!p0 $0x5  }
0xa3: {  	_ =	swait.ge @!p0 [sflag:s0], s1  }
0xa4: {  	s1 =	ssub.s32 @!p0 $0x0, s1;
	[sflag:s0] =	ssyncset.done @!p0 $0x0  }
0xa5: {  	[sflag:s0] =	ssyncadd.s32 @!p0 s1  }
0xa6: {  	[bflag:$0x3] =	sbarrier.arrive $0xFFFF  }
0xa7: {  	_ =	shalt  }

// kernel: sparse-core-data-format-call.cloned.1.call-start
scs
called_computation_lowered:
.L_overlay_start_0:
0x0: {  	s2 =	sld [smem:$0x3FD9]  }
0x1: {  	s3 =	sld [smem:$0x3FFE];
	_ =	sdelay $0x1  }
0x2: {  	s1 =	srdreg.scid  }
0x3: {  	s0 =	sand.u32 $0x1, s1  }
0x4: {  	s18 =	sshll.u32 s0, $0xA;
	s2 =	sadd.s32 s3, s2  }
0x5: {  	s2 =	sadd.s32 s2, s18  }
0x6: {  	[smem:$0x3FC6] =	sst s2  }
0x7: {  	_ = 	snop  }
0x8: {  	s2 =	sld [smem:$0x3FD0];
	(tm) =	ssettm $0x1  }
0x9: {  	s19 =	sld [smem:$0x3FFB];
	_ =	sdelay $0x3  }
0xa: {  	_ =	strace s19  }
0xb: {  	s3 =	sld [smem:$0x3FFC];
	_ =	sdelay $0x3  }
0xc: {  	_ =	strace s3  }
0xd: {  	s3 =	sld [smem:$0x3FFD];
	_ =	sdelay $0x3  }
0xe: {  	_ =	strace s3  }
0xf: {  	_ =	strace $0x8FFFFFFF  }
0x10: {  	s20 =	sld [smem:$0x3FDB];
	_ =	sdelay $0x1  }
0x11: {  	s4 =	simm.s32 $_scs_section_size  }
0x12: {  	s5 =	simm.s32 $_size__tile_overlayer_lowered;
	s6 =	simm.s32 $_tile_overlayer_lowered  }
0x13: {  	s23 =	simm.s32 $0x1BFF;
	s22 =	sshll.u32 s6, $0x1;
	s3 =	sadd.s32 s4, s20  }
0x14: {  	s7 =	simm.s32 $0x0;
	s21 =	sshll.u32 s5, $0x1;
	s5 =	sadd.s32 s22, s3  }
0x15: {  	[timem:s7], [sflag:s23] =	dma.local [hbm:s5], s21  }
0x16: {  	_ =	swait.ge [sflag:s23], s21  }
0x17: {  	s4 =	ssub.s32 $0x0, s21;
	[sflag:s23] =	ssyncset.done $0x0  }
0x18: {  	[sflag:s23] =	ssyncadd.s32 s4;
	_ =	sdelay $0x1  }
0x19: {  	s24 =	simm.s32 $0x1B8B  }
0x1a: {  	_ =	swait.ge [sflag:s24], $0x1  }
0x1b: {  	[sflag:s24] =	ssyncset.done $0x0  }
0x1c: {  	s26 =	simm.s32 $0x1B8E;
	s25 =	sld [smem:$0x3FFE];
	[sflag:s24] =	ssyncadd.s32 $0xFFFFFFFF  }
0x1d: {  	s27 =	simm.s32 $execute0_lowered;
	[smem:$0x3FD2] =	sst s26  }
0x1e: {  	s5 =	sshll.u32 s27, $0x1;
	_ =	strace $0x80000049;
	[dreg:$0x1] =	wrdreg $0xFFFFFFFF  }
0x1f: {  	s28 =	simm.s32 $_size_execute0_lowered;
	s3 =	sadd.s32 s3, s5;
	[dreg:$0x0] =	wrdreg $0x0  }
0x20: {  	s5 =	sshll.u32 s28, $0x1;
	[dreg:$0x2] =	wrdreg s3  }
0x21: {  	[dreg:$0x3] =	wrdreg s5  }
0x22: {  	[dreg:$0x4] =	wrdreg $0xC0  }
0x23: {  	_ =	task [dreg:s7], $0x5FFFF  }
0x24: {  	[dreg:$0x1] =	wrdreg $0xFFFFFFFF  }
0x25: {  	[dreg:$0x0] =	wrdreg $0x60  }
0x26: {  	[dreg:$0x2] =	wrdreg s25  }
0x27: {  	[dreg:$0x3] =	wrdreg s2  }
0x28: {  	[dreg:$0x4] =	wrdreg $0x9  }
0x29: {  	_ =	task.clear_ibuf [dreg:s7], $0x5FFFF;
	_ =	strace $0x90000049  }
0x2a: {  	s29 =	simm.s32 $0x9;
	_ =	strace $0x8000004B  }
0x2b: {  	_ =	swait.ge [sflag:s29], $0x1  }
0x2c: {  	[sflag:s29] =	ssyncadd.s32 $0xFFFFFFFF  }
0x2d: {  	_ =	strace $0x9000004B  }
0x2e: {  	_ =	sfence  }
0x2f: {  	s30 =	sld [smem:$0x0];
	_ =	sdelay $0x2  }
0x30: {  	s31 =	sshll.u32 s1, $0xD;
	s1 =	sshrl.u32 s1, $0x2  }
0x31: {  	s3 =	sand.u32 $0x4000, s31;
	s1 =	sadd.s32 s1, s30  }
0x32: {  	s0 =	sor.u32 s3, s0;
	s1 =	sshll.u32 s1, $0x11  }
0x33: {  	s0 =	sor.u32 s1, s0  }
0x34: {  	s0 =	sadd.s32 $0x8F2B, s0  }
0x35: {  	[sflag:s0] =	ssyncadd.remote.s32 $0x1  }
0x36: {  	_ =	sfence.sel $0xFFFF  }
0x37: {  	[dreg:$0x0] =	wrdreg $0xFFFFFFFF;
	(pc) =	sbr.abs _section_cstart, $3  }
0x38: {  	[dreg:$0x1] =	wrdreg $0xFFFFFFFF  }
0x39: {  	_ =	task.clear_ibuf [dreg:s7], $0x2FFFF;
	_ =	strace $0x9FFFFFFF  }
0x3a: {  	(tm) =	ssettm $0x7FFFFFFF  }
0x3b: {  	_ =	shalt  }
tec
execute0_lowered:
.L_overlay_start_1:
0x0: {  	(tag) =	ssettag $0x1  }
0x1: {  	s0 =	srdreg.scid  }
0x2: {  	s1 =	sshll.u32 s0, $0x4  }
0x3: {  	s0 =	stileid.u32;
	s1 =	sand.u32 $0x10, s1  }
0x4: {  	s1 =	sor.u32 s0, s1  }
0x5: {  	s6 =	rddreg [dreg:$0x0];
	s4 =	simm.s32 $0x1;
	s2 =	sshll.u32 s1, $0x7  }
0x6: {  	s7 =	simm.s32 $0x2;
	s12 =	simm.s32 $0x0;
	s1 =	ssub.s32 $0x1000, s2  }
0x7: {  	s8 =	simm.s32 $0x8000;
	s13 =	simm.s32 $0x0;
	s3 =	sand.u32 $0xF80, s1  }
0x8: {  	s9 =	simm.s32 $0x0;
	s5 =	sshrl.u32 s1, $0xC;
	p0 =	sne.s32 s3, $0x0  }
.Ltmp0:
0x9: {  	s1 =	rddreg [dreg:$0x2];
	s4 =	simm.s32 @!p0 $0x0;
	(pc) =	sbr.rel .LBB1_1-.Ltmp0, $4  }
0xa: {  	s11 =	simm.s32 $0x0;
	s3 =	rddreg [dreg:$0x1];
	s5 =	sadd.s32 s4, s5  }
0xb: {  	_ =	strace $0x8000004A;
	s4 =	simm.s32 $0x1;
	s5 =	smul.u32 $0xC8, s5  }
0xc: {  	s6 =	sadd.s32 $0x800, s6;
	s10 =	smov.u32 s2;
	[sflag:s4] =	ssyncpa.u1 $0x0  }
0xd: {  	p0 =	por $0x0, $0x0;
	[sflag:s7] =	ssyncpa.u1 $0x0;
	s7 =	sor.u32 $0x1, s5  }
.LBB1_4:
0xe: {  	s16 =	sshll.u32 s13, $0x3;
	s17 =	sand.u32 $0x78, s13  }
0xf: {  	s30 =	sand.u32 $0x7E00, s13;
	s12 =	sshll.u32 s12, $0xF;
	s16 =	sand.u32 $0xC00, s16  }
0x10: {  	[tilespmem:s15+$0x810 ss:$0x81] =	vst.msk $0xffff, v2;
	s31 =	sand.u32 $0x7, s13;
	s16 =	sor.u32 s17, s16;
	s17 =	sadd.s32 s3, s30  }
0x11: {  	[tilespmem:s15+$0x1020 ss:$0x81] =	vst.msk $0xffff, v0;
	s13 =	sshll.u32 s31, $0x12;
	s12 =	sadd.s32 s12, s17;
	s16 =	sshrl.u32 s16, $0x3  }
0x12: {  	[tilespmem:s15+$0x0 ss:$0x81] =	vst.msk $0xffff, v1;
	s13 =	sor.u32 $0x400, s13;
	s12 =	sadd.s32 s16, s12  }
0x13: {  	[hbm4b:s12+s13] =	stream.strided.scatter [tilespmem:s14], [sflag:$0x2], $0x2000, s8, s13, $0x20;
	[tilespmem:$0x8080] =	vst v63  }
.LBB1_5:
0x14: {  	s14 =	sadd.s32 $0x1, s9  }
0x15: {  	s12 =	sadd.s32 $0x1000, s10;
	s16 =	smov.u32 s10;
	p2 =	sgt.s32 s14, $0xC7  }
0x16: {  	s16 =	smov.u32 @p2 s12  }
0x17: {  	s14 =	simm.s32 @p2 $0x0;
	p2 =	sgt.s32 s16, $0xFFF  }
0x18: {  	s16 =	smov.u32 @p2 s2;
	p2 =	sne.s32 s11, s7  }
.Ltmp1:
0x19: {  	p1 =	slt.u32 s11, $0x2;
	(pc) =	sbr.rel @!p2 .LBB1_6-.Ltmp1, $4  }
0x1a: {  	s15 =	simm.s32 @!p1 $0x2  }
0x1b: {  	s13 =	smov.u32 s10;
	p0 =	por !p0, !p0;
	_ =	swait.ge @!p1 [sflag:s15], $0x2000  }
0x1c: {  	s12 =	smov.u32 s9;
	[sflag:s15] =	ssyncset.done @!p1 $0x0;
	s9 =	smov.u32 s14  }
0x1d: {  	s11 =	sadd.s32 $0x1, s11;
	[sflag:s15] =	ssyncadd.s32 @!p1 $0xFFFFE000;
	s10 =	smov.u32 s16  }
.LBB1_1:
0x1e: {  	p1 =	sge.u32 s11, s5  }
0x1f: {  	s14 =	sand.u32 @!p1 $0x1FFFFFF, s9  }
0x20: {  	s15 =	smulhi.u32 @!p1 $0x147AE15, s14;
	_ =	sdelay $0x1  }
0x21: {  	s15 =	smul.u32 @!p1 $0xC8, s15  }
0x22: {  	s16 =	sxor.u32 @!p1 $0xFFFFFFFF, s11;
	s17 =	smul.u32 @!p1 $0xC80, s10  }
0x23: {  	s31 =	sadd.s32 $0xFFFFFFFF, s11;
	s16 =	sshll.u32 @!p1 s16, $0xD;
	s14 =	ssub.s32 @!p1 s14, s15  }
0x24: {  	s15 =	sand.u32 @!p1 $0x2000, s16;
	s16 =	sadd.s32 @!p1 s6, s17;
	s14 =	sshll.u32 @!p1 s14, $0x4  }
0x25: {  	s17 =	simm.s32 @!p1 $0x6400;
	s14 =	sadd.s32 @!p1 s14, s16;
	s16 =	simm.s32 @!p1 $0x40  }
0x26: {  	[tilespmem:s15], [sflag:$0x1] =	stream.strided.gather @!p1 [hbm4b:s14+s16], $0x2000, s17, s16, $0x38;
	[tilespmem:$0x8080] =	vst v63  }
0x27: {  	p1 =	sge.u32 s31, s5  }
.Ltmp2:
0x28: {  	_ = 	snop;
	(pc) =	sbr.rel @p1 .LBB1_5-.Ltmp2, $1  }
0x29: {  	_ =	sdelay $0x3  }
0x2a: {  	s14 =	simm.s32 $0x1  }
0x2b: {  	_ =	swait.ge [sflag:s4], $0x2000;
	s14 =	simm.s32 @!p0 $0x0  }
0x2c: {  	[sflag:s4] =	ssyncset.done $0x0;
	s15 =	sshll.u32 s14, $0xD  }
0x2d: {  	[sflag:s4] =	ssyncadd.s32 $0xFFFFE000;
	s18 =	sor.u32 $0x20, s15  }
0x2e: {  	s14 =	smul.u32 $0x8100, s14;
	v3 =	vld [tilespmem:s18+$0x10]  }
0x2f: {  	s30 =	sand.u32 $0x1, s11;
	v2 =	vld [tilespmem:s18+$0xFFFFFFF0]  }
0x30: {  	s15 =	smul.u32 $0x8100, s30;
	s14 =	sshrl.u32 s14, $0x2;
	v0 =	vld [tilespmem:s18+$0x0]  }
0x31: {  	v1 =	vld [tilespmem:s18+$0xFFFFFFE0];
	s16 =	sor.u32 $0x4000, s14  }
0x32: {  	s31 =	sshrl.u32 s15, $0x2;
	s15 =	sadd.s32 $0x0, s16  }
0x33: {  	s17 =	simm.s32 $0x4;
	s18 =	sadd.s32 $0x40, s18;
	s14 =	sor.u32 $0x4000, s31;
	[tilespmem:s15+$0x1830 ss:$0x81] =	vst.msk $0xffff, v3  }
.LBB1_3:
0x34: {  	v3 =	vld [tilespmem:s18+$0x10];
	p1 =	sne.s32 s17, $0x1FC;
	[tilespmem:s15+$0x810 ss:$0x81] =	vst.msk $0xffff, v2;
	s19 =	smov.u32 s17;
	s17 =	sadd.s32 $0x4, s17  }
.Ltmp3:
0x35: {  	v2 =	vld [tilespmem:s18+$0xFFFFFFF0];
	[tilespmem:s15+$0x1020 ss:$0x81] =	vst.msk $0xffff, v0;
	(pc) =	sbr.rel @p1 .LBB1_3-.Ltmp3, $4  }
0x36: {  	v0 =	vld [tilespmem:s18+$0x0];
	[tilespmem:s15+$0x0 ss:$0x81] =	vst.msk $0xffff, v1  }
0x37: {  	s15 =	sshra.s32 s19, $0x2;
	v1 =	vld [tilespmem:s18+$0xFFFFFFE0]  }
0x38: {  	s15 =	sadd.s32 s15, s16  }
0x39: {  	s18 =	sadd.s32 $0x40, s18;
	[tilespmem:s15+$0x1830 ss:$0x81] =	vst.msk $0xffff, v3  }
.Ltmp4:
0x3a: {  	_ = 	snop;
	(pc) =	sbr.rel .LBB1_4-.Ltmp4, $1  }
0x3b: {  	_ =	sdelay $0x3  }
.LBB1_6:
0x3c: {  	_ =	sfence.sel $0x180000  }
0x3d: {  	s2 =	simm.s32 $0x1;
	[bflag:$0x0] =	sbarrier.arrive $0xFFFF  }
0x3e: {  	s31 =	simm.s32 $0x2;
	[sflag:s2] =	ssyncpa.u1 $0x1  }
0x3f: {  	[sflag:s31] =	ssyncpa.u1 $0x1  }
0x40: {  	p0 =	sne.s32 s0, $0x0;
	_ =	strace $0x9000004A  }
0x41: {  	s0 =	sadd.s32 @!p0 $0x100000, s1;
	[bflag:$0x2] =	sbarrier.arrive $0xFFFF  }
0x42: {  	[sflag:s0] =	ssyncadd.tile.s32 @!p0 $0x1;
	_ =	shalt  }
.Lfunc_end1:
_tile_overlayer_lowered:
.L_overlay_start_2:
0x43: {  	(tag) =	ssettag $0x2  }
0x44: {  	s0 =	rddreg [dreg:$0x0];
	s2 =	stileid.u32  }
0x45: {  	s1 =	rddreg [dreg:$0x1];
	p0 =	sne.s32 s2, $0x0  }
0x46: {  	s3 =	rddreg [dreg:$0x2];
	[bflag:$0x3] =	sbarrier.arrive $0xFFFF;
	s2 =	simm.s32 @!p0 $0x1C01  }
0x47: {  	[timem:s3], [sflag:s2] =	dma.local @!p0 [hbm:s0], s1  }
0x48: {  	s0 =	simm.s32 @!p0 $0x1  }
0x49: {  	_ =	swait.ge @!p0 [sflag:s0], s1  }
0x4a: {  	s1 =	ssub.s32 @!p0 $0x0, s1;
	[sflag:s0] =	ssyncset.done @!p0 $0x0  }
0x4b: {  	[sflag:s0] =	ssyncadd.s32 @!p0 s1  }
0x4c: {  	[bflag:$0x3] =	sbarrier.arrive $0xFFFF  }
0x4d: {  	_ =	shalt  }

</sc_bundles>
